<compile_context>
chip_gen: v7x
topology: tpu7x:2x2x1
jax: 0.10.2.dev20260603
libtpu: 0.0.44.dev20260713+nightly
codegen_flags: <defaults>
</compile_context>

<pallas_src>
import functools

import jax
import jax.numpy as jnp
from jax import lax
from jax.experimental import pallas as pl
from jax.experimental.pallas import tpu as pltpu
from jax.experimental.pallas import tpu_sc as plsc

N_NODES = 10000
N_EDGES = 320000
D_FEAT = 128
D_PAD = 128
D_OUT = 64

NC = 2
NS = 16
LANES = 16

CHUNK = 128
ROWS_PER_TILE = 640
NP = NS * ROWS_PER_TILE
CHUNKS_PER_TILE = 80
EP = NC * NS * CHUNKS_PER_TILE * CHUNK
NBUF = 1

_f32 = jnp.float32
_i32 = jnp.int32


def _fill_vec(ref, n16, value):
    v = jnp.full((LANES,), value, dtype=_f32)
    for i in range(n16):
        ref[pl.ds(i * LANES, LANES)] = v


def _zero_rows(ref, ncols):
    z = jnp.zeros((LANES,), dtype=_f32)

    def body(i, _):
        for j in range(ncols // LANES):
            ref[i, pl.ds(j * LANES, LANES)] = z
        return 0

    lax.fori_loop(0, CHUNK, body, 0)


def _sc_mesh():
    return plsc.VectorSubcoreMesh(
        core_axis_name="c", subcore_axis_name="s", num_cores=NC, num_subcores=NS
    )


@functools.partial(
    pl.kernel,
    out_type=(jax.ShapeDtypeStruct((NP,), _f32), jax.ShapeDtypeStruct((NP,), _f32)),
    mesh=_sc_mesh(),
    scratch_types=[
        pltpu.VMEM((CHUNK,), _i32),
        pltpu.VMEM((CHUNK,), _f32),
        pltpu.VMEM_SHARED((NP,), _f32)
    ],
)
def _sc_degree(dst_hbm, out0_hbm, out1_hbm, idx_d, val_v, dacc):
    c = lax.axis_index("c")
    s = lax.axis_index("s")
    t = c * NS + s
    row0 = s * ROWS_PER_TILE

    _fill_vec(val_v, CHUNK // LANES, 0.0)
    for k in range(ROWS_PER_TILE // CHUNK):
        pltpu.sync_copy(val_v, dacc.at[pl.ds(row0 + k * CHUNK, CHUNK)])
    _fill_vec(val_v, CHUNK // LANES, 1.0)
    plsc.subcore_barrier()

    def body(j, _):
        base = (t * CHUNKS_PER_TILE + j) * CHUNK
        pltpu.sync_copy(dst_hbm.at[pl.ds(base, CHUNK)], idx_d)
        pltpu.sync_copy(val_v, dacc.at[idx_d], add=True)
        return 0

    lax.fori_loop(0, CHUNKS_PER_TILE, body, 0)
    plsc.subcore_barrier()

    for k in range(ROWS_PER_TILE // CHUNK):
        sl = pl.ds(row0 + k * CHUNK, CHUNK)
        pltpu.sync_copy(dacc.at[sl], val_v)

        @pl.when(c == 0)
        def _():
            pltpu.sync_copy(val_v, out0_hbm.at[sl])

        @pl.when(c == 1)
        def _():
            pltpu.sync_copy(val_v, out1_hbm.at[sl])


K0 = 160
K1 = 2 * CHUNKS_PER_TILE - K0


@functools.partial(
    pl.kernel,
    out_type=jax.ShapeDtypeStruct((NC, NP, D_PAD), _f32),
    mesh=_sc_mesh(),
    scratch_types=[
        pltpu.VMEM((CHUNK,), _i32),
        pltpu.VMEM((CHUNK,), _i32),
        pltpu.VMEM((CHUNK, D_PAD), _f32),
        pltpu.SemaphoreType.DMA,
        pltpu.VMEM_SHARED((NP, D_PAD), _f32),
    ],
)
def _sc_scatter(g_hbm, src_hbm, dst_hbm, out_hbm, idx_s, idx_d, rows, sem, acc):
    c = lax.axis_index("c")
    s = lax.axis_index("s")
    row0 = s * ROWS_PER_TILE

    _zero_rows(rows, D_PAD)
    for k in range(ROWS_PER_TILE // CHUNK):
        sl = pl.ds(row0 + k * CHUNK, CHUNK)
        pltpu.sync_copy(rows, acc.at[sl])
    plsc.subcore_barrier()

    nchunk = jnp.where(c == 0, K0, K1)
    start = jnp.where(c == 0, s * K0, NS * K0 + s * K1)

    def body(j, _):
        base = (start + j) * CHUNK
        pltpu.sync_copy(src_hbm.at[pl.ds(base, CHUNK)], idx_s)
        pltpu.sync_copy(dst_hbm.at[pl.ds(base, CHUNK)], idx_d)
        pltpu.async_copy(g_hbm.at[idx_s], rows, sem).wait()
        pltpu.sync_copy(rows, acc.at[idx_d], add=True)
        return 0

    lax.fori_loop(0, nchunk, body, 0)
    plsc.subcore_barrier()

    for k in range(ROWS_PER_TILE // CHUNK):
        sl = pl.ds(row0 + k * CHUNK, CHUNK)
        pltpu.sync_copy(acc.at[sl], rows)
        pltpu.sync_copy(rows, out_hbm.at[c, sl])


_BLK1 = 2000


def _dis_col(deg_ref):
    d = deg_ref[:, 0] + deg_ref[:, 1] + 1.0
    return lax.rsqrt(d)[:, None]


def _tc1_body(x_ref, w_ref, b_ref, deg_ref, g_ref):
    h = jnp.dot(x_ref[...], w_ref[...], preferred_element_type=_f32) + b_ref[...]
    g_ref[...] = _dis_col(deg_ref) * h


def _tc2_body(deg_ref, s_ref, g_ref, w_ref, b_ref, out_ref):
    dis = _dis_col(deg_ref)
    z = dis * (s_ref[0] + s_ref[1] + g_ref[...])
    a = jnp.maximum(z, 0.0)
    h2 = jnp.dot(a, w_ref[...], preferred_element_type=_f32) + b_ref[...]
    out_ref[...] = dis * h2


def _tc3_body(deg_ref, s_ref, g_ref, out_ref):
    zf = _dis_col(deg_ref) * (s_ref[0] + s_ref[1] + g_ref[...])
    z = zf[:, :D_OUT]
    m = jnp.max(z, axis=1, keepdims=True)
    lse = jnp.log(jnp.sum(jnp.exp(z - m), axis=1, keepdims=True)) + m
    out_ref[...] = z - lse


def kernel(x, edge_index, W1, b1, W2, b2):
    src = edge_index[0].astype(_i32)
    dst = edge_index[1].astype(_i32)
    pad = jnp.full((EP - N_EDGES,), N_NODES, dtype=_i32)
    src_p = jnp.concatenate([src, pad])
    dst_p = jnp.concatenate([dst, pad])

    w1t = jnp.zeros((D_FEAT, D_PAD), _f32).at[:, : W1.shape[0]].set(W1.T)
    b1p = jnp.zeros((1, D_PAD), _f32).at[0, : b1.shape[0]].set(b1)
    w2t = jnp.zeros((D_PAD, D_PAD), _f32).at[: W2.shape[1], : W2.shape[0]].set(W2.T)
    b2p = jnp.zeros((1, D_PAD), _f32).at[0, : b2.shape[0]].set(b2)

    deg0, deg1 = _sc_degree(dst_p)
    degp = jnp.stack([deg0, deg1], axis=-1)

    g1 = pl.pallas_call(
        _tc1_body,
        grid=(N_NODES // _BLK1,),
        in_specs=[
            pl.BlockSpec((_BLK1, D_FEAT), lambda i: (i, 0)),
            pl.BlockSpec((D_FEAT, D_PAD), lambda i: (0, 0)),
            pl.BlockSpec((1, D_PAD), lambda i: (0, 0)),
            pl.BlockSpec((_BLK1, NC), lambda i: (i, 0)),
        ],
        out_specs=pl.BlockSpec((_BLK1, D_PAD), lambda i: (i, 0)),
        out_shape=jax.ShapeDtypeStruct((NP, D_PAD), _f32),
    )(x, w1t, b1p, degp)

    s1 = _sc_scatter(g1, src_p, dst_p)

    g2 = pl.pallas_call(
        _tc2_body,
        grid=(N_NODES // _BLK1,),
        in_specs=[
            pl.BlockSpec((_BLK1, NC), lambda i: (i, 0)),
            pl.BlockSpec((NC, _BLK1, D_PAD), lambda i: (0, i, 0)),
            pl.BlockSpec((_BLK1, D_PAD), lambda i: (i, 0)),
            pl.BlockSpec((D_PAD, D_PAD), lambda i: (0, 0)),
            pl.BlockSpec((1, D_PAD), lambda i: (0, 0)),
        ],
        out_specs=pl.BlockSpec((_BLK1, D_PAD), lambda i: (i, 0)),
        out_shape=jax.ShapeDtypeStruct((NP, D_PAD), _f32),
    )(degp, s1, g1, w2t, b2p)

    s2 = _sc_scatter(g2, src_p, dst_p)

    out = pl.pallas_call(
        _tc3_body,
        grid=(N_NODES // _BLK1,),
        in_specs=[
            pl.BlockSpec((_BLK1, NC), lambda i: (i, 0)),
            pl.BlockSpec((NC, _BLK1, D_PAD), lambda i: (0, i, 0)),
            pl.BlockSpec((_BLK1, D_PAD), lambda i: (i, 0)),
        ],
        out_specs=pl.BlockSpec((_BLK1, D_OUT), lambda i: (i, 0)),
        out_shape=jax.ShapeDtypeStruct((N_NODES, D_OUT), _f32),
    )(degp, s2, g2)

    return out

# --- scband reference (transcript-rebuilt; emitter-appended) ---
"""Pipeline reference for scband-gcnmodel-3332894622176 (READ-ONLY COPY).

The authoritative reference and input builder live on the scoring server;
editing this copy changes nothing except your own understanding.
"""

import jax, jax.numpy as jnp
import numpy as np

N_NODES = 10000
N_EDGES = 320000
D_FEAT = 128
D_HID = 50
N_CLASS = 64


def setup_inputs(seed: int = 0) -> dict:
    key = jax.random.key(seed)
    k1, k2, k3, k4, k5, k6 = jax.random.split(key, 6)
    x = jax.random.normal(k1, (N_NODES, D_FEAT), dtype=jnp.float32)
    edge_index = jax.random.randint(k2, (2, N_EDGES), 0, N_NODES, dtype=jnp.int64)
    W1 = jax.random.normal(k3, (D_HID, D_FEAT), dtype=jnp.float32) * (1.0 / np.sqrt(D_FEAT))
    b1 = jnp.zeros((D_HID,), dtype=jnp.float32)
    W2 = jax.random.normal(k4, (N_CLASS, D_HID), dtype=jnp.float32) * (1.0 / np.sqrt(D_HID))
    b2 = jnp.zeros((N_CLASS,), dtype=jnp.float32)
    return {"x": x, "edge_index": edge_index, "W1": W1, "b1": b1, "W2": W2, "b2": b2}


def _sgcn_layer(x, edge_index, W, b):
    n = x.shape[0]
    # add self loops
    loops = jnp.arange(n, dtype=edge_index.dtype)
    row = jnp.concatenate([edge_index[0], loops])
    col = jnp.concatenate([edge_index[1], loops])
    # linear
    h = x @ W.T + b
    # symmetric normalization: deg computed over col (aggregation index)
    deg = jax.ops.segment_sum(jnp.ones(row.shape[0], dtype=h.dtype), col, num_segments=n)
    deg_inv_sqrt = deg ** -0.5
    deg_inv_sqrt = jnp.where(jnp.isinf(deg_inv_sqrt), 0.0, deg_inv_sqrt)
    norm = deg_inv_sqrt[row] * deg_inv_sqrt[col]
    # message: norm * x_j (x_j = h[row], source); aggregate (add) at col (target)
    msg = norm[:, None] * h[row]
    out = jax.ops.segment_sum(msg, col, num_segments=n)
    return out


def reference(x, edge_index, W1, b1, W2, b2):
    h = _sgcn_layer(x, edge_index, W1, b1)
    h = jax.nn.relu(h)
    # F.dropout(training=self.training): identity in eval mode (deterministic reference)
    h = _sgcn_layer(h, edge_index, W2, b2)
    out = jax.nn.log_softmax(h, axis=1)
    return out

if __name__ == "__main__":
    import jax
    _d = setup_inputs()
    print(jax.jit(kernel)(*tuple(_d.values())))

</pallas_src>

<mosaic_0001>
#map = affine_map<(d0, d1) -> (0, 0)>
#map1 = affine_map<(d0, d1) -> (0)>
#map2 = affine_map<(d0, d1) -> (0, 0, 0)>
module attributes {stable_mosaic.version = 14 : i64} {
  func.func @_sc_scatter(%arg0: i32, %arg1: i32, %arg2: memref<10240x128xf32, #tpu.memory_space<hbm>>, %arg3: memref<327680xi32, #tpu.memory_space<hbm>>, %arg4: memref<327680xi32, #tpu.memory_space<hbm>>, %arg5: memref<2x10240x128xf32, #tpu.memory_space<hbm>>, %arg6: memref<128xi32, #tpu.memory_space<vmem>>, %arg7: memref<128xi32, #tpu.memory_space<vmem>>, %arg8: memref<128x128xf32, #tpu.memory_space<vmem>>, %arg9: memref<!tpu.dma_semaphore, #tpu.memory_space<semaphore_mem>>, %arg10: memref<10240x128xf32, #tpu.memory_space<vmem_shared>>) attributes {dimension_semantics = [#tpu.dimension_semantics<core_parallel>, #tpu.dimension_semantics<subcore_parallel>], iteration_bounds = array<i64: 2, 16>, scalar_prefetch = 0 : i64, scratch_operands = 5 : i64, tpu.core_type = #tpu.core_type<sc_vector_subcore>, window_params = [{transform_indices = #map}, {transform_indices = #map1}, {transform_indices = #map1}, {transform_indices = #map2}]} {
    %mul3A = arith.constant 640 : i32
    %mul3A_0 = arith.muli %arg1, %mul3A : i32
    %broadcast_in_dim3A = arith.constant 0.000000e+00 : f32
    %broadcast_in_dim3A_1 = vector.broadcast %broadcast_in_dim3A : f32 to vector<16xf32>
    %scan3A = arith.constant 0 : i32
    %scan3A_2 = arith.constant 0 : i32
    %scan3A_3 = arith.constant 128 : i32
    %scan3A_4 = arith.addi %scan3A_2, %scan3A_3 : i32
    %scan3A_5 = arith.constant 1 : i32
    %scan3A_6 = scf.for %scan3A_50 = %scan3A_2 to %scan3A_4 step %scan3A_5 iter_args(%scan3A_51 = %scan3A) -> (i32)  : i32 {
      %swap3A = arith.index_cast %scan3A_50 : i32 to index
      %swap3A_52 = arith.constant 0 : index
      %swap3A_53 = tpu.vector_load %arg8[%swap3A, %swap3A_52] {strides = array<i32>} : memref<128x128xf32, #tpu.memory_space<vmem>>, vector<1x16xf32>,
      %swap3A_54 = vector.shape_cast %swap3A_53 : vector<1x16xf32> to vector<16xf32>
      %swap3A_55 = vector.shape_cast %broadcast_in_dim3A_1 : vector<16xf32> to vector<1x16xf32>
      tpu.vector_store %arg8[%swap3A, %swap3A_52], %swap3A_55 {strides = array<i32>} : memref<128x128xf32, #tpu.memory_space<vmem>>, vector<1x16xf32>,
      %swap3A_56 = arith.index_cast %scan3A_50 : i32 to index
      %swap3A_57 = arith.constant 16 : index
      %swap3A_58 = tpu.vector_load %arg8[%swap3A_56, %swap3A_57] {strides = array<i32>} : memref<128x128xf32, #tpu.memory_space<vmem>>, vector<1x16xf32>,
      %swap3A_59 = vector.shape_cast %swap3A_58 : vector<1x16xf32> to vector<16xf32>
      %swap3A_60 = vector.shape_cast %broadcast_in_dim3A_1 : vector<16xf32> to vector<1x16xf32>
      tpu.vector_store %arg8[%swap3A_56, %swap3A_57], %swap3A_60 {strides = array<i32>} : memref<128x128xf32, #tpu.memory_space<vmem>>, vector<1x16xf32>,
      %swap3A_61 = arith.index_cast %scan3A_50 : i32 to index
      %swap3A_62 = arith.constant 32 : index
      %swap3A_63 = tpu.vector_load %arg8[%swap3A_61, %swap3A_62] {strides = array<i32>} : memref<128x128xf32, #tpu.memory_space<vmem>>, vector<1x16xf32>,
      %swap3A_64 = vector.shape_cast %swap3A_63 : vector<1x16xf32> to vector<16xf32>
      %swap3A_65 = vector.shape_cast %broadcast_in_dim3A_1 : vector<16xf32> to vector<1x16xf32>
      tpu.vector_store %arg8[%swap3A_61, %swap3A_62], %swap3A_65 {strides = array<i32>} : memref<128x128xf32, #tpu.memory_space<vmem>>, vector<1x16xf32>,
      %swap3A_66 = arith.index_cast %scan3A_50 : i32 to index
      %swap3A_67 = arith.constant 48 : index
      %swap3A_68 = tpu.vector_load %arg8[%swap3A_66, %swap3A_67] {strides = array<i32>} : memref<128x128xf32, #tpu.memory_space<vmem>>, vector<1x16xf32>,
      %swap3A_69 = vector.shape_cast %swap3A_68 : vector<1x16xf32> to vector<16xf32>
      %swap3A_70 = vector.shape_cast %broadcast_in_dim3A_1 : vector<16xf32> to vector<1x16xf32>
      tpu.vector_store %arg8[%swap3A_66, %swap3A_67], %swap3A_70 {strides = array<i32>} : memref<128x128xf32, #tpu.memory_space<vmem>>, vector<1x16xf32>,
      %swap3A_71 = arith.index_cast %scan3A_50 : i32 to index
      %swap3A_72 = arith.constant 64 : index
      %swap3A_73 = tpu.vector_load %arg8[%swap3A_71, %swap3A_72] {strides = array<i32>} : memref<128x128xf32, #tpu.memory_space<vmem>>, vector<1x16xf32>,
      %swap3A_74 = vector.shape_cast %swap3A_73 : vector<1x16xf32> to vector<16xf32>
      %swap3A_75 = vector.shape_cast %broadcast_in_dim3A_1 : vector<16xf32> to vector<1x16xf32>
      tpu.vector_store %arg8[%swap3A_71, %swap3A_72], %swap3A_75 {strides = array<i32>} : memref<128x128xf32, #tpu.memory_space<vmem>>, vector<1x16xf32>,
      %swap3A_76 = arith.index_cast %scan3A_50 : i32 to index
      %swap3A_77 = arith.constant 80 : index
      %swap3A_78 = tpu.vector_load %arg8[%swap3A_76, %swap3A_77] {strides = array<i32>} : memref<128x128xf32, #tpu.memory_space<vmem>>, vector<1x16xf32>,
      %swap3A_79 = vector.shape_cast %swap3A_78 : vector<1x16xf32> to vector<16xf32>
      %swap3A_80 = vector.shape_cast %broadcast_in_dim3A_1 : vector<16xf32> to vector<1x16xf32>
      tpu.vector_store %arg8[%swap3A_76, %swap3A_77], %swap3A_80 {strides = array<i32>} : memref<128x128xf32, #tpu.memory_space<vmem>>, vector<1x16xf32>,
      %swap3A_81 = arith.index_cast %scan3A_50 : i32 to index
      %swap3A_82 = arith.constant 96 : index
      %swap3A_83 = tpu.vector_load %arg8[%swap3A_81, %swap3A_82] {strides = array<i32>} : memref<128x128xf32, #tpu.memory_space<vmem>>, vector<1x16xf32>,
      %swap3A_84 = vector.shape_cast %swap3A_83 : vector<1x16xf32> to vector<16xf32>
      %swap3A_85 = vector.shape_cast %broadcast_in_dim3A_1 : vector<16xf32> to vector<1x16xf32>
      tpu.vector_store %arg8[%swap3A_81, %swap3A_82], %swap3A_85 {strides = array<i32>} : memref<128x128xf32, #tpu.memory_space<vmem>>, vector<1x16xf32>,
      %swap3A_86 = arith.index_cast %scan3A_50 : i32 to index
      %swap3A_87 = arith.constant 112 : index
      %swap3A_88 = tpu.vector_load %arg8[%swap3A_86, %swap3A_87] {strides = array<i32>} : memref<128x128xf32, #tpu.memory_space<vmem>>, vector<1x16xf32>,
      %swap3A_89 = vector.shape_cast %swap3A_88 : vector<1x16xf32> to vector<16xf32>
      %swap3A_90 = vector.shape_cast %broadcast_in_dim3A_1 : vector<16xf32> to vector<1x16xf32>
      tpu.vector_store %arg8[%swap3A_86, %swap3A_87], %swap3A_90 {strides = array<i32>} : memref<128x128xf32, #tpu.memory_space<vmem>>, vector<1x16xf32>,
      %scan3A_91 = arith.constant 0 : i32
      scf.yield %scan3A_91 : i32
    }
    %scan3A_7 = arith.constant 128 : i32
    %add3A = arith.constant 0 : i32
    %add3A_8 = arith.addi %mul3A_0, %add3A : i32
    "tpu.region"() ({
      %run_scoped3A = tpu.sem_alloc : memref<!tpu.dma_semaphore, #tpu.memory_space<semaphore_mem>>
      %dma_start3A = arith.constant 0 : i32
      %dma_start3A_50 = tpu.memref_slice %arg10[%add3A_8, %dma_start3A] : memref<10240x128xf32, #tpu.memory_space<vmem_shared>> -> memref<128x128xf32, #tpu.memory_space<vmem_shared>>
      %dma_start3A_51 = arith.constant 0 : i32
      %dma_start3A_52 = tpu.memref_slice %arg10[%add3A_8, %dma_start3A_51] : memref<10240x128xf32, #tpu.memory_space<vmem_shared>> -> memref<128x128xf32, #tpu.memory_space<vmem_shared>>
      tpu.enqueue_dma source(%arg8 : memref<128x128xf32, #tpu.memory_space<vmem>>) target(%dma_start3A_52 : memref<128x128xf32, #tpu.memory_space<vmem_shared>>) target_semaphore(%run_scoped3A : memref<!tpu.dma_semaphore, #tpu.memory_space<semaphore_mem>>)
      %dma_wait3A = arith.constant 0 : i32
      %dma_wait3A_53 = tpu.memref_slice %arg10[%add3A_8, %dma_wait3A] : memref<10240x128xf32, #tpu.memory_space<vmem_shared>> -> memref<128x128xf32, #tpu.memory_space<vmem_shared>>
      %dma_wait3A_54 = arith.constant 0 : i32
      %dma_wait3A_55 = tpu.memref_slice %arg10[%add3A_8, %dma_wait3A_54] : memref<10240x128xf32, #tpu.memory_space<vmem_shared>> -> memref<128x128xf32, #tpu.memory_space<vmem_shared>>
      tpu.wait_dma2 semaphore(%run_scoped3A : memref<!tpu.dma_semaphore, #tpu.memory_space<semaphore_mem>>) src(%arg8 : memref<128x128xf32, #tpu.memory_space<vmem>>) dst(%dma_wait3A_55 : memref<128x128xf32, #tpu.memory_space<vmem_shared>>)
      tpu.yield
    }) : () -> ()
    %add3A_9 = arith.constant 128 : i32
    %add3A_10 = arith.addi %mul3A_0, %add3A_9 : i32
    "tpu.region"() ({
      %run_scoped3A = tpu.sem_alloc : memref<!tpu.dma_semaphore, #tpu.memory_space<semaphore_mem>>
      %dma_start3A = arith.constant 0 : i32
      %dma_start3A_50 = tpu.memref_slice %arg10[%add3A_10, %dma_start3A] : memref<10240x128xf32, #tpu.memory_space<vmem_shared>> -> memref<128x128xf32, #tpu.memory_space<vmem_shared>>
      %dma_start3A_51 = arith.constant 0 : i32
      %dma_start3A_52 = tpu.memref_slice %arg10[%add3A_10, %dma_start3A_51] : memref<10240x128xf32, #tpu.memory_space<vmem_shared>> -> memref<128x128xf32, #tpu.memory_space<vmem_shared>>
      tpu.enqueue_dma source(%arg8 : memref<128x128xf32, #tpu.memory_space<vmem>>) target(%dma_start3A_52 : memref<128x128xf32, #tpu.memory_space<vmem_shared>>) target_semaphore(%run_scoped3A : memref<!tpu.dma_semaphore, #tpu.memory_space<semaphore_mem>>)
      %dma_wait3A = arith.constant 0 : i32
      %dma_wait3A_53 = tpu.memref_slice %arg10[%add3A_10, %dma_wait3A] : memref<10240x128xf32, #tpu.memory_space<vmem_shared>> -> memref<128x128xf32, #tpu.memory_space<vmem_shared>>
      %dma_wait3A_54 = arith.constant 0 : i32
      %dma_wait3A_55 = tpu.memref_slice %arg10[%add3A_10, %dma_wait3A_54] : memref<10240x128xf32, #tpu.memory_space<vmem_shared>> -> memref<128x128xf32, #tpu.memory_space<vmem_shared>>
      tpu.wait_dma2 semaphore(%run_scoped3A : memref<!tpu.dma_semaphore, #tpu.memory_space<semaphore_mem>>) src(%arg8 : memref<128x128xf32, #tpu.memory_space<vmem>>) dst(%dma_wait3A_55 : memref<128x128xf32, #tpu.memory_space<vmem_shared>>)
      tpu.yield
    }) : () -> ()
    %add3A_11 = arith.constant 256 : i32
    %add3A_12 = arith.addi %mul3A_0, %add3A_11 : i32
    "tpu.region"() ({
      %run_scoped3A = tpu.sem_alloc : memref<!tpu.dma_semaphore, #tpu.memory_space<semaphore_mem>>
      %dma_start3A = arith.constant 0 : i32
      %dma_start3A_50 = tpu.memref_slice %arg10[%add3A_12, %dma_start3A] : memref<10240x128xf32, #tpu.memory_space<vmem_shared>> -> memref<128x128xf32, #tpu.memory_space<vmem_shared>>
      %dma_start3A_51 = arith.constant 0 : i32
      %dma_start3A_52 = tpu.memref_slice %arg10[%add3A_12, %dma_start3A_51] : memref<10240x128xf32, #tpu.memory_space<vmem_shared>> -> memref<128x128xf32, #tpu.memory_space<vmem_shared>>
      tpu.enqueue_dma source(%arg8 : memref<128x128xf32, #tpu.memory_space<vmem>>) target(%dma_start3A_52 : memref<128x128xf32, #tpu.memory_space<vmem_shared>>) target_semaphore(%run_scoped3A : memref<!tpu.dma_semaphore, #tpu.memory_space<semaphore_mem>>)
      %dma_wait3A = arith.constant 0 : i32
      %dma_wait3A_53 = tpu.memref_slice %arg10[%add3A_12, %dma_wait3A] : memref<10240x128xf32, #tpu.memory_space<vmem_shared>> -> memref<128x128xf32, #tpu.memory_space<vmem_shared>>
      %dma_wait3A_54 = arith.constant 0 : i32
      %dma_wait3A_55 = tpu.memref_slice %arg10[%add3A_12, %dma_wait3A_54] : memref<10240x128xf32, #tpu.memory_space<vmem_shared>> -> memref<128x128xf32, #tpu.memory_space<vmem_shared>>
      tpu.wait_dma2 semaphore(%run_scoped3A : memref<!tpu.dma_semaphore, #tpu.memory_space<semaphore_mem>>) src(%arg8 : memref<128x128xf32, #tpu.memory_space<vmem>>) dst(%dma_wait3A_55 : memref<128x128xf32, #tpu.memory_space<vmem_shared>>)
      tpu.yield
    }) : () -> ()
    %add3A_13 = arith.constant 384 : i32
    %add3A_14 = arith.addi %mul3A_0, %add3A_13 : i32
    "tpu.region"() ({
      %run_scoped3A = tpu.sem_alloc : memref<!tpu.dma_semaphore, #tpu.memory_space<semaphore_mem>>
      %dma_start3A = arith.constant 0 : i32
      %dma_start3A_50 = tpu.memref_slice %arg10[%add3A_14, %dma_start3A] : memref<10240x128xf32, #tpu.memory_space<vmem_shared>> -> memref<128x128xf32, #tpu.memory_space<vmem_shared>>
      %dma_start3A_51 = arith.constant 0 : i32
      %dma_start3A_52 = tpu.memref_slice %arg10[%add3A_14, %dma_start3A_51] : memref<10240x128xf32, #tpu.memory_space<vmem_shared>> -> memref<128x128xf32, #tpu.memory_space<vmem_shared>>
      tpu.enqueue_dma source(%arg8 : memref<128x128xf32, #tpu.memory_space<vmem>>) target(%dma_start3A_52 : memref<128x128xf32, #tpu.memory_space<vmem_shared>>) target_semaphore(%run_scoped3A : memref<!tpu.dma_semaphore, #tpu.memory_space<semaphore_mem>>)
      %dma_wait3A = arith.constant 0 : i32
      %dma_wait3A_53 = tpu.memref_slice %arg10[%add3A_14, %dma_wait3A] : memref<10240x128xf32, #tpu.memory_space<vmem_shared>> -> memref<128x128xf32, #tpu.memory_space<vmem_shared>>
      %dma_wait3A_54 = arith.constant 0 : i32
      %dma_wait3A_55 = tpu.memref_slice %arg10[%add3A_14, %dma_wait3A_54] : memref<10240x128xf32, #tpu.memory_space<vmem_shared>> -> memref<128x128xf32, #tpu.memory_space<vmem_shared>>
      tpu.wait_dma2 semaphore(%run_scoped3A : memref<!tpu.dma_semaphore, #tpu.memory_space<semaphore_mem>>) src(%arg8 : memref<128x128xf32, #tpu.memory_space<vmem>>) dst(%dma_wait3A_55 : memref<128x128xf32, #tpu.memory_space<vmem_shared>>)
      tpu.yield
    }) : () -> ()
    %add3A_15 = arith.constant 512 : i32
    %add3A_16 = arith.addi %mul3A_0, %add3A_15 : i32
    "tpu.region"() ({
      %run_scoped3A = tpu.sem_alloc : memref<!tpu.dma_semaphore, #tpu.memory_space<semaphore_mem>>
      %dma_start3A = arith.constant 0 : i32
      %dma_start3A_50 = tpu.memref_slice %arg10[%add3A_16, %dma_start3A] : memref<10240x128xf32, #tpu.memory_space<vmem_shared>> -> memref<128x128xf32, #tpu.memory_space<vmem_shared>>
      %dma_start3A_51 = arith.constant 0 : i32
      %dma_start3A_52 = tpu.memref_slice %arg10[%add3A_16, %dma_start3A_51] : memref<10240x128xf32, #tpu.memory_space<vmem_shared>> -> memref<128x128xf32, #tpu.memory_space<vmem_shared>>
      tpu.enqueue_dma source(%arg8 : memref<128x128xf32, #tpu.memory_space<vmem>>) target(%dma_start3A_52 : memref<128x128xf32, #tpu.memory_space<vmem_shared>>) target_semaphore(%run_scoped3A : memref<!tpu.dma_semaphore, #tpu.memory_space<semaphore_mem>>)
      %dma_wait3A = arith.constant 0 : i32
      %dma_wait3A_53 = tpu.memref_slice %arg10[%add3A_16, %dma_wait3A] : memref<10240x128xf32, #tpu.memory_space<vmem_shared>> -> memref<128x128xf32, #tpu.memory_space<vmem_shared>>
      %dma_wait3A_54 = arith.constant 0 : i32
      %dma_wait3A_55 = tpu.memref_slice %arg10[%add3A_16, %dma_wait3A_54] : memref<10240x128xf32, #tpu.memory_space<vmem_shared>> -> memref<128x128xf32, #tpu.memory_space<vmem_shared>>
      tpu.wait_dma2 semaphore(%run_scoped3A : memref<!tpu.dma_semaphore, #tpu.memory_space<semaphore_mem>>) src(%arg8 : memref<128x128xf32, #tpu.memory_space<vmem>>) dst(%dma_wait3A_55 : memref<128x128xf32, #tpu.memory_space<vmem_shared>>)
      tpu.yield
    }) : () -> ()
    %barrier3A = arith.constant 0 : index
    tpu.barrier barrier_id(%barrier3A)
    %eq3A = arith.constant 0 : i32
    %eq3A_17 = arith.cmpi eq, %arg0, %eq3A : i32
    %jit3A = arith.constant 160 : i32
    %jit3A_18 = arith.constant 0 : i32
    %select_n3A = arith.select %eq3A_17, %jit3A, %jit3A_18 : i32
    %eq3A_19 = arith.constant 0 : i32
    %eq3A_20 = arith.cmpi eq, %arg0, %eq3A_19 : i32
    %mul3A_21 = arith.constant 160 : i32
    %mul3A_22 = arith.muli %arg1, %mul3A_21 : i32
    %mul3A_23 = arith.constant 0 : i32
    %mul3A_24 = arith.muli %arg1, %mul3A_23 : i32
    %add3A_25 = arith.constant 2560 : i32
    %add3A_26 = arith.addi %add3A_25, %mul3A_24 : i32
    %select_n3A_27 = arith.select %eq3A_20, %mul3A_22, %add3A_26 : i32
    %while3A = arith.constant 0 : i32
    %while3A_28 = arith.constant 0 : i32
    %while3A_29 = arith.subi %select_n3A, %while3A : i32
    %while3A_30 = arith.addi %while3A, %while3A_29 : i32
    %while3A_31 = arith.constant 1 : i32
    %while3A_32 = arith.divsi %while3A_29, %while3A_31 : i32
    %while3A_33 = arith.muli %while3A_32, %while3A_31 : i32
    %while3A_34 = arith.addi %while3A, %while3A_33 : i32
    %while3A_35 = arith.constant 1 : i32
    %while3A_36 = scf.for %while3A_50 = %while3A to %while3A_34 step %while3A_35 iter_args(%while3A_51 = %while3A_28) -> (i32)  : i32 {
      %add3A_52 = arith.addi %select_n3A_27, %while3A_50 : i32
      %mul3A_53 = arith.constant 128 : i32
      %mul3A_54 = arith.muli %add3A_52, %mul3A_53 : i32
      "tpu.region"() ({
        %run_scoped3A = tpu.sem_alloc : memref<!tpu.dma_semaphore, #tpu.memory_space<semaphore_mem>>
        %dma_start3A_60 = tpu.memref_slice %arg3[%mul3A_54] : memref<327680xi32, #tpu.memory_space<hbm>> -> memref<128xi32, #tpu.memory_space<hbm>>
        %dma_start3A_61 = tpu.memref_slice %arg3[%mul3A_54] : memref<327680xi32, #tpu.memory_space<hbm>> -> memref<128xi32, #tpu.memory_space<hbm>>
        tpu.enqueue_dma source(%dma_start3A_61 : memref<128xi32, #tpu.memory_space<hbm>>) target(%arg6 : memref<128xi32, #tpu.memory_space<vmem>>) target_semaphore(%run_scoped3A : memref<!tpu.dma_semaphore, #tpu.memory_space<semaphore_mem>>)
        %dma_wait3A_62 = tpu.memref_slice %arg3[%mul3A_54] : memref<327680xi32, #tpu.memory_space<hbm>> -> memref<128xi32, #tpu.memory_space<hbm>>
        %dma_wait3A_63 = tpu.memref_slice %arg3[%mul3A_54] : memref<327680xi32, #tpu.memory_space<hbm>> -> memref<128xi32, #tpu.memory_space<hbm>>
        tpu.wait_dma2 semaphore(%run_scoped3A : memref<!tpu.dma_semaphore, #tpu.memory_space<semaphore_mem>>) src(%dma_wait3A_63 : memref<128xi32, #tpu.memory_space<hbm>>) dst(%arg6 : memref<128xi32, #tpu.memory_space<vmem>>)
        tpu.yield
      }) : () -> ()
      "tpu.region"() ({
        %run_scoped3A = tpu.sem_alloc : memref<!tpu.dma_semaphore, #tpu.memory_space<semaphore_mem>>
        %dma_start3A_60 = tpu.memref_slice %arg4[%mul3A_54] : memref<327680xi32, #tpu.memory_space<hbm>> -> memref<128xi32, #tpu.memory_space<hbm>>
        %dma_start3A_61 = tpu.memref_slice %arg4[%mul3A_54] : memref<327680xi32, #tpu.memory_space<hbm>> -> memref<128xi32, #tpu.memory_space<hbm>>
        tpu.enqueue_dma source(%dma_start3A_61 : memref<128xi32, #tpu.memory_space<hbm>>) target(%arg7 : memref<128xi32, #tpu.memory_space<vmem>>) target_semaphore(%run_scoped3A : memref<!tpu.dma_semaphore, #tpu.memory_space<semaphore_mem>>)
        %dma_wait3A_62 = tpu.memref_slice %arg4[%mul3A_54] : memref<327680xi32, #tpu.memory_space<hbm>> -> memref<128xi32, #tpu.memory_space<hbm>>
        %dma_wait3A_63 = tpu.memref_slice %arg4[%mul3A_54] : memref<327680xi32, #tpu.memory_space<hbm>> -> memref<128xi32, #tpu.memory_space<hbm>>
        tpu.wait_dma2 semaphore(%run_scoped3A : memref<!tpu.dma_semaphore, #tpu.memory_space<semaphore_mem>>) src(%dma_wait3A_63 : memref<128xi32, #tpu.memory_space<hbm>>) dst(%arg7 : memref<128xi32, #tpu.memory_space<vmem>>)
        tpu.yield
      }) : () -> ()
      %dma_start3A = arith.constant 0 : i32
      %dma_start3A_55 = arith.constant 0 : i32
      %dma_start3A_56 = tpu.memref_slice %arg2[%dma_start3A, %dma_start3A_55] : memref<10240x128xf32, #tpu.memory_space<hbm>> -> memref<10240x128xf32, #tpu.memory_space<hbm>>
      tpu.enqueue_indirect_dma source(%dma_start3A_56 : memref<10240x128xf32, #tpu.memory_space<hbm>>) target(%arg8 : memref<128x128xf32, #tpu.memory_space<vmem>>) offsets(%arg6 : memref<128xi32, #tpu.memory_space<vmem>>) semaphore(%arg9 : memref<!tpu.dma_semaphore, #tpu.memory_space<semaphore_mem>>)
      %dma_wait3A = arith.constant 0 : i32
      %dma_wait3A_57 = arith.constant 0 : i32
      %dma_wait3A_58 = tpu.memref_slice %arg2[%dma_wait3A, %dma_wait3A_57] : memref<10240x128xf32, #tpu.memory_space<hbm>> -> memref<10240x128xf32, #tpu.memory_space<hbm>>
      tpu.wait_indirect_dma semaphore(%arg9 : memref<!tpu.dma_semaphore, #tpu.memory_space<semaphore_mem>>) src(%dma_wait3A_58 : memref<10240x128xf32, #tpu.memory_space<hbm>>) dst(%arg8 : memref<128x128xf32, #tpu.memory_space<vmem>>)
      "tpu.region"() ({
        %run_scoped3A = tpu.sem_alloc : memref<!tpu.dma_semaphore, #tpu.memory_space<semaphore_mem>>
        %dma_start3A_60 = arith.constant 0 : i32
        %dma_start3A_61 = arith.constant 0 : i32
        %dma_start3A_62 = tpu.memref_slice %arg10[%dma_start3A_60, %dma_start3A_61] : memref<10240x128xf32, #tpu.memory_space<vmem_shared>> -> memref<10240x128xf32, #tpu.memory_space<vmem_shared>>
        tpu.enqueue_indirect_dma source(%arg8 : memref<128x128xf32, #tpu.memory_space<vmem>>) target(%dma_start3A_62 : memref<10240x128xf32, #tpu.memory_space<vmem_shared>>) offsets(%arg7 : memref<128xi32, #tpu.memory_space<vmem>>) semaphore(%run_scoped3A : memref<!tpu.dma_semaphore, #tpu.memory_space<semaphore_mem>>) {add = true}
        %dma_wait3A_63 = arith.constant 0 : i32
        %dma_wait3A_64 = arith.constant 0 : i32
        %dma_wait3A_65 = tpu.memref_slice %arg10[%dma_wait3A_63, %dma_wait3A_64] : memref<10240x128xf32, #tpu.memory_space<vmem_shared>> -> memref<10240x128xf32, #tpu.memory_space<vmem_shared>>
        tpu.wait_indirect_dma semaphore(%run_scoped3A : memref<!tpu.dma_semaphore, #tpu.memory_space<semaphore_mem>>) src(%arg8 : memref<128x128xf32, #tpu.memory_space<vmem>>) dst(%dma_wait3A_65 : memref<10240x128xf32, #tpu.memory_space<vmem_shared>>)
        tpu.yield
      }) : () -> ()
      %while3A_59 = arith.constant 0 : i32
      scf.yield %while3A_59 : i32
    }
    %while3A_37 = arith.constant 1 : i32
    %while3A_38 = scf.for %while3A_50 = %while3A_34 to %while3A_30 step %while3A_37 iter_args(%while3A_51 = %while3A_36) -> (i32)  : i32 {
      %add3A_52 = arith.addi %select_n3A_27, %while3A_50 : i32
      %mul3A_53 = arith.constant 128 : i32
      %mul3A_54 = arith.muli %add3A_52, %mul3A_53 : i32
      "tpu.region"() ({
        %run_scoped3A = tpu.sem_alloc : memref<!tpu.dma_semaphore, #tpu.memory_space<semaphore_mem>>
        %dma_start3A_60 = tpu.memref_slice %arg3[%mul3A_54] : memref<327680xi32, #tpu.memory_space<hbm>> -> memref<128xi32, #tpu.memory_space<hbm>>
        %dma_start3A_61 = tpu.memref_slice %arg3[%mul3A_54] : memref<327680xi32, #tpu.memory_space<hbm>> -> memref<128xi32, #tpu.memory_space<hbm>>
        tpu.enqueue_dma source(%dma_start3A_61 : memref<128xi32, #tpu.memory_space<hbm>>) target(%arg6 : memref<128xi32, #tpu.memory_space<vmem>>) target_semaphore(%run_scoped3A : memref<!tpu.dma_semaphore, #tpu.memory_space<semaphore_mem>>)
        %dma_wait3A_62 = tpu.memref_slice %arg3[%mul3A_54] : memref<327680xi32, #tpu.memory_space<hbm>> -> memref<128xi32, #tpu.memory_space<hbm>>
        %dma_wait3A_63 = tpu.memref_slice %arg3[%mul3A_54] : memref<327680xi32, #tpu.memory_space<hbm>> -> memref<128xi32, #tpu.memory_space<hbm>>
        tpu.wait_dma2 semaphore(%run_scoped3A : memref<!tpu.dma_semaphore, #tpu.memory_space<semaphore_mem>>) src(%dma_wait3A_63 : memref<128xi32, #tpu.memory_space<hbm>>) dst(%arg6 : memref<128xi32, #tpu.memory_space<vmem>>)
        tpu.yield
      }) : () -> ()
      "tpu.region"() ({
        %run_scoped3A = tpu.sem_alloc : memref<!tpu.dma_semaphore, #tpu.memory_space<semaphore_mem>>
        %dma_start3A_60 = tpu.memref_slice %arg4[%mul3A_54] : memref<327680xi32, #tpu.memory_space<hbm>> -> memref<128xi32, #tpu.memory_space<hbm>>
        %dma_start3A_61 = tpu.memref_slice %arg4[%mul3A_54] : memref<327680xi32, #tpu.memory_space<hbm>> -> memref<128xi32, #tpu.memory_space<hbm>>
        tpu.enqueue_dma source(%dma_start3A_61 : memref<128xi32, #tpu.memory_space<hbm>>) target(%arg7 : memref<128xi32, #tpu.memory_space<vmem>>) target_semaphore(%run_scoped3A : memref<!tpu.dma_semaphore, #tpu.memory_space<semaphore_mem>>)
        %dma_wait3A_62 = tpu.memref_slice %arg4[%mul3A_54] : memref<327680xi32, #tpu.memory_space<hbm>> -> memref<128xi32, #tpu.memory_space<hbm>>
        %dma_wait3A_63 = tpu.memref_slice %arg4[%mul3A_54] : memref<327680xi32, #tpu.memory_space<hbm>> -> memref<128xi32, #tpu.memory_space<hbm>>
        tpu.wait_dma2 semaphore(%run_scoped3A : memref<!tpu.dma_semaphore, #tpu.memory_space<semaphore_mem>>) src(%dma_wait3A_63 : memref<128xi32, #tpu.memory_space<hbm>>) dst(%arg7 : memref<128xi32, #tpu.memory_space<vmem>>)
        tpu.yield
      }) : () -> ()
      %dma_start3A = arith.constant 0 : i32
      %dma_start3A_55 = arith.constant 0 : i32
      %dma_start3A_56 = tpu.memref_slice %arg2[%dma_start3A, %dma_start3A_55] : memref<10240x128xf32, #tpu.memory_space<hbm>> -> memref<10240x128xf32, #tpu.memory_space<hbm>>
      tpu.enqueue_indirect_dma source(%dma_start3A_56 : memref<10240x128xf32, #tpu.memory_space<hbm>>) target(%arg8 : memref<128x128xf32, #tpu.memory_space<vmem>>) offsets(%arg6 : memref<128xi32, #tpu.memory_space<vmem>>) semaphore(%arg9 : memref<!tpu.dma_semaphore, #tpu.memory_space<semaphore_mem>>)
      %dma_wait3A = arith.constant 0 : i32
      %dma_wait3A_57 = arith.constant 0 : i32
      %dma_wait3A_58 = tpu.memref_slice %arg2[%dma_wait3A, %dma_wait3A_57] : memref<10240x128xf32, #tpu.memory_space<hbm>> -> memref<10240x128xf32, #tpu.memory_space<hbm>>
      tpu.wait_indirect_dma semaphore(%arg9 : memref<!tpu.dma_semaphore, #tpu.memory_space<semaphore_mem>>) src(%dma_wait3A_58 : memref<10240x128xf32, #tpu.memory_space<hbm>>) dst(%arg8 : memref<128x128xf32, #tpu.memory_space<vmem>>)
      "tpu.region"() ({
        %run_scoped3A = tpu.sem_alloc : memref<!tpu.dma_semaphore, #tpu.memory_space<semaphore_mem>>
        %dma_start3A_60 = arith.constant 0 : i32
        %dma_start3A_61 = arith.constant 0 : i32
        %dma_start3A_62 = tpu.memref_slice %arg10[%dma_start3A_60, %dma_start3A_61] : memref<10240x128xf32, #tpu.memory_space<vmem_shared>> -> memref<10240x128xf32, #tpu.memory_space<vmem_shared>>
        tpu.enqueue_indirect_dma source(%arg8 : memref<128x128xf32, #tpu.memory_space<vmem>>) target(%dma_start3A_62 : memref<10240x128xf32, #tpu.memory_space<vmem_shared>>) offsets(%arg7 : memref<128xi32, #tpu.memory_space<vmem>>) semaphore(%run_scoped3A : memref<!tpu.dma_semaphore, #tpu.memory_space<semaphore_mem>>) {add = true}
        %dma_wait3A_63 = arith.constant 0 : i32
        %dma_wait3A_64 = arith.constant 0 : i32
        %dma_wait3A_65 = tpu.memref_slice %arg10[%dma_wait3A_63, %dma_wait3A_64] : memref<10240x128xf32, #tpu.memory_space<vmem_shared>> -> memref<10240x128xf32, #tpu.memory_space<vmem_shared>>
        tpu.wait_indirect_dma semaphore(%run_scoped3A : memref<!tpu.dma_semaphore, #tpu.memory_space<semaphore_mem>>) src(%arg8 : memref<128x128xf32, #tpu.memory_space<vmem>>) dst(%dma_wait3A_65 : memref<10240x128xf32, #tpu.memory_space<vmem_shared>>)
        tpu.yield
      }) : () -> ()
      %while3A_59 = arith.constant 0 : i32
      scf.yield %while3A_59 : i32
    }
    %barrier3A_39 = arith.constant 0 : index
    tpu.barrier barrier_id(%barrier3A_39)
    %add3A_40 = arith.constant 0 : i32
    %add3A_41 = arith.addi %mul3A_0, %add3A_40 : i32
    "tpu.region"() ({
      %run_scoped3A = tpu.sem_alloc : memref<!tpu.dma_semaphore, #tpu.memory_space<semaphore_mem>>
      %dma_start3A = arith.constant 0 : i32
      %dma_start3A_50 = tpu.memref_slice %arg10[%add3A_41, %dma_start3A] : memref<10240x128xf32, #tpu.memory_space<vmem_shared>> -> memref<128x128xf32, #tpu.memory_space<vmem_shared>>
      %dma_start3A_51 = arith.constant 0 : i32
      %dma_start3A_52 = tpu.memref_slice %arg10[%add3A_41, %dma_start3A_51] : memref<10240x128xf32, #tpu.memory_space<vmem_shared>> -> memref<128x128xf32, #tpu.memory_space<vmem_shared>>
      tpu.enqueue_dma source(%dma_start3A_52 : memref<128x128xf32, #tpu.memory_space<vmem_shared>>) target(%arg8 : memref<128x128xf32, #tpu.memory_space<vmem>>) target_semaphore(%run_scoped3A : memref<!tpu.dma_semaphore, #tpu.memory_space<semaphore_mem>>)
      %dma_wait3A = arith.constant 0 : i32
      %dma_wait3A_53 = tpu.memref_slice %arg10[%add3A_41, %dma_wait3A] : memref<10240x128xf32, #tpu.memory_space<vmem_shared>> -> memref<128x128xf32, #tpu.memory_space<vmem_shared>>
      %dma_wait3A_54 = arith.constant 0 : i32
      %dma_wait3A_55 = tpu.memref_slice %arg10[%add3A_41, %dma_wait3A_54] : memref<10240x128xf32, #tpu.memory_space<vmem_shared>> -> memref<128x128xf32, #tpu.memory_space<vmem_shared>>
      tpu.wait_dma2 semaphore(%run_scoped3A : memref<!tpu.dma_semaphore, #tpu.memory_space<semaphore_mem>>) src(%dma_wait3A_55 : memref<128x128xf32, #tpu.memory_space<vmem_shared>>) dst(%arg8 : memref<128x128xf32, #tpu.memory_space<vmem>>)
      tpu.yield
    }) : () -> ()
    "tpu.region"() ({
      %run_scoped3A = tpu.sem_alloc : memref<!tpu.dma_semaphore, #tpu.memory_space<semaphore_mem>>
      %dma_start3A = arith.constant 0 : i32
      %dma_start3A_50 = tpu.memref_slice %arg5[%arg0, %add3A_41, %dma_start3A] : memref<2x10240x128xf32, #tpu.memory_space<hbm>> -> memref<1x128x128xf32, #tpu.memory_space<hbm>>
      %dma_start3A_51 = tpu.memref_squeeze %dma_start3A_50 : memref<1x128x128xf32, #tpu.memory_space<hbm>> -> memref<128x128xf32, #tpu.memory_space<hbm>>
      %dma_start3A_52 = arith.constant 0 : i32
      %dma_start3A_53 = tpu.memref_slice %arg5[%arg0, %add3A_41, %dma_start3A_52] : memref<2x10240x128xf32, #tpu.memory_space<hbm>> -> memref<1x128x128xf32, #tpu.memory_space<hbm>>
      %dma_start3A_54 = tpu.memref_squeeze %dma_start3A_53 : memref<1x128x128xf32, #tpu.memory_space<hbm>> -> memref<128x128xf32, #tpu.memory_space<hbm>>
      tpu.enqueue_dma source(%arg8 : memref<128x128xf32, #tpu.memory_space<vmem>>) target(%dma_start3A_54 : memref<128x128xf32, #tpu.memory_space<hbm>>) target_semaphore(%run_scoped3A : memref<!tpu.dma_semaphore, #tpu.memory_space<semaphore_mem>>)
      %dma_wait3A = arith.constant 0 : i32
      %dma_wait3A_55 = tpu.memref_slice %arg5[%arg0, %add3A_41, %dma_wait3A] : memref<2x10240x128xf32, #tpu.memory_space<hbm>> -> memref<1x128x128xf32, #tpu.memory_space<hbm>>
      %dma_wait3A_56 = tpu.memref_squeeze %dma_wait3A_55 : memref<1x128x128xf32, #tpu.memory_space<hbm>> -> memref<128x128xf32, #tpu.memory_space<hbm>>
      %dma_wait3A_57 = arith.constant 0 : i32
      %dma_wait3A_58 = tpu.memref_slice %arg5[%arg0, %add3A_41, %dma_wait3A_57] : memref<2x10240x128xf32, #tpu.memory_space<hbm>> -> memref<1x128x128xf32, #tpu.memory_space<hbm>>
      %dma_wait3A_59 = tpu.memref_squeeze %dma_wait3A_58 : memref<1x128x128xf32, #tpu.memory_space<hbm>> -> memref<128x128xf32, #tpu.memory_space<hbm>>
      tpu.wait_dma2 semaphore(%run_scoped3A : memref<!tpu.dma_semaphore, #tpu.memory_space<semaphore_mem>>) src(%arg8 : memref<128x128xf32, #tpu.memory_space<vmem>>) dst(%dma_wait3A_59 : memref<128x128xf32, #tpu.memory_space<hbm>>)
      tpu.yield
    }) : () -> ()
    %add3A_42 = arith.constant 128 : i32
    %add3A_43 = arith.addi %mul3A_0, %add3A_42 : i32
    "tpu.region"() ({
      %run_scoped3A = tpu.sem_alloc : memref<!tpu.dma_semaphore, #tpu.memory_space<semaphore_mem>>
      %dma_start3A = arith.constant 0 : i32
      %dma_start3A_50 = tpu.memref_slice %arg10[%add3A_43, %dma_start3A] : memref<10240x128xf32, #tpu.memory_space<vmem_shared>> -> memref<128x128xf32, #tpu.memory_space<vmem_shared>>
      %dma_start3A_51 = arith.constant 0 : i32
      %dma_start3A_52 = tpu.memref_slice %arg10[%add3A_43, %dma_start3A_51] : memref<10240x128xf32, #tpu.memory_space<vmem_shared>> -> memref<128x128xf32, #tpu.memory_space<vmem_shared>>
      tpu.enqueue_dma source(%dma_start3A_52 : memref<128x128xf32, #tpu.memory_space<vmem_shared>>) target(%arg8 : memref<128x128xf32, #tpu.memory_space<vmem>>) target_semaphore(%run_scoped3A : memref<!tpu.dma_semaphore, #tpu.memory_space<semaphore_mem>>)
      %dma_wait3A = arith.constant 0 : i32
      %dma_wait3A_53 = tpu.memref_slice %arg10[%add3A_43, %dma_wait3A] : memref<10240x128xf32, #tpu.memory_space<vmem_shared>> -> memref<128x128xf32, #tpu.memory_space<vmem_shared>>
      %dma_wait3A_54 = arith.constant 0 : i32
      %dma_wait3A_55 = tpu.memref_slice %arg10[%add3A_43, %dma_wait3A_54] : memref<10240x128xf32, #tpu.memory_space<vmem_shared>> -> memref<128x128xf32, #tpu.memory_space<vmem_shared>>
      tpu.wait_dma2 semaphore(%run_scoped3A : memref<!tpu.dma_semaphore, #tpu.memory_space<semaphore_mem>>) src(%dma_wait3A_55 : memref<128x128xf32, #tpu.memory_space<vmem_shared>>) dst(%arg8 : memref<128x128xf32, #tpu.memory_space<vmem>>)
      tpu.yield
    }) : () -> ()
    "tpu.region"() ({
      %run_scoped3A = tpu.sem_alloc : memref<!tpu.dma_semaphore, #tpu.memory_space<semaphore_mem>>
      %dma_start3A = arith.constant 0 : i32
      %dma_start3A_50 = tpu.memref_slice %arg5[%arg0, %add3A_43, %dma_start3A] : memref<2x10240x128xf32, #tpu.memory_space<hbm>> -> memref<1x128x128xf32, #tpu.memory_space<hbm>>
      %dma_start3A_51 = tpu.memref_squeeze %dma_start3A_50 : memref<1x128x128xf32, #tpu.memory_space<hbm>> -> memref<128x128xf32, #tpu.memory_space<hbm>>
      %dma_start3A_52 = arith.constant 0 : i32
      %dma_start3A_53 = tpu.memref_slice %arg5[%arg0, %add3A_43, %dma_start3A_52] : memref<2x10240x128xf32, #tpu.memory_space<hbm>> -> memref<1x128x128xf32, #tpu.memory_space<hbm>>
      %dma_start3A_54 = tpu.memref_squeeze %dma_start3A_53 : memref<1x128x128xf32, #tpu.memory_space<hbm>> -> memref<128x128xf32, #tpu.memory_space<hbm>>
      tpu.enqueue_dma source(%arg8 : memref<128x128xf32, #tpu.memory_space<vmem>>) target(%dma_start3A_54 : memref<128x128xf32, #tpu.memory_space<hbm>>) target_semaphore(%run_scoped3A : memref<!tpu.dma_semaphore, #tpu.memory_space<semaphore_mem>>)
      %dma_wait3A = arith.constant 0 : i32
      %dma_wait3A_55 = tpu.memref_slice %arg5[%arg0, %add3A_43, %dma_wait3A] : memref<2x10240x128xf32, #tpu.memory_space<hbm>> -> memref<1x128x128xf32, #tpu.memory_space<hbm>>
      %dma_wait3A_56 = tpu.memref_squeeze %dma_wait3A_55 : memref<1x128x128xf32, #tpu.memory_space<hbm>> -> memref<128x128xf32, #tpu.memory_space<hbm>>
      %dma_wait3A_57 = arith.constant 0 : i32
      %dma_wait3A_58 = tpu.memref_slice %arg5[%arg0, %add3A_43, %dma_wait3A_57] : memref<2x10240x128xf32, #tpu.memory_space<hbm>> -> memref<1x128x128xf32, #tpu.memory_space<hbm>>
      %dma_wait3A_59 = tpu.memref_squeeze %dma_wait3A_58 : memref<1x128x128xf32, #tpu.memory_space<hbm>> -> memref<128x128xf32, #tpu.memory_space<hbm>>
      tpu.wait_dma2 semaphore(%run_scoped3A : memref<!tpu.dma_semaphore, #tpu.memory_space<semaphore_mem>>) src(%arg8 : memref<128x128xf32, #tpu.memory_space<vmem>>) dst(%dma_wait3A_59 : memref<128x128xf32, #tpu.memory_space<hbm>>)
      tpu.yield
    }) : () -> ()
    %add3A_44 = arith.constant 256 : i32
    %add3A_45 = arith.addi %mul3A_0, %add3A_44 : i32
    "tpu.region"() ({
      %run_scoped3A = tpu.sem_alloc : memref<!tpu.dma_semaphore, #tpu.memory_space<semaphore_mem>>
      %dma_start3A = arith.constant 0 : i32
      %dma_start3A_50 = tpu.memref_slice %arg10[%add3A_45, %dma_start3A] : memref<10240x128xf32, #tpu.memory_space<vmem_shared>> -> memref<128x128xf32, #tpu.memory_space<vmem_shared>>
      %dma_start3A_51 = arith.constant 0 : i32
      %dma_start3A_52 = tpu.memref_slice %arg10[%add3A_45, %dma_start3A_51] : memref<10240x128xf32, #tpu.memory_space<vmem_shared>> -> memref<128x128xf32, #tpu.memory_space<vmem_shared>>
      tpu.enqueue_dma source(%dma_start3A_52 : memref<128x128xf32, #tpu.memory_space<vmem_shared>>) target(%arg8 : memref<128x128xf32, #tpu.memory_space<vmem>>) target_semaphore(%run_scoped3A : memref<!tpu.dma_semaphore, #tpu.memory_space<semaphore_mem>>)
      %dma_wait3A = arith.constant 0 : i32
      %dma_wait3A_53 = tpu.memref_slice %arg10[%add3A_45, %dma_wait3A] : memref<10240x128xf32, #tpu.memory_space<vmem_shared>> -> memref<128x128xf32, #tpu.memory_space<vmem_shared>>
      %dma_wait3A_54 = arith.constant 0 : i32
      %dma_wait3A_55 = tpu.memref_slice %arg10[%add3A_45, %dma_wait3A_54] : memref<10240x128xf32, #tpu.memory_space<vmem_shared>> -> memref<128x128xf32, #tpu.memory_space<vmem_shared>>
      tpu.wait_dma2 semaphore(%run_scoped3A : memref<!tpu.dma_semaphore, #tpu.memory_space<semaphore_mem>>) src(%dma_wait3A_55 : memref<128x128xf32, #tpu.memory_space<vmem_shared>>) dst(%arg8 : memref<128x128xf32, #tpu.memory_space<vmem>>)
      tpu.yield
    }) : () -> ()
    "tpu.region"() ({
      %run_scoped3A = tpu.sem_alloc : memref<!tpu.dma_semaphore, #tpu.memory_space<semaphore_mem>>
      %dma_start3A = arith.constant 0 : i32
      %dma_start3A_50 = tpu.memref_slice %arg5[%arg0, %add3A_45, %dma_start3A] : memref<2x10240x128xf32, #tpu.memory_space<hbm>> -> memref<1x128x128xf32, #tpu.memory_space<hbm>>
      %dma_start3A_51 = tpu.memref_squeeze %dma_start3A_50 : memref<1x128x128xf32, #tpu.memory_space<hbm>> -> memref<128x128xf32, #tpu.memory_space<hbm>>
      %dma_start3A_52 = arith.constant 0 : i32
      %dma_start3A_53 = tpu.memref_slice %arg5[%arg0, %add3A_45, %dma_start3A_52] : memref<2x10240x128xf32, #tpu.memory_space<hbm>> -> memref<1x128x128xf32, #tpu.memory_space<hbm>>
      %dma_start3A_54 = tpu.memref_squeeze %dma_start3A_53 : memref<1x128x128xf32, #tpu.memory_space<hbm>> -> memref<128x128xf32, #tpu.memory_space<hbm>>
      tpu.enqueue_dma source(%arg8 : memref<128x128xf32, #tpu.memory_space<vmem>>) target(%dma_start3A_54 : memref<128x128xf32, #tpu.memory_space<hbm>>) target_semaphore(%run_scoped3A : memref<!tpu.dma_semaphore, #tpu.memory_space<semaphore_mem>>)
      %dma_wait3A = arith.constant 0 : i32
      %dma_wait3A_55 = tpu.memref_slice %arg5[%arg0, %add3A_45, %dma_wait3A] : memref<2x10240x128xf32, #tpu.memory_space<hbm>> -> memref<1x128x128xf32, #tpu.memory_space<hbm>>
      %dma_wait3A_56 = tpu.memref_squeeze %dma_wait3A_55 : memref<1x128x128xf32, #tpu.memory_space<hbm>> -> memref<128x128xf32, #tpu.memory_space<hbm>>
      %dma_wait3A_57 = arith.constant 0 : i32
      %dma_wait3A_58 = tpu.memref_slice %arg5[%arg0, %add3A_45, %dma_wait3A_57] : memref<2x10240x128xf32, #tpu.memory_space<hbm>> -> memref<1x128x128xf32, #tpu.memory_space<hbm>>
      %dma_wait3A_59 = tpu.memref_squeeze %dma_wait3A_58 : memref<1x128x128xf32, #tpu.memory_space<hbm>> -> memref<128x128xf32, #tpu.memory_space<hbm>>
      tpu.wait_dma2 semaphore(%run_scoped3A : memref<!tpu.dma_semaphore, #tpu.memory_space<semaphore_mem>>) src(%arg8 : memref<128x128xf32, #tpu.memory_space<vmem>>) dst(%dma_wait3A_59 : memref<128x128xf32, #tpu.memory_space<hbm>>)
      tpu.yield
    }) : () -> ()
    %add3A_46 = arith.constant 384 : i32
    %add3A_47 = arith.addi %mul3A_0, %add3A_46 : i32
    "tpu.region"() ({
      %run_scoped3A = tpu.sem_alloc : memref<!tpu.dma_semaphore, #tpu.memory_space<semaphore_mem>>
      %dma_start3A = arith.constant 0 : i32
      %dma_start3A_50 = tpu.memref_slice %arg10[%add3A_47, %dma_start3A] : memref<10240x128xf32, #tpu.memory_space<vmem_shared>> -> memref<128x128xf32, #tpu.memory_space<vmem_shared>>
      %dma_start3A_51 = arith.constant 0 : i32
      %dma_start3A_52 = tpu.memref_slice %arg10[%add3A_47, %dma_start3A_51] : memref<10240x128xf32, #tpu.memory_space<vmem_shared>> -> memref<128x128xf32, #tpu.memory_space<vmem_shared>>
      tpu.enqueue_dma source(%dma_start3A_52 : memref<128x128xf32, #tpu.memory_space<vmem_shared>>) target(%arg8 : memref<128x128xf32, #tpu.memory_space<vmem>>) target_semaphore(%run_scoped3A : memref<!tpu.dma_semaphore, #tpu.memory_space<semaphore_mem>>)
      %dma_wait3A = arith.constant 0 : i32
      %dma_wait3A_53 = tpu.memref_slice %arg10[%add3A_47, %dma_wait3A] : memref<10240x128xf32, #tpu.memory_space<vmem_shared>> -> memref<128x128xf32, #tpu.memory_space<vmem_shared>>
      %dma_wait3A_54 = arith.constant 0 : i32
      %dma_wait3A_55 = tpu.memref_slice %arg10[%add3A_47, %dma_wait3A_54] : memref<10240x128xf32, #tpu.memory_space<vmem_shared>> -> memref<128x128xf32, #tpu.memory_space<vmem_shared>>
      tpu.wait_dma2 semaphore(%run_scoped3A : memref<!tpu.dma_semaphore, #tpu.memory_space<semaphore_mem>>) src(%dma_wait3A_55 : memref<128x128xf32, #tpu.memory_space<vmem_shared>>) dst(%arg8 : memref<128x128xf32, #tpu.memory_space<vmem>>)
      tpu.yield
    }) : () -> ()
    "tpu.region"() ({
      %run_scoped3A = tpu.sem_alloc : memref<!tpu.dma_semaphore, #tpu.memory_space<semaphore_mem>>
      %dma_start3A = arith.constant 0 : i32
      %dma_start3A_50 = tpu.memref_slice %arg5[%arg0, %add3A_47, %dma_start3A] : memref<2x10240x128xf32, #tpu.memory_space<hbm>> -> memref<1x128x128xf32, #tpu.memory_space<hbm>>
      %dma_start3A_51 = tpu.memref_squeeze %dma_start3A_50 : memref<1x128x128xf32, #tpu.memory_space<hbm>> -> memref<128x128xf32, #tpu.memory_space<hbm>>
      %dma_start3A_52 = arith.constant 0 : i32
      %dma_start3A_53 = tpu.memref_slice %arg5[%arg0, %add3A_47, %dma_start3A_52] : memref<2x10240x128xf32, #tpu.memory_space<hbm>> -> memref<1x128x128xf32, #tpu.memory_space<hbm>>
      %dma_start3A_54 = tpu.memref_squeeze %dma_start3A_53 : memref<1x128x128xf32, #tpu.memory_space<hbm>> -> memref<128x128xf32, #tpu.memory_space<hbm>>
      tpu.enqueue_dma source(%arg8 : memref<128x128xf32, #tpu.memory_space<vmem>>) target(%dma_start3A_54 : memref<128x128xf32, #tpu.memory_space<hbm>>) target_semaphore(%run_scoped3A : memref<!tpu.dma_semaphore, #tpu.memory_space<semaphore_mem>>)
      %dma_wait3A = arith.constant 0 : i32
      %dma_wait3A_55 = tpu.memref_slice %arg5[%arg0, %add3A_47, %dma_wait3A] : memref<2x10240x128xf32, #tpu.memory_space<hbm>> -> memref<1x128x128xf32, #tpu.memory_space<hbm>>
      %dma_wait3A_56 = tpu.memref_squeeze %dma_wait3A_55 : memref<1x128x128xf32, #tpu.memory_space<hbm>> -> memref<128x128xf32, #tpu.memory_space<hbm>>
      %dma_wait3A_57 = arith.constant 0 : i32
      %dma_wait3A_58 = tpu.memref_slice %arg5[%arg0, %add3A_47, %dma_wait3A_57] : memref<2x10240x128xf32, #tpu.memory_space<hbm>> -> memref<1x128x128xf32, #tpu.memory_space<hbm>>
      %dma_wait3A_59 = tpu.memref_squeeze %dma_wait3A_58 : memref<1x128x128xf32, #tpu.memory_space<hbm>> -> memref<128x128xf32, #tpu.memory_space<hbm>>
      tpu.wait_dma2 semaphore(%run_scoped3A : memref<!tpu.dma_semaphore, #tpu.memory_space<semaphore_mem>>) src(%arg8 : memref<128x128xf32, #tpu.memory_space<vmem>>) dst(%dma_wait3A_59 : memref<128x128xf32, #tpu.memory_space<hbm>>)
      tpu.yield
    }) : () -> ()
    %add3A_48 = arith.constant 512 : i32
    %add3A_49 = arith.addi %mul3A_0, %add3A_48 : i32
    "tpu.region"() ({
      %run_scoped3A = tpu.sem_alloc : memref<!tpu.dma_semaphore, #tpu.memory_space<semaphore_mem>>
      %dma_start3A = arith.constant 0 : i32
      %dma_start3A_50 = tpu.memref_slice %arg10[%add3A_49, %dma_start3A] : memref<10240x128xf32, #tpu.memory_space<vmem_shared>> -> memref<128x128xf32, #tpu.memory_space<vmem_shared>>
      %dma_start3A_51 = arith.constant 0 : i32
      %dma_start3A_52 = tpu.memref_slice %arg10[%add3A_49, %dma_start3A_51] : memref<10240x128xf32, #tpu.memory_space<vmem_shared>> -> memref<128x128xf32, #tpu.memory_space<vmem_shared>>
      tpu.enqueue_dma source(%dma_start3A_52 : memref<128x128xf32, #tpu.memory_space<vmem_shared>>) target(%arg8 : memref<128x128xf32, #tpu.memory_space<vmem>>) target_semaphore(%run_scoped3A : memref<!tpu.dma_semaphore, #tpu.memory_space<semaphore_mem>>)
      %dma_wait3A = arith.constant 0 : i32
      %dma_wait3A_53 = tpu.memref_slice %arg10[%add3A_49, %dma_wait3A] : memref<10240x128xf32, #tpu.memory_space<vmem_shared>> -> memref<128x128xf32, #tpu.memory_space<vmem_shared>>
      %dma_wait3A_54 = arith.constant 0 : i32
      %dma_wait3A_55 = tpu.memref_slice %arg10[%add3A_49, %dma_wait3A_54] : memref<10240x128xf32, #tpu.memory_space<vmem_shared>> -> memref<128x128xf32, #tpu.memory_space<vmem_shared>>
      tpu.wait_dma2 semaphore(%run_scoped3A : memref<!tpu.dma_semaphore, #tpu.memory_space<semaphore_mem>>) src(%dma_wait3A_55 : memref<128x128xf32, #tpu.memory_space<vmem_shared>>) dst(%arg8 : memref<128x128xf32, #tpu.memory_space<vmem>>)
      tpu.yield
    }) : () -> ()
    "tpu.region"() ({
      %run_scoped3A = tpu.sem_alloc : memref<!tpu.dma_semaphore, #tpu.memory_space<semaphore_mem>>
      %dma_start3A = arith.constant 0 : i32
      %dma_start3A_50 = tpu.memref_slice %arg5[%arg0, %add3A_49, %dma_start3A] : memref<2x10240x128xf32, #tpu.memory_space<hbm>> -> memref<1x128x128xf32, #tpu.memory_space<hbm>>
      %dma_start3A_51 = tpu.memref_squeeze %dma_start3A_50 : memref<1x128x128xf32, #tpu.memory_space<hbm>> -> memref<128x128xf32, #tpu.memory_space<hbm>>
      %dma_start3A_52 = arith.constant 0 : i32
      %dma_start3A_53 = tpu.memref_slice %arg5[%arg0, %add3A_49, %dma_start3A_52] : memref<2x10240x128xf32, #tpu.memory_space<hbm>> -> memref<1x128x128xf32, #tpu.memory_space<hbm>>
      %dma_start3A_54 = tpu.memref_squeeze %dma_start3A_53 : memref<1x128x128xf32, #tpu.memory_space<hbm>> -> memref<128x128xf32, #tpu.memory_space<hbm>>
      tpu.enqueue_dma source(%arg8 : memref<128x128xf32, #tpu.memory_space<vmem>>) target(%dma_start3A_54 : memref<128x128xf32, #tpu.memory_space<hbm>>) target_semaphore(%run_scoped3A : memref<!tpu.dma_semaphore, #tpu.memory_space<semaphore_mem>>)
      %dma_wait3A = arith.constant 0 : i32
      %dma_wait3A_55 = tpu.memref_slice %arg5[%arg0, %add3A_49, %dma_wait3A] : memref<2x10240x128xf32, #tpu.memory_space<hbm>> -> memref<1x128x128xf32, #tpu.memory_space<hbm>>
      %dma_wait3A_56 = tpu.memref_squeeze %dma_wait3A_55 : memref<1x128x128xf32, #tpu.memory_space<hbm>> -> memref<128x128xf32, #tpu.memory_space<hbm>>
      %dma_wait3A_57 = arith.constant 0 : i32
      %dma_wait3A_58 = tpu.memref_slice %arg5[%arg0, %add3A_49, %dma_wait3A_57] : memref<2x10240x128xf32, #tpu.memory_space<hbm>> -> memref<1x128x128xf32, #tpu.memory_space<hbm>>
      %dma_wait3A_59 = tpu.memref_squeeze %dma_wait3A_58 : memref<1x128x128xf32, #tpu.memory_space<hbm>> -> memref<128x128xf32, #tpu.memory_space<hbm>>
      tpu.wait_dma2 semaphore(%run_scoped3A : memref<!tpu.dma_semaphore, #tpu.memory_space<semaphore_mem>>) src(%arg8 : memref<128x128xf32, #tpu.memory_space<vmem>>) dst(%dma_wait3A_59 : memref<128x128xf32, #tpu.memory_space<hbm>>)
      tpu.yield
    }) : () -> ()
    return
  }
}

#map = affine_map<(d0, d1) -> (0)>
module attributes {stable_mosaic.version = 14 : i64} {
  func.func @_sc_degree(%arg0: i32, %arg1: i32, %arg2: memref<327680xi32, #tpu.memory_space<hbm>>, %arg3: memref<10240xf32, #tpu.memory_space<hbm>>, %arg4: memref<10240xf32, #tpu.memory_space<hbm>>, %arg5: memref<128xi32, #tpu.memory_space<vmem>>, %arg6: memref<128xf32, #tpu.memory_space<vmem>>, %arg7: memref<10240xf32, #tpu.memory_space<vmem_shared>>) attributes {dimension_semantics = [#tpu.dimension_semantics<core_parallel>, #tpu.dimension_semantics<subcore_parallel>], iteration_bounds = array<i64: 2, 16>, scalar_prefetch = 0 : i64, scratch_operands = 3 : i64, tpu.core_type = #tpu.core_type<sc_vector_subcore>, window_params = [{transform_indices = #map}, {transform_indices = #map}, {transform_indices = #map}]} {
    %mul3A = arith.constant 16 : i32
    %mul3A_0 = arith.muli %arg0, %mul3A : i32
    %add3A = arith.addi %mul3A_0, %arg1 : i32
    %mul3A_1 = arith.constant 640 : i32
    %mul3A_2 = arith.muli %arg1, %mul3A_1 : i32
    %broadcast_in_dim3A = arith.constant 0.000000e+00 : f32
    %broadcast_in_dim3A_3 = vector.broadcast %broadcast_in_dim3A : f32 to vector<16xf32>
    %swap3A = arith.constant 0 : index
    %swap3A_4 = tpu.vector_load %arg6[%swap3A] {strides = array<i32>} : memref<128xf32, #tpu.memory_space<vmem>>, vector<16xf32>,
    %swap3A_5 = vector.shape_cast %swap3A_4 : vector<16xf32> to vector<16xf32>
    %swap3A_6 = vector.shape_cast %broadcast_in_dim3A_3 : vector<16xf32> to vector<16xf32>
    tpu.vector_store %arg6[%swap3A], %swap3A_6 {strides = array<i32>} : memref<128xf32, #tpu.memory_space<vmem>>, vector<16xf32>,
    %swap3A_7 = arith.constant 16 : index
    %swap3A_8 = tpu.vector_load %arg6[%swap3A_7] {strides = array<i32>} : memref<128xf32, #tpu.memory_space<vmem>>, vector<16xf32>,
    %swap3A_9 = vector.shape_cast %swap3A_8 : vector<16xf32> to vector<16xf32>
    %swap3A_10 = vector.shape_cast %broadcast_in_dim3A_3 : vector<16xf32> to vector<16xf32>
    tpu.vector_store %arg6[%swap3A_7], %swap3A_10 {strides = array<i32>} : memref<128xf32, #tpu.memory_space<vmem>>, vector<16xf32>,
    %swap3A_11 = arith.constant 32 : index
    %swap3A_12 = tpu.vector_load %arg6[%swap3A_11] {strides = array<i32>} : memref<128xf32, #tpu.memory_space<vmem>>, vector<16xf32>,
    %swap3A_13 = vector.shape_cast %swap3A_12 : vector<16xf32> to vector<16xf32>
    %swap3A_14 = vector.shape_cast %broadcast_in_dim3A_3 : vector<16xf32> to vector<16xf32>
    tpu.vector_store %arg6[%swap3A_11], %swap3A_14 {strides = array<i32>} : memref<128xf32, #tpu.memory_space<vmem>>, vector<16xf32>,
    %swap3A_15 = arith.constant 48 : index
    %swap3A_16 = tpu.vector_load %arg6[%swap3A_15] {strides = array<i32>} : memref<128xf32, #tpu.memory_space<vmem>>, vector<16xf32>,
    %swap3A_17 = vector.shape_cast %swap3A_16 : vector<16xf32> to vector<16xf32>
    %swap3A_18 = vector.shape_cast %broadcast_in_dim3A_3 : vector<16xf32> to vector<16xf32>
    tpu.vector_store %arg6[%swap3A_15], %swap3A_18 {strides = array<i32>} : memref<128xf32, #tpu.memory_space<vmem>>, vector<16xf32>,
    %swap3A_19 = arith.constant 64 : index
    %swap3A_20 = tpu.vector_load %arg6[%swap3A_19] {strides = array<i32>} : memref<128xf32, #tpu.memory_space<vmem>>, vector<16xf32>,
    %swap3A_21 = vector.shape_cast %swap3A_20 : vector<16xf32> to vector<16xf32>
    %swap3A_22 = vector.shape_cast %broadcast_in_dim3A_3 : vector<16xf32> to vector<16xf32>
    tpu.vector_store %arg6[%swap3A_19], %swap3A_22 {strides = array<i32>} : memref<128xf32, #tpu.memory_space<vmem>>, vector<16xf32>,
    %swap3A_23 = arith.constant 80 : index
    %swap3A_24 = tpu.vector_load %arg6[%swap3A_23] {strides = array<i32>} : memref<128xf32, #tpu.memory_space<vmem>>, vector<16xf32>,
    %swap3A_25 = vector.shape_cast %swap3A_24 : vector<16xf32> to vector<16xf32>
    %swap3A_26 = vector.shape_cast %broadcast_in_dim3A_3 : vector<16xf32> to vector<16xf32>
    tpu.vector_store %arg6[%swap3A_23], %swap3A_26 {strides = array<i32>} : memref<128xf32, #tpu.memory_space<vmem>>, vector<16xf32>,
    %swap3A_27 = arith.constant 96 : index
    %swap3A_28 = tpu.vector_load %arg6[%swap3A_27] {strides = array<i32>} : memref<128xf32, #tpu.memory_space<vmem>>, vector<16xf32>,
    %swap3A_29 = vector.shape_cast %swap3A_28 : vector<16xf32> to vector<16xf32>
    %swap3A_30 = vector.shape_cast %broadcast_in_dim3A_3 : vector<16xf32> to vector<16xf32>
    tpu.vector_store %arg6[%swap3A_27], %swap3A_30 {strides = array<i32>} : memref<128xf32, #tpu.memory_space<vmem>>, vector<16xf32>,
    %swap3A_31 = arith.constant 112 : index
    %swap3A_32 = tpu.vector_load %arg6[%swap3A_31] {strides = array<i32>} : memref<128xf32, #tpu.memory_space<vmem>>, vector<16xf32>,
    %swap3A_33 = vector.shape_cast %swap3A_32 : vector<16xf32> to vector<16xf32>
    %swap3A_34 = vector.shape_cast %broadcast_in_dim3A_3 : vector<16xf32> to vector<16xf32>
    tpu.vector_store %arg6[%swap3A_31], %swap3A_34 {strides = array<i32>} : memref<128xf32, #tpu.memory_space<vmem>>, vector<16xf32>,
    %add3A_35 = arith.constant 0 : i32
    %add3A_36 = arith.addi %mul3A_2, %add3A_35 : i32
    "tpu.region"() ({
      %run_scoped3A = tpu.sem_alloc : memref<!tpu.dma_semaphore, #tpu.memory_space<semaphore_mem>>
      %dma_start3A = tpu.memref_slice %arg7[%add3A_36] : memref<10240xf32, #tpu.memory_space<vmem_shared>> -> memref<128xf32, #tpu.memory_space<vmem_shared>>
      %dma_start3A_143 = tpu.memref_slice %arg7[%add3A_36] : memref<10240xf32, #tpu.memory_space<vmem_shared>> -> memref<128xf32, #tpu.memory_space<vmem_shared>>
      tpu.enqueue_dma source(%arg6 : memref<128xf32, #tpu.memory_space<vmem>>) target(%dma_start3A_143 : memref<128xf32, #tpu.memory_space<vmem_shared>>) target_semaphore(%run_scoped3A : memref<!tpu.dma_semaphore, #tpu.memory_space<semaphore_mem>>)
      %dma_wait3A = tpu.memref_slice %arg7[%add3A_36] : memref<10240xf32, #tpu.memory_space<vmem_shared>> -> memref<128xf32, #tpu.memory_space<vmem_shared>>
      %dma_wait3A_144 = tpu.memref_slice %arg7[%add3A_36] : memref<10240xf32, #tpu.memory_space<vmem_shared>> -> memref<128xf32, #tpu.memory_space<vmem_shared>>
      tpu.wait_dma2 semaphore(%run_scoped3A : memref<!tpu.dma_semaphore, #tpu.memory_space<semaphore_mem>>) src(%arg6 : memref<128xf32, #tpu.memory_space<vmem>>) dst(%dma_wait3A_144 : memref<128xf32, #tpu.memory_space<vmem_shared>>)
      tpu.yield
    }) : () -> ()
    %add3A_37 = arith.constant 128 : i32
    %add3A_38 = arith.addi %mul3A_2, %add3A_37 : i32
    "tpu.region"() ({
      %run_scoped3A = tpu.sem_alloc : memref<!tpu.dma_semaphore, #tpu.memory_space<semaphore_mem>>
      %dma_start3A = tpu.memref_slice %arg7[%add3A_38] : memref<10240xf32, #tpu.memory_space<vmem_shared>> -> memref<128xf32, #tpu.memory_space<vmem_shared>>
      %dma_start3A_143 = tpu.memref_slice %arg7[%add3A_38] : memref<10240xf32, #tpu.memory_space<vmem_shared>> -> memref<128xf32, #tpu.memory_space<vmem_shared>>
      tpu.enqueue_dma source(%arg6 : memref<128xf32, #tpu.memory_space<vmem>>) target(%dma_start3A_143 : memref<128xf32, #tpu.memory_space<vmem_shared>>) target_semaphore(%run_scoped3A : memref<!tpu.dma_semaphore, #tpu.memory_space<semaphore_mem>>)
      %dma_wait3A = tpu.memref_slice %arg7[%add3A_38] : memref<10240xf32, #tpu.memory_space<vmem_shared>> -> memref<128xf32, #tpu.memory_space<vmem_shared>>
      %dma_wait3A_144 = tpu.memref_slice %arg7[%add3A_38] : memref<10240xf32, #tpu.memory_space<vmem_shared>> -> memref<128xf32, #tpu.memory_space<vmem_shared>>
      tpu.wait_dma2 semaphore(%run_scoped3A : memref<!tpu.dma_semaphore, #tpu.memory_space<semaphore_mem>>) src(%arg6 : memref<128xf32, #tpu.memory_space<vmem>>) dst(%dma_wait3A_144 : memref<128xf32, #tpu.memory_space<vmem_shared>>)
      tpu.yield
    }) : () -> ()
    %add3A_39 = arith.constant 256 : i32
    %add3A_40 = arith.addi %mul3A_2, %add3A_39 : i32
    "tpu.region"() ({
      %run_scoped3A = tpu.sem_alloc : memref<!tpu.dma_semaphore, #tpu.memory_space<semaphore_mem>>
      %dma_start3A = tpu.memref_slice %arg7[%add3A_40] : memref<10240xf32, #tpu.memory_space<vmem_shared>> -> memref<128xf32, #tpu.memory_space<vmem_shared>>
      %dma_start3A_143 = tpu.memref_slice %arg7[%add3A_40] : memref<10240xf32, #tpu.memory_space<vmem_shared>> -> memref<128xf32, #tpu.memory_space<vmem_shared>>
      tpu.enqueue_dma source(%arg6 : memref<128xf32, #tpu.memory_space<vmem>>) target(%dma_start3A_143 : memref<128xf32, #tpu.memory_space<vmem_shared>>) target_semaphore(%run_scoped3A : memref<!tpu.dma_semaphore, #tpu.memory_space<semaphore_mem>>)
      %dma_wait3A = tpu.memref_slice %arg7[%add3A_40] : memref<10240xf32, #tpu.memory_space<vmem_shared>> -> memref<128xf32, #tpu.memory_space<vmem_shared>>
      %dma_wait3A_144 = tpu.memref_slice %arg7[%add3A_40] : memref<10240xf32, #tpu.memory_space<vmem_shared>> -> memref<128xf32, #tpu.memory_space<vmem_shared>>
      tpu.wait_dma2 semaphore(%run_scoped3A : memref<!tpu.dma_semaphore, #tpu.memory_space<semaphore_mem>>) src(%arg6 : memref<128xf32, #tpu.memory_space<vmem>>) dst(%dma_wait3A_144 : memref<128xf32, #tpu.memory_space<vmem_shared>>)
      tpu.yield
    }) : () -> ()
    %add3A_41 = arith.constant 384 : i32
    %add3A_42 = arith.addi %mul3A_2, %add3A_41 : i32
    "tpu.region"() ({
      %run_scoped3A = tpu.sem_alloc : memref<!tpu.dma_semaphore, #tpu.memory_space<semaphore_mem>>
      %dma_start3A = tpu.memref_slice %arg7[%add3A_42] : memref<10240xf32, #tpu.memory_space<vmem_shared>> -> memref<128xf32, #tpu.memory_space<vmem_shared>>
      %dma_start3A_143 = tpu.memref_slice %arg7[%add3A_42] : memref<10240xf32, #tpu.memory_space<vmem_shared>> -> memref<128xf32, #tpu.memory_space<vmem_shared>>
      tpu.enqueue_dma source(%arg6 : memref<128xf32, #tpu.memory_space<vmem>>) target(%dma_start3A_143 : memref<128xf32, #tpu.memory_space<vmem_shared>>) target_semaphore(%run_scoped3A : memref<!tpu.dma_semaphore, #tpu.memory_space<semaphore_mem>>)
      %dma_wait3A = tpu.memref_slice %arg7[%add3A_42] : memref<10240xf32, #tpu.memory_space<vmem_shared>> -> memref<128xf32, #tpu.memory_space<vmem_shared>>
      %dma_wait3A_144 = tpu.memref_slice %arg7[%add3A_42] : memref<10240xf32, #tpu.memory_space<vmem_shared>> -> memref<128xf32, #tpu.memory_space<vmem_shared>>
      tpu.wait_dma2 semaphore(%run_scoped3A : memref<!tpu.dma_semaphore, #tpu.memory_space<semaphore_mem>>) src(%arg6 : memref<128xf32, #tpu.memory_space<vmem>>) dst(%dma_wait3A_144 : memref<128xf32, #tpu.memory_space<vmem_shared>>)
      tpu.yield
    }) : () -> ()
    %add3A_43 = arith.constant 512 : i32
    %add3A_44 = arith.addi %mul3A_2, %add3A_43 : i32
    "tpu.region"() ({
      %run_scoped3A = tpu.sem_alloc : memref<!tpu.dma_semaphore, #tpu.memory_space<semaphore_mem>>
      %dma_start3A = tpu.memref_slice %arg7[%add3A_44] : memref<10240xf32, #tpu.memory_space<vmem_shared>> -> memref<128xf32, #tpu.memory_space<vmem_shared>>
      %dma_start3A_143 = tpu.memref_slice %arg7[%add3A_44] : memref<10240xf32, #tpu.memory_space<vmem_shared>> -> memref<128xf32, #tpu.memory_space<vmem_shared>>
      tpu.enqueue_dma source(%arg6 : memref<128xf32, #tpu.memory_space<vmem>>) target(%dma_start3A_143 : memref<128xf32, #tpu.memory_space<vmem_shared>>) target_semaphore(%run_scoped3A : memref<!tpu.dma_semaphore, #tpu.memory_space<semaphore_mem>>)
      %dma_wait3A = tpu.memref_slice %arg7[%add3A_44] : memref<10240xf32, #tpu.memory_space<vmem_shared>> -> memref<128xf32, #tpu.memory_space<vmem_shared>>
      %dma_wait3A_144 = tpu.memref_slice %arg7[%add3A_44] : memref<10240xf32, #tpu.memory_space<vmem_shared>> -> memref<128xf32, #tpu.memory_space<vmem_shared>>
      tpu.wait_dma2 semaphore(%run_scoped3A : memref<!tpu.dma_semaphore, #tpu.memory_space<semaphore_mem>>) src(%arg6 : memref<128xf32, #tpu.memory_space<vmem>>) dst(%dma_wait3A_144 : memref<128xf32, #tpu.memory_space<vmem_shared>>)
      tpu.yield
    }) : () -> ()
    %broadcast_in_dim3A_45 = arith.constant 1.000000e+00 : f32
    %broadcast_in_dim3A_46 = vector.broadcast %broadcast_in_dim3A_45 : f32 to vector<16xf32>
    %swap3A_47 = arith.constant 0 : index
    %swap3A_48 = tpu.vector_load %arg6[%swap3A_47] {strides = array<i32>} : memref<128xf32, #tpu.memory_space<vmem>>, vector<16xf32>,
    %swap3A_49 = vector.shape_cast %swap3A_48 : vector<16xf32> to vector<16xf32>
    %swap3A_50 = vector.shape_cast %broadcast_in_dim3A_46 : vector<16xf32> to vector<16xf32>
    tpu.vector_store %arg6[%swap3A_47], %swap3A_50 {strides = array<i32>} : memref<128xf32, #tpu.memory_space<vmem>>, vector<16xf32>,
    %swap3A_51 = arith.constant 16 : index
    %swap3A_52 = tpu.vector_load %arg6[%swap3A_51] {strides = array<i32>} : memref<128xf32, #tpu.memory_space<vmem>>, vector<16xf32>,
    %swap3A_53 = vector.shape_cast %swap3A_52 : vector<16xf32> to vector<16xf32>
    %swap3A_54 = vector.shape_cast %broadcast_in_dim3A_46 : vector<16xf32> to vector<16xf32>
    tpu.vector_store %arg6[%swap3A_51], %swap3A_54 {strides = array<i32>} : memref<128xf32, #tpu.memory_space<vmem>>, vector<16xf32>,
    %swap3A_55 = arith.constant 32 : index
    %swap3A_56 = tpu.vector_load %arg6[%swap3A_55] {strides = array<i32>} : memref<128xf32, #tpu.memory_space<vmem>>, vector<16xf32>,
    %swap3A_57 = vector.shape_cast %swap3A_56 : vector<16xf32> to vector<16xf32>
    %swap3A_58 = vector.shape_cast %broadcast_in_dim3A_46 : vector<16xf32> to vector<16xf32>
    tpu.vector_store %arg6[%swap3A_55], %swap3A_58 {strides = array<i32>} : memref<128xf32, #tpu.memory_space<vmem>>, vector<16xf32>,
    %swap3A_59 = arith.constant 48 : index
    %swap3A_60 = tpu.vector_load %arg6[%swap3A_59] {strides = array<i32>} : memref<128xf32, #tpu.memory_space<vmem>>, vector<16xf32>,
    %swap3A_61 = vector.shape_cast %swap3A_60 : vector<16xf32> to vector<16xf32>
    %swap3A_62 = vector.shape_cast %broadcast_in_dim3A_46 : vector<16xf32> to vector<16xf32>
    tpu.vector_store %arg6[%swap3A_59], %swap3A_62 {strides = array<i32>} : memref<128xf32, #tpu.memory_space<vmem>>, vector<16xf32>,
    %swap3A_63 = arith.constant 64 : index
    %swap3A_64 = tpu.vector_load %arg6[%swap3A_63] {strides = array<i32>} : memref<128xf32, #tpu.memory_space<vmem>>, vector<16xf32>,
    %swap3A_65 = vector.shape_cast %swap3A_64 : vector<16xf32> to vector<16xf32>
    %swap3A_66 = vector.shape_cast %broadcast_in_dim3A_46 : vector<16xf32> to vector<16xf32>
    tpu.vector_store %arg6[%swap3A_63], %swap3A_66 {strides = array<i32>} : memref<128xf32, #tpu.memory_space<vmem>>, vector<16xf32>,
    %swap3A_67 = arith.constant 80 : index
    %swap3A_68 = tpu.vector_load %arg6[%swap3A_67] {strides = array<i32>} : memref<128xf32, #tpu.memory_space<vmem>>, vector<16xf32>,
    %swap3A_69 = vector.shape_cast %swap3A_68 : vector<16xf32> to vector<16xf32>
    %swap3A_70 = vector.shape_cast %broadcast_in_dim3A_46 : vector<16xf32> to vector<16xf32>
    tpu.vector_store %arg6[%swap3A_67], %swap3A_70 {strides = array<i32>} : memref<128xf32, #tpu.memory_space<vmem>>, vector<16xf32>,
    %swap3A_71 = arith.constant 96 : index
    %swap3A_72 = tpu.vector_load %arg6[%swap3A_71] {strides = array<i32>} : memref<128xf32, #tpu.memory_space<vmem>>, vector<16xf32>,
    %swap3A_73 = vector.shape_cast %swap3A_72 : vector<16xf32> to vector<16xf32>
    %swap3A_74 = vector.shape_cast %broadcast_in_dim3A_46 : vector<16xf32> to vector<16xf32>
    tpu.vector_store %arg6[%swap3A_71], %swap3A_74 {strides = array<i32>} : memref<128xf32, #tpu.memory_space<vmem>>, vector<16xf32>,
    %swap3A_75 = arith.constant 112 : index
    %swap3A_76 = tpu.vector_load %arg6[%swap3A_75] {strides = array<i32>} : memref<128xf32, #tpu.memory_space<vmem>>, vector<16xf32>,
    %swap3A_77 = vector.shape_cast %swap3A_76 : vector<16xf32> to vector<16xf32>
    %swap3A_78 = vector.shape_cast %broadcast_in_dim3A_46 : vector<16xf32> to vector<16xf32>
    tpu.vector_store %arg6[%swap3A_75], %swap3A_78 {strides = array<i32>} : memref<128xf32, #tpu.memory_space<vmem>>, vector<16xf32>,
    %barrier3A = arith.constant 0 : index
    tpu.barrier barrier_id(%barrier3A)
    %scan3A = arith.constant 0 : i32
    %scan3A_79 = arith.constant 0 : i32
    %scan3A_80 = arith.constant 80 : i32
    %scan3A_81 = arith.addi %scan3A_79, %scan3A_80 : i32
    %scan3A_82 = arith.constant 1 : i32
    %scan3A_83 = scf.for %scan3A_143 = %scan3A_79 to %scan3A_81 step %scan3A_82 iter_args(%scan3A_144 = %scan3A) -> (i32)  : i32 {
      %mul3A_145 = arith.constant 80 : i32
      %mul3A_146 = arith.muli %add3A, %mul3A_145 : i32
      %add3A_147 = arith.addi %mul3A_146, %scan3A_143 : i32
      %mul3A_148 = arith.constant 128 : i32
      %mul3A_149 = arith.muli %add3A_147, %mul3A_148 : i32
      "tpu.region"() ({
        %run_scoped3A = tpu.sem_alloc : memref<!tpu.dma_semaphore, #tpu.memory_space<semaphore_mem>>
        %dma_start3A = tpu.memref_slice %arg2[%mul3A_149] : memref<327680xi32, #tpu.memory_space<hbm>> -> memref<128xi32, #tpu.memory_space<hbm>>
        %dma_start3A_151 = tpu.memref_slice %arg2[%mul3A_149] : memref<327680xi32, #tpu.memory_space<hbm>> -> memref<128xi32, #tpu.memory_space<hbm>>
        tpu.enqueue_dma source(%dma_start3A_151 : memref<128xi32, #tpu.memory_space<hbm>>) target(%arg5 : memref<128xi32, #tpu.memory_space<vmem>>) target_semaphore(%run_scoped3A : memref<!tpu.dma_semaphore, #tpu.memory_space<semaphore_mem>>)
        %dma_wait3A = tpu.memref_slice %arg2[%mul3A_149] : memref<327680xi32, #tpu.memory_space<hbm>> -> memref<128xi32, #tpu.memory_space<hbm>>
        %dma_wait3A_152 = tpu.memref_slice %arg2[%mul3A_149] : memref<327680xi32, #tpu.memory_space<hbm>> -> memref<128xi32, #tpu.memory_space<hbm>>
        tpu.wait_dma2 semaphore(%run_scoped3A : memref<!tpu.dma_semaphore, #tpu.memory_space<semaphore_mem>>) src(%dma_wait3A_152 : memref<128xi32, #tpu.memory_space<hbm>>) dst(%arg5 : memref<128xi32, #tpu.memory_space<vmem>>)
        tpu.yield
      }) : () -> ()
      "tpu.region"() ({
        %run_scoped3A = tpu.sem_alloc : memref<!tpu.dma_semaphore, #tpu.memory_space<semaphore_mem>>
        %dma_start3A = arith.constant 0 : i32
        %dma_start3A_151 = tpu.memref_slice %arg7[%dma_start3A] : memref<10240xf32, #tpu.memory_space<vmem_shared>> -> memref<10240xf32, #tpu.memory_space<vmem_shared>>
        tpu.enqueue_indirect_dma source(%arg6 : memref<128xf32, #tpu.memory_space<vmem>>) target(%dma_start3A_151 : memref<10240xf32, #tpu.memory_space<vmem_shared>>) offsets(%arg5 : memref<128xi32, #tpu.memory_space<vmem>>) semaphore(%run_scoped3A : memref<!tpu.dma_semaphore, #tpu.memory_space<semaphore_mem>>) {add = true}
        %dma_wait3A = arith.constant 0 : i32
        %dma_wait3A_152 = tpu.memref_slice %arg7[%dma_wait3A] : memref<10240xf32, #tpu.memory_space<vmem_shared>> -> memref<10240xf32, #tpu.memory_space<vmem_shared>>
        tpu.wait_indirect_dma semaphore(%run_scoped3A : memref<!tpu.dma_semaphore, #tpu.memory_space<semaphore_mem>>) src(%arg6 : memref<128xf32, #tpu.memory_space<vmem>>) dst(%dma_wait3A_152 : memref<10240xf32, #tpu.memory_space<vmem_shared>>)
        tpu.yield
      }) : () -> ()
      %scan3A_150 = arith.constant 0 : i32
      scf.yield %scan3A_150 : i32
    }
    %scan3A_84 = arith.constant 80 : i32
    %barrier3A_85 = arith.constant 0 : index
    tpu.barrier barrier_id(%barrier3A_85)
    %add3A_86 = arith.constant 0 : i32
    %add3A_87 = arith.addi %mul3A_2, %add3A_86 : i32
    "tpu.region"() ({
      %run_scoped3A = tpu.sem_alloc : memref<!tpu.dma_semaphore, #tpu.memory_space<semaphore_mem>>
      %dma_start3A = tpu.memref_slice %arg7[%add3A_87] : memref<10240xf32, #tpu.memory_space<vmem_shared>> -> memref<128xf32, #tpu.memory_space<vmem_shared>>
      %dma_start3A_143 = tpu.memref_slice %arg7[%add3A_87] : memref<10240xf32, #tpu.memory_space<vmem_shared>> -> memref<128xf32, #tpu.memory_space<vmem_shared>>
      tpu.enqueue_dma source(%dma_start3A_143 : memref<128xf32, #tpu.memory_space<vmem_shared>>) target(%arg6 : memref<128xf32, #tpu.memory_space<vmem>>) target_semaphore(%run_scoped3A : memref<!tpu.dma_semaphore, #tpu.memory_space<semaphore_mem>>)
      %dma_wait3A = tpu.memref_slice %arg7[%add3A_87] : memref<10240xf32, #tpu.memory_space<vmem_shared>> -> memref<128xf32, #tpu.memory_space<vmem_shared>>
      %dma_wait3A_144 = tpu.memref_slice %arg7[%add3A_87] : memref<10240xf32, #tpu.memory_space<vmem_shared>> -> memref<128xf32, #tpu.memory_space<vmem_shared>>
      tpu.wait_dma2 semaphore(%run_scoped3A : memref<!tpu.dma_semaphore, #tpu.memory_space<semaphore_mem>>) src(%dma_wait3A_144 : memref<128xf32, #tpu.memory_space<vmem_shared>>) dst(%arg6 : memref<128xf32, #tpu.memory_space<vmem>>)
      tpu.yield
    }) : () -> ()
    %eq3A = arith.constant 0 : i32
    %eq3A_88 = arith.cmpi eq, %arg0, %eq3A : i32
    %convert_element_type3A = arith.extui %eq3A_88 : i1 to i32
    %cond3A = arith.constant 0 : i32
    %cond3A_89 = arith.cmpi ne, %convert_element_type3A, %cond3A : i32
    scf.if %cond3A_89 {
      "tpu.region"() ({
        %run_scoped3A = tpu.sem_alloc : memref<!tpu.dma_semaphore, #tpu.memory_space<semaphore_mem>>
        %dma_start3A = tpu.memref_slice %arg3[%add3A_87] : memref<10240xf32, #tpu.memory_space<hbm>> -> memref<128xf32, #tpu.memory_space<hbm>>
        %dma_start3A_143 = tpu.memref_slice %arg3[%add3A_87] : memref<10240xf32, #tpu.memory_space<hbm>> -> memref<128xf32, #tpu.memory_space<hbm>>
        tpu.enqueue_dma source(%arg6 : memref<128xf32, #tpu.memory_space<vmem>>) target(%dma_start3A_143 : memref<128xf32, #tpu.memory_space<hbm>>) target_semaphore(%run_scoped3A : memref<!tpu.dma_semaphore, #tpu.memory_space<semaphore_mem>>)
        %dma_wait3A = tpu.memref_slice %arg3[%add3A_87] : memref<10240xf32, #tpu.memory_space<hbm>> -> memref<128xf32, #tpu.memory_space<hbm>>
        %dma_wait3A_144 = tpu.memref_slice %arg3[%add3A_87] : memref<10240xf32, #tpu.memory_space<hbm>> -> memref<128xf32, #tpu.memory_space<hbm>>
        tpu.wait_dma2 semaphore(%run_scoped3A : memref<!tpu.dma_semaphore, #tpu.memory_space<semaphore_mem>>) src(%arg6 : memref<128xf32, #tpu.memory_space<vmem>>) dst(%dma_wait3A_144 : memref<128xf32, #tpu.memory_space<hbm>>)
        tpu.yield
      }) : () -> ()
    } else {
    }
    %eq3A_90 = arith.constant 1 : i32
    %eq3A_91 = arith.cmpi eq, %arg0, %eq3A_90 : i32
    %convert_element_type3A_92 = arith.extui %eq3A_91 : i1 to i32
    %cond3A_93 = arith.constant 0 : i32
    %cond3A_94 = arith.cmpi ne, %convert_element_type3A_92, %cond3A_93 : i32
    scf.if %cond3A_94 {
      "tpu.region"() ({
        %run_scoped3A = tpu.sem_alloc : memref<!tpu.dma_semaphore, #tpu.memory_space<semaphore_mem>>
        %dma_start3A = tpu.memref_slice %arg4[%add3A_87] : memref<10240xf32, #tpu.memory_space<hbm>> -> memref<128xf32, #tpu.memory_space<hbm>>
        %dma_start3A_143 = tpu.memref_slice %arg4[%add3A_87] : memref<10240xf32, #tpu.memory_space<hbm>> -> memref<128xf32, #tpu.memory_space<hbm>>
        tpu.enqueue_dma source(%arg6 : memref<128xf32, #tpu.memory_space<vmem>>) target(%dma_start3A_143 : memref<128xf32, #tpu.memory_space<hbm>>) target_semaphore(%run_scoped3A : memref<!tpu.dma_semaphore, #tpu.memory_space<semaphore_mem>>)
        %dma_wait3A = tpu.memref_slice %arg4[%add3A_87] : memref<10240xf32, #tpu.memory_space<hbm>> -> memref<128xf32, #tpu.memory_space<hbm>>
        %dma_wait3A_144 = tpu.memref_slice %arg4[%add3A_87] : memref<10240xf32, #tpu.memory_space<hbm>> -> memref<128xf32, #tpu.memory_space<hbm>>
        tpu.wait_dma2 semaphore(%run_scoped3A : memref<!tpu.dma_semaphore, #tpu.memory_space<semaphore_mem>>) src(%arg6 : memref<128xf32, #tpu.memory_space<vmem>>) dst(%dma_wait3A_144 : memref<128xf32, #tpu.memory_space<hbm>>)
        tpu.yield
      }) : () -> ()
    } else {
    }
    %add3A_95 = arith.constant 128 : i32
    %add3A_96 = arith.addi %mul3A_2, %add3A_95 : i32
    "tpu.region"() ({
      %run_scoped3A = tpu.sem_alloc : memref<!tpu.dma_semaphore, #tpu.memory_space<semaphore_mem>>
      %dma_start3A = tpu.memref_slice %arg7[%add3A_96] : memref<10240xf32, #tpu.memory_space<vmem_shared>> -> memref<128xf32, #tpu.memory_space<vmem_shared>>
      %dma_start3A_143 = tpu.memref_slice %arg7[%add3A_96] : memref<10240xf32, #tpu.memory_space<vmem_shared>> -> memref<128xf32, #tpu.memory_space<vmem_shared>>
      tpu.enqueue_dma source(%dma_start3A_143 : memref<128xf32, #tpu.memory_space<vmem_shared>>) target(%arg6 : memref<128xf32, #tpu.memory_space<vmem>>) target_semaphore(%run_scoped3A : memref<!tpu.dma_semaphore, #tpu.memory_space<semaphore_mem>>)
      %dma_wait3A = tpu.memref_slice %arg7[%add3A_96] : memref<10240xf32, #tpu.memory_space<vmem_shared>> -> memref<128xf32, #tpu.memory_space<vmem_shared>>
      %dma_wait3A_144 = tpu.memref_slice %arg7[%add3A_96] : memref<10240xf32, #tpu.memory_space<vmem_shared>> -> memref<128xf32, #tpu.memory_space<vmem_shared>>
      tpu.wait_dma2 semaphore(%run_scoped3A : memref<!tpu.dma_semaphore, #tpu.memory_space<semaphore_mem>>) src(%dma_wait3A_144 : memref<128xf32, #tpu.memory_space<vmem_shared>>) dst(%arg6 : memref<128xf32, #tpu.memory_space<vmem>>)
      tpu.yield
    }) : () -> ()
    %eq3A_97 = arith.constant 0 : i32
    %eq3A_98 = arith.cmpi eq, %arg0, %eq3A_97 : i32
    %convert_element_type3A_99 = arith.extui %eq3A_98 : i1 to i32
    %cond3A_100 = arith.constant 0 : i32
    %cond3A_101 = arith.cmpi ne, %convert_element_type3A_99, %cond3A_100 : i32
    scf.if %cond3A_101 {
      "tpu.region"() ({
        %run_scoped3A = tpu.sem_alloc : memref<!tpu.dma_semaphore, #tpu.memory_space<semaphore_mem>>
        %dma_start3A = tpu.memref_slice %arg3[%add3A_96] : memref<10240xf32, #tpu.memory_space<hbm>> -> memref<128xf32, #tpu.memory_space<hbm>>
        %dma_start3A_143 = tpu.memref_slice %arg3[%add3A_96] : memref<10240xf32, #tpu.memory_space<hbm>> -> memref<128xf32, #tpu.memory_space<hbm>>
        tpu.enqueue_dma source(%arg6 : memref<128xf32, #tpu.memory_space<vmem>>) target(%dma_start3A_143 : memref<128xf32, #tpu.memory_space<hbm>>) target_semaphore(%run_scoped3A : memref<!tpu.dma_semaphore, #tpu.memory_space<semaphore_mem>>)
        %dma_wait3A = tpu.memref_slice %arg3[%add3A_96] : memref<10240xf32, #tpu.memory_space<hbm>> -> memref<128xf32, #tpu.memory_space<hbm>>
        %dma_wait3A_144 = tpu.memref_slice %arg3[%add3A_96] : memref<10240xf32, #tpu.memory_space<hbm>> -> memref<128xf32, #tpu.memory_space<hbm>>
        tpu.wait_dma2 semaphore(%run_scoped3A : memref<!tpu.dma_semaphore, #tpu.memory_space<semaphore_mem>>) src(%arg6 : memref<128xf32, #tpu.memory_space<vmem>>) dst(%dma_wait3A_144 : memref<128xf32, #tpu.memory_space<hbm>>)
        tpu.yield
      }) : () -> ()
    } else {
    }
    %eq3A_102 = arith.constant 1 : i32
    %eq3A_103 = arith.cmpi eq, %arg0, %eq3A_102 : i32
    %convert_element_type3A_104 = arith.extui %eq3A_103 : i1 to i32
    %cond3A_105 = arith.constant 0 : i32
    %cond3A_106 = arith.cmpi ne, %convert_element_type3A_104, %cond3A_105 : i32
    scf.if %cond3A_106 {
      "tpu.region"() ({
        %run_scoped3A = tpu.sem_alloc : memref<!tpu.dma_semaphore, #tpu.memory_space<semaphore_mem>>
        %dma_start3A = tpu.memref_slice %arg4[%add3A_96] : memref<10240xf32, #tpu.memory_space<hbm>> -> memref<128xf32, #tpu.memory_space<hbm>>
        %dma_start3A_143 = tpu.memref_slice %arg4[%add3A_96] : memref<10240xf32, #tpu.memory_space<hbm>> -> memref<128xf32, #tpu.memory_space<hbm>>
        tpu.enqueue_dma source(%arg6 : memref<128xf32, #tpu.memory_space<vmem>>) target(%dma_start3A_143 : memref<128xf32, #tpu.memory_space<hbm>>) target_semaphore(%run_scoped3A : memref<!tpu.dma_semaphore, #tpu.memory_space<semaphore_mem>>)
        %dma_wait3A = tpu.memref_slice %arg4[%add3A_96] : memref<10240xf32, #tpu.memory_space<hbm>> -> memref<128xf32, #tpu.memory_space<hbm>>
        %dma_wait3A_144 = tpu.memref_slice %arg4[%add3A_96] : memref<10240xf32, #tpu.memory_space<hbm>> -> memref<128xf32, #tpu.memory_space<hbm>>
        tpu.wait_dma2 semaphore(%run_scoped3A : memref<!tpu.dma_semaphore, #tpu.memory_space<semaphore_mem>>) src(%arg6 : memref<128xf32, #tpu.memory_space<vmem>>) dst(%dma_wait3A_144 : memref<128xf32, #tpu.memory_space<hbm>>)
        tpu.yield
      }) : () -> ()
    } else {
    }
    %add3A_107 = arith.constant 256 : i32
    %add3A_108 = arith.addi %mul3A_2, %add3A_107 : i32
    "tpu.region"() ({
      %run_scoped3A = tpu.sem_alloc : memref<!tpu.dma_semaphore, #tpu.memory_space<semaphore_mem>>
      %dma_start3A = tpu.memref_slice %arg7[%add3A_108] : memref<10240xf32, #tpu.memory_space<vmem_shared>> -> memref<128xf32, #tpu.memory_space<vmem_shared>>
      %dma_start3A_143 = tpu.memref_slice %arg7[%add3A_108] : memref<10240xf32, #tpu.memory_space<vmem_shared>> -> memref<128xf32, #tpu.memory_space<vmem_shared>>
      tpu.enqueue_dma source(%dma_start3A_143 : memref<128xf32, #tpu.memory_space<vmem_shared>>) target(%arg6 : memref<128xf32, #tpu.memory_space<vmem>>) target_semaphore(%run_scoped3A : memref<!tpu.dma_semaphore, #tpu.memory_space<semaphore_mem>>)
      %dma_wait3A = tpu.memref_slice %arg7[%add3A_108] : memref<10240xf32, #tpu.memory_space<vmem_shared>> -> memref<128xf32, #tpu.memory_space<vmem_shared>>
      %dma_wait3A_144 = tpu.memref_slice %arg7[%add3A_108] : memref<10240xf32, #tpu.memory_space<vmem_shared>> -> memref<128xf32, #tpu.memory_space<vmem_shared>>
      tpu.wait_dma2 semaphore(%run_scoped3A : memref<!tpu.dma_semaphore, #tpu.memory_space<semaphore_mem>>) src(%dma_wait3A_144 : memref<128xf32, #tpu.memory_space<vmem_shared>>) dst(%arg6 : memref<128xf32, #tpu.memory_space<vmem>>)
      tpu.yield
    }) : () -> ()
    %eq3A_109 = arith.constant 0 : i32
    %eq3A_110 = arith.cmpi eq, %arg0, %eq3A_109 : i32
    %convert_element_type3A_111 = arith.extui %eq3A_110 : i1 to i32
    %cond3A_112 = arith.constant 0 : i32
    %cond3A_113 = arith.cmpi ne, %convert_element_type3A_111, %cond3A_112 : i32
    scf.if %cond3A_113 {
      "tpu.region"() ({
        %run_scoped3A = tpu.sem_alloc : memref<!tpu.dma_semaphore, #tpu.memory_space<semaphore_mem>>
        %dma_start3A = tpu.memref_slice %arg3[%add3A_108] : memref<10240xf32, #tpu.memory_space<hbm>> -> memref<128xf32, #tpu.memory_space<hbm>>
        %dma_start3A_143 = tpu.memref_slice %arg3[%add3A_108] : memref<10240xf32, #tpu.memory_space<hbm>> -> memref<128xf32, #tpu.memory_space<hbm>>
        tpu.enqueue_dma source(%arg6 : memref<128xf32, #tpu.memory_space<vmem>>) target(%dma_start3A_143 : memref<128xf32, #tpu.memory_space<hbm>>) target_semaphore(%run_scoped3A : memref<!tpu.dma_semaphore, #tpu.memory_space<semaphore_mem>>)
        %dma_wait3A = tpu.memref_slice %arg3[%add3A_108] : memref<10240xf32, #tpu.memory_space<hbm>> -> memref<128xf32, #tpu.memory_space<hbm>>
        %dma_wait3A_144 = tpu.memref_slice %arg3[%add3A_108] : memref<10240xf32, #tpu.memory_space<hbm>> -> memref<128xf32, #tpu.memory_space<hbm>>
        tpu.wait_dma2 semaphore(%run_scoped3A : memref<!tpu.dma_semaphore, #tpu.memory_space<semaphore_mem>>) src(%arg6 : memref<128xf32, #tpu.memory_space<vmem>>) dst(%dma_wait3A_144 : memref<128xf32, #tpu.memory_space<hbm>>)
        tpu.yield
      }) : () -> ()
    } else {
    }
    %eq3A_114 = arith.constant 1 : i32
    %eq3A_115 = arith.cmpi eq, %arg0, %eq3A_114 : i32
    %convert_element_type3A_116 = arith.extui %eq3A_115 : i1 to i32
    %cond3A_117 = arith.constant 0 : i32
    %cond3A_118 = arith.cmpi ne, %convert_element_type3A_116, %cond3A_117 : i32
    scf.if %cond3A_118 {
      "tpu.region"() ({
        %run_scoped3A = tpu.sem_alloc : memref<!tpu.dma_semaphore, #tpu.memory_space<semaphore_mem>>
        %dma_start3A = tpu.memref_slice %arg4[%add3A_108] : memref<10240xf32, #tpu.memory_space<hbm>> -> memref<128xf32, #tpu.memory_space<hbm>>
        %dma_start3A_143 = tpu.memref_slice %arg4[%add3A_108] : memref<10240xf32, #tpu.memory_space<hbm>> -> memref<128xf32, #tpu.memory_space<hbm>>
        tpu.enqueue_dma source(%arg6 : memref<128xf32, #tpu.memory_space<vmem>>) target(%dma_start3A_143 : memref<128xf32, #tpu.memory_space<hbm>>) target_semaphore(%run_scoped3A : memref<!tpu.dma_semaphore, #tpu.memory_space<semaphore_mem>>)
        %dma_wait3A = tpu.memref_slice %arg4[%add3A_108] : memref<10240xf32, #tpu.memory_space<hbm>> -> memref<128xf32, #tpu.memory_space<hbm>>
        %dma_wait3A_144 = tpu.memref_slice %arg4[%add3A_108] : memref<10240xf32, #tpu.memory_space<hbm>> -> memref<128xf32, #tpu.memory_space<hbm>>
        tpu.wait_dma2 semaphore(%run_scoped3A : memref<!tpu.dma_semaphore, #tpu.memory_space<semaphore_mem>>) src(%arg6 : memref<128xf32, #tpu.memory_space<vmem>>) dst(%dma_wait3A_144 : memref<128xf32, #tpu.memory_space<hbm>>)
        tpu.yield
      }) : () -> ()
    } else {
    }
    %add3A_119 = arith.constant 384 : i32
    %add3A_120 = arith.addi %mul3A_2, %add3A_119 : i32
    "tpu.region"() ({
      %run_scoped3A = tpu.sem_alloc : memref<!tpu.dma_semaphore, #tpu.memory_space<semaphore_mem>>
      %dma_start3A = tpu.memref_slice %arg7[%add3A_120] : memref<10240xf32, #tpu.memory_space<vmem_shared>> -> memref<128xf32, #tpu.memory_space<vmem_shared>>
      %dma_start3A_143 = tpu.memref_slice %arg7[%add3A_120] : memref<10240xf32, #tpu.memory_space<vmem_shared>> -> memref<128xf32, #tpu.memory_space<vmem_shared>>
      tpu.enqueue_dma source(%dma_start3A_143 : memref<128xf32, #tpu.memory_space<vmem_shared>>) target(%arg6 : memref<128xf32, #tpu.memory_space<vmem>>) target_semaphore(%run_scoped3A : memref<!tpu.dma_semaphore, #tpu.memory_space<semaphore_mem>>)
      %dma_wait3A = tpu.memref_slice %arg7[%add3A_120] : memref<10240xf32, #tpu.memory_space<vmem_shared>> -> memref<128xf32, #tpu.memory_space<vmem_shared>>
      %dma_wait3A_144 = tpu.memref_slice %arg7[%add3A_120] : memref<10240xf32, #tpu.memory_space<vmem_shared>> -> memref<128xf32, #tpu.memory_space<vmem_shared>>
      tpu.wait_dma2 semaphore(%run_scoped3A : memref<!tpu.dma_semaphore, #tpu.memory_space<semaphore_mem>>) src(%dma_wait3A_144 : memref<128xf32, #tpu.memory_space<vmem_shared>>) dst(%arg6 : memref<128xf32, #tpu.memory_space<vmem>>)
      tpu.yield
    }) : () -> ()
    %eq3A_121 = arith.constant 0 : i32
    %eq3A_122 = arith.cmpi eq, %arg0, %eq3A_121 : i32
    %convert_element_type3A_123 = arith.extui %eq3A_122 : i1 to i32
    %cond3A_124 = arith.constant 0 : i32
    %cond3A_125 = arith.cmpi ne, %convert_element_type3A_123, %cond3A_124 : i32
    scf.if %cond3A_125 {
      "tpu.region"() ({
        %run_scoped3A = tpu.sem_alloc : memref<!tpu.dma_semaphore, #tpu.memory_space<semaphore_mem>>
        %dma_start3A = tpu.memref_slice %arg3[%add3A_120] : memref<10240xf32, #tpu.memory_space<hbm>> -> memref<128xf32, #tpu.memory_space<hbm>>
        %dma_start3A_143 = tpu.memref_slice %arg3[%add3A_120] : memref<10240xf32, #tpu.memory_space<hbm>> -> memref<128xf32, #tpu.memory_space<hbm>>
        tpu.enqueue_dma source(%arg6 : memref<128xf32, #tpu.memory_space<vmem>>) target(%dma_start3A_143 : memref<128xf32, #tpu.memory_space<hbm>>) target_semaphore(%run_scoped3A : memref<!tpu.dma_semaphore, #tpu.memory_space<semaphore_mem>>)
        %dma_wait3A = tpu.memref_slice %arg3[%add3A_120] : memref<10240xf32, #tpu.memory_space<hbm>> -> memref<128xf32, #tpu.memory_space<hbm>>
        %dma_wait3A_144 = tpu.memref_slice %arg3[%add3A_120] : memref<10240xf32, #tpu.memory_space<hbm>> -> memref<128xf32, #tpu.memory_space<hbm>>
        tpu.wait_dma2 semaphore(%run_scoped3A : memref<!tpu.dma_semaphore, #tpu.memory_space<semaphore_mem>>) src(%arg6 : memref<128xf32, #tpu.memory_space<vmem>>) dst(%dma_wait3A_144 : memref<128xf32, #tpu.memory_space<hbm>>)
        tpu.yield
      }) : () -> ()
    } else {
    }
    %eq3A_126 = arith.constant 1 : i32
    %eq3A_127 = arith.cmpi eq, %arg0, %eq3A_126 : i32
    %convert_element_type3A_128 = arith.extui %eq3A_127 : i1 to i32
    %cond3A_129 = arith.constant 0 : i32
    %cond3A_130 = arith.cmpi ne, %convert_element_type3A_128, %cond3A_129 : i32
    scf.if %cond3A_130 {
      "tpu.region"() ({
        %run_scoped3A = tpu.sem_alloc : memref<!tpu.dma_semaphore, #tpu.memory_space<semaphore_mem>>
        %dma_start3A = tpu.memref_slice %arg4[%add3A_120] : memref<10240xf32, #tpu.memory_space<hbm>> -> memref<128xf32, #tpu.memory_space<hbm>>
        %dma_start3A_143 = tpu.memref_slice %arg4[%add3A_120] : memref<10240xf32, #tpu.memory_space<hbm>> -> memref<128xf32, #tpu.memory_space<hbm>>
        tpu.enqueue_dma source(%arg6 : memref<128xf32, #tpu.memory_space<vmem>>) target(%dma_start3A_143 : memref<128xf32, #tpu.memory_space<hbm>>) target_semaphore(%run_scoped3A : memref<!tpu.dma_semaphore, #tpu.memory_space<semaphore_mem>>)
        %dma_wait3A = tpu.memref_slice %arg4[%add3A_120] : memref<10240xf32, #tpu.memory_space<hbm>> -> memref<128xf32, #tpu.memory_space<hbm>>
        %dma_wait3A_144 = tpu.memref_slice %arg4[%add3A_120] : memref<10240xf32, #tpu.memory_space<hbm>> -> memref<128xf32, #tpu.memory_space<hbm>>
        tpu.wait_dma2 semaphore(%run_scoped3A : memref<!tpu.dma_semaphore, #tpu.memory_space<semaphore_mem>>) src(%arg6 : memref<128xf32, #tpu.memory_space<vmem>>) dst(%dma_wait3A_144 : memref<128xf32, #tpu.memory_space<hbm>>)
        tpu.yield
      }) : () -> ()
    } else {
    }
    %add3A_131 = arith.constant 512 : i32
    %add3A_132 = arith.addi %mul3A_2, %add3A_131 : i32
    "tpu.region"() ({
      %run_scoped3A = tpu.sem_alloc : memref<!tpu.dma_semaphore, #tpu.memory_space<semaphore_mem>>
      %dma_start3A = tpu.memref_slice %arg7[%add3A_132] : memref<10240xf32, #tpu.memory_space<vmem_shared>> -> memref<128xf32, #tpu.memory_space<vmem_shared>>
      %dma_start3A_143 = tpu.memref_slice %arg7[%add3A_132] : memref<10240xf32, #tpu.memory_space<vmem_shared>> -> memref<128xf32, #tpu.memory_space<vmem_shared>>
      tpu.enqueue_dma source(%dma_start3A_143 : memref<128xf32, #tpu.memory_space<vmem_shared>>) target(%arg6 : memref<128xf32, #tpu.memory_space<vmem>>) target_semaphore(%run_scoped3A : memref<!tpu.dma_semaphore, #tpu.memory_space<semaphore_mem>>)
      %dma_wait3A = tpu.memref_slice %arg7[%add3A_132] : memref<10240xf32, #tpu.memory_space<vmem_shared>> -> memref<128xf32, #tpu.memory_space<vmem_shared>>
      %dma_wait3A_144 = tpu.memref_slice %arg7[%add3A_132] : memref<10240xf32, #tpu.memory_space<vmem_shared>> -> memref<128xf32, #tpu.memory_space<vmem_shared>>
      tpu.wait_dma2 semaphore(%run_scoped3A : memref<!tpu.dma_semaphore, #tpu.memory_space<semaphore_mem>>) src(%dma_wait3A_144 : memref<128xf32, #tpu.memory_space<vmem_shared>>) dst(%arg6 : memref<128xf32, #tpu.memory_space<vmem>>)
      tpu.yield
    }) : () -> ()
    %eq3A_133 = arith.constant 0 : i32
    %eq3A_134 = arith.cmpi eq, %arg0, %eq3A_133 : i32
    %convert_element_type3A_135 = arith.extui %eq3A_134 : i1 to i32
    %cond3A_136 = arith.constant 0 : i32
    %cond3A_137 = arith.cmpi ne, %convert_element_type3A_135, %cond3A_136 : i32
    scf.if %cond3A_137 {
      "tpu.region"() ({
        %run_scoped3A = tpu.sem_alloc : memref<!tpu.dma_semaphore, #tpu.memory_space<semaphore_mem>>
        %dma_start3A = tpu.memref_slice %arg3[%add3A_132] : memref<10240xf32, #tpu.memory_space<hbm>> -> memref<128xf32, #tpu.memory_space<hbm>>
        %dma_start3A_143 = tpu.memref_slice %arg3[%add3A_132] : memref<10240xf32, #tpu.memory_space<hbm>> -> memref<128xf32, #tpu.memory_space<hbm>>
        tpu.enqueue_dma source(%arg6 : memref<128xf32, #tpu.memory_space<vmem>>) target(%dma_start3A_143 : memref<128xf32, #tpu.memory_space<hbm>>) target_semaphore(%run_scoped3A : memref<!tpu.dma_semaphore, #tpu.memory_space<semaphore_mem>>)
        %dma_wait3A = tpu.memref_slice %arg3[%add3A_132] : memref<10240xf32, #tpu.memory_space<hbm>> -> memref<128xf32, #tpu.memory_space<hbm>>
        %dma_wait3A_144 = tpu.memref_slice %arg3[%add3A_132] : memref<10240xf32, #tpu.memory_space<hbm>> -> memref<128xf32, #tpu.memory_space<hbm>>
        tpu.wait_dma2 semaphore(%run_scoped3A : memref<!tpu.dma_semaphore, #tpu.memory_space<semaphore_mem>>) src(%arg6 : memref<128xf32, #tpu.memory_space<vmem>>) dst(%dma_wait3A_144 : memref<128xf32, #tpu.memory_space<hbm>>)
        tpu.yield
      }) : () -> ()
    } else {
    }
    %eq3A_138 = arith.constant 1 : i32
    %eq3A_139 = arith.cmpi eq, %arg0, %eq3A_138 : i32
    %convert_element_type3A_140 = arith.extui %eq3A_139 : i1 to i32
    %cond3A_141 = arith.constant 0 : i32
    %cond3A_142 = arith.cmpi ne, %convert_element_type3A_140, %cond3A_141 : i32
    scf.if %cond3A_142 {
      "tpu.region"() ({
        %run_scoped3A = tpu.sem_alloc : memref<!tpu.dma_semaphore, #tpu.memory_space<semaphore_mem>>
        %dma_start3A = tpu.memref_slice %arg4[%add3A_132] : memref<10240xf32, #tpu.memory_space<hbm>> -> memref<128xf32, #tpu.memory_space<hbm>>
        %dma_start3A_143 = tpu.memref_slice %arg4[%add3A_132] : memref<10240xf32, #tpu.memory_space<hbm>> -> memref<128xf32, #tpu.memory_space<hbm>>
        tpu.enqueue_dma source(%arg6 : memref<128xf32, #tpu.memory_space<vmem>>) target(%dma_start3A_143 : memref<128xf32, #tpu.memory_space<hbm>>) target_semaphore(%run_scoped3A : memref<!tpu.dma_semaphore, #tpu.memory_space<semaphore_mem>>)
        %dma_wait3A = tpu.memref_slice %arg4[%add3A_132] : memref<10240xf32, #tpu.memory_space<hbm>> -> memref<128xf32, #tpu.memory_space<hbm>>
        %dma_wait3A_144 = tpu.memref_slice %arg4[%add3A_132] : memref<10240xf32, #tpu.memory_space<hbm>> -> memref<128xf32, #tpu.memory_space<hbm>>
        tpu.wait_dma2 semaphore(%run_scoped3A : memref<!tpu.dma_semaphore, #tpu.memory_space<semaphore_mem>>) src(%arg6 : memref<128xf32, #tpu.memory_space<vmem>>) dst(%dma_wait3A_144 : memref<128xf32, #tpu.memory_space<hbm>>)
        tpu.yield
      }) : () -> ()
    } else {
    }
    return
  }
}

#map = affine_map<(d0, d1) -> (0, 0)>
#map1 = affine_map<(d0, d1) -> (0)>
#map2 = affine_map<(d0, d1) -> (0, 0, 0)>
module attributes {stable_mosaic.version = 14 : i64} {
  func.func @_sc_scatter(%arg0: i32, %arg1: i32, %arg2: memref<10240x128xf32, #tpu.memory_space<hbm>>, %arg3: memref<327680xi32, #tpu.memory_space<hbm>>, %arg4: memref<327680xi32, #tpu.memory_space<hbm>>, %arg5: memref<2x10240x128xf32, #tpu.memory_space<hbm>>, %arg6: memref<128xi32, #tpu.memory_space<vmem>>, %arg7: memref<128xi32, #tpu.memory_space<vmem>>, %arg8: memref<128x128xf32, #tpu.memory_space<vmem>>, %arg9: memref<!tpu.dma_semaphore, #tpu.memory_space<semaphore_mem>>, %arg10: memref<10240x128xf32, #tpu.memory_space<vmem_shared>>) attributes {dimension_semantics = [#tpu.dimension_semantics<core_parallel>, #tpu.dimension_semantics<subcore_parallel>], iteration_bounds = array<i64: 2, 16>, scalar_prefetch = 0 : i64, scratch_operands = 5 : i64, tpu.core_type = #tpu.core_type<sc_vector_subcore>, window_params = [{transform_indices = #map}, {transform_indices = #map1}, {transform_indices = #map1}, {transform_indices = #map2}]} {
    %mul3A = arith.constant 640 : i32
    %mul3A_0 = arith.muli %arg1, %mul3A : i32
    %broadcast_in_dim3A = arith.constant 0.000000e+00 : f32
    %broadcast_in_dim3A_1 = vector.broadcast %broadcast_in_dim3A : f32 to vector<16xf32>
    %scan3A = arith.constant 0 : i32
    %scan3A_2 = arith.constant 0 : i32
    %scan3A_3 = arith.constant 128 : i32
    %scan3A_4 = arith.addi %scan3A_2, %scan3A_3 : i32
    %scan3A_5 = arith.constant 1 : i32
    %scan3A_6 = scf.for %scan3A_50 = %scan3A_2 to %scan3A_4 step %scan3A_5 iter_args(%scan3A_51 = %scan3A) -> (i32)  : i32 {
      %swap3A = arith.index_cast %scan3A_50 : i32 to index
      %swap3A_52 = arith.constant 0 : index
      %swap3A_53 = tpu.vector_load %arg8[%swap3A, %swap3A_52] {strides = array<i32>} : memref<128x128xf32, #tpu.memory_space<vmem>>, vector<1x16xf32>,
      %swap3A_54 = vector.shape_cast %swap3A_53 : vector<1x16xf32> to vector<16xf32>
      %swap3A_55 = vector.shape_cast %broadcast_in_dim3A_1 : vector<16xf32> to vector<1x16xf32>
      tpu.vector_store %arg8[%swap3A, %swap3A_52], %swap3A_55 {strides = array<i32>} : memref<128x128xf32, #tpu.memory_space<vmem>>, vector<1x16xf32>,
      %swap3A_56 = arith.index_cast %scan3A_50 : i32 to index
      %swap3A_57 = arith.constant 16 : index
      %swap3A_58 = tpu.vector_load %arg8[%swap3A_56, %swap3A_57] {strides = array<i32>} : memref<128x128xf32, #tpu.memory_space<vmem>>, vector<1x16xf32>,
      %swap3A_59 = vector.shape_cast %swap3A_58 : vector<1x16xf32> to vector<16xf32>
      %swap3A_60 = vector.shape_cast %broadcast_in_dim3A_1 : vector<16xf32> to vector<1x16xf32>
      tpu.vector_store %arg8[%swap3A_56, %swap3A_57], %swap3A_60 {strides = array<i32>} : memref<128x128xf32, #tpu.memory_space<vmem>>, vector<1x16xf32>,
      %swap3A_61 = arith.index_cast %scan3A_50 : i32 to index
      %swap3A_62 = arith.constant 32 : index
      %swap3A_63 = tpu.vector_load %arg8[%swap3A_61, %swap3A_62] {strides = array<i32>} : memref<128x128xf32, #tpu.memory_space<vmem>>, vector<1x16xf32>,
      %swap3A_64 = vector.shape_cast %swap3A_63 : vector<1x16xf32> to vector<16xf32>
      %swap3A_65 = vector.shape_cast %broadcast_in_dim3A_1 : vector<16xf32> to vector<1x16xf32>
      tpu.vector_store %arg8[%swap3A_61, %swap3A_62], %swap3A_65 {strides = array<i32>} : memref<128x128xf32, #tpu.memory_space<vmem>>, vector<1x16xf32>,
      %swap3A_66 = arith.index_cast %scan3A_50 : i32 to index
      %swap3A_67 = arith.constant 48 : index
      %swap3A_68 = tpu.vector_load %arg8[%swap3A_66, %swap3A_67] {strides = array<i32>} : memref<128x128xf32, #tpu.memory_space<vmem>>, vector<1x16xf32>,
      %swap3A_69 = vector.shape_cast %swap3A_68 : vector<1x16xf32> to vector<16xf32>
      %swap3A_70 = vector.shape_cast %broadcast_in_dim3A_1 : vector<16xf32> to vector<1x16xf32>
      tpu.vector_store %arg8[%swap3A_66, %swap3A_67], %swap3A_70 {strides = array<i32>} : memref<128x128xf32, #tpu.memory_space<vmem>>, vector<1x16xf32>,
      %swap3A_71 = arith.index_cast %scan3A_50 : i32 to index
      %swap3A_72 = arith.constant 64 : index
      %swap3A_73 = tpu.vector_load %arg8[%swap3A_71, %swap3A_72] {strides = array<i32>} : memref<128x128xf32, #tpu.memory_space<vmem>>, vector<1x16xf32>,
      %swap3A_74 = vector.shape_cast %swap3A_73 : vector<1x16xf32> to vector<16xf32>
      %swap3A_75 = vector.shape_cast %broadcast_in_dim3A_1 : vector<16xf32> to vector<1x16xf32>
      tpu.vector_store %arg8[%swap3A_71, %swap3A_72], %swap3A_75 {strides = array<i32>} : memref<128x128xf32, #tpu.memory_space<vmem>>, vector<1x16xf32>,
      %swap3A_76 = arith.index_cast %scan3A_50 : i32 to index
      %swap3A_77 = arith.constant 80 : index
      %swap3A_78 = tpu.vector_load %arg8[%swap3A_76, %swap3A_77] {strides = array<i32>} : memref<128x128xf32, #tpu.memory_space<vmem>>, vector<1x16xf32>,
      %swap3A_79 = vector.shape_cast %swap3A_78 : vector<1x16xf32> to vector<16xf32>
      %swap3A_80 = vector.shape_cast %broadcast_in_dim3A_1 : vector<16xf32> to vector<1x16xf32>
      tpu.vector_store %arg8[%swap3A_76, %swap3A_77], %swap3A_80 {strides = array<i32>} : memref<128x128xf32, #tpu.memory_space<vmem>>, vector<1x16xf32>,
      %swap3A_81 = arith.index_cast %scan3A_50 : i32 to index
      %swap3A_82 = arith.constant 96 : index
      %swap3A_83 = tpu.vector_load %arg8[%swap3A_81, %swap3A_82] {strides = array<i32>} : memref<128x128xf32, #tpu.memory_space<vmem>>, vector<1x16xf32>,
      %swap3A_84 = vector.shape_cast %swap3A_83 : vector<1x16xf32> to vector<16xf32>
      %swap3A_85 = vector.shape_cast %broadcast_in_dim3A_1 : vector<16xf32> to vector<1x16xf32>
      tpu.vector_store %arg8[%swap3A_81, %swap3A_82], %swap3A_85 {strides = array<i32>} : memref<128x128xf32, #tpu.memory_space<vmem>>, vector<1x16xf32>,
      %swap3A_86 = arith.index_cast %scan3A_50 : i32 to index
      %swap3A_87 = arith.constant 112 : index
      %swap3A_88 = tpu.vector_load %arg8[%swap3A_86, %swap3A_87] {strides = array<i32>} : memref<128x128xf32, #tpu.memory_space<vmem>>, vector<1x16xf32>,
      %swap3A_89 = vector.shape_cast %swap3A_88 : vector<1x16xf32> to vector<16xf32>
      %swap3A_90 = vector.shape_cast %broadcast_in_dim3A_1 : vector<16xf32> to vector<1x16xf32>
      tpu.vector_store %arg8[%swap3A_86, %swap3A_87], %swap3A_90 {strides = array<i32>} : memref<128x128xf32, #tpu.memory_space<vmem>>, vector<1x16xf32>,
      %scan3A_91 = arith.constant 0 : i32
      scf.yield %scan3A_91 : i32
    }
    %scan3A_7 = arith.constant 128 : i32
    %add3A = arith.constant 0 : i32
    %add3A_8 = arith.addi %mul3A_0, %add3A : i32
    "tpu.region"() ({
      %run_scoped3A = tpu.sem_alloc : memref<!tpu.dma_semaphore, #tpu.memory_space<semaphore_mem>>
      %dma_start3A = arith.constant 0 : i32
      %dma_start3A_50 = tpu.memref_slice %arg10[%add3A_8, %dma_start3A] : memref<10240x128xf32, #tpu.memory_space<vmem_shared>> -> memref<128x128xf32, #tpu.memory_space<vmem_shared>>
      %dma_start3A_51 = arith.constant 0 : i32
      %dma_start3A_52 = tpu.memref_slice %arg10[%add3A_8, %dma_start3A_51] : memref<10240x128xf32, #tpu.memory_space<vmem_shared>> -> memref<128x128xf32, #tpu.memory_space<vmem_shared>>
      tpu.enqueue_dma source(%arg8 : memref<128x128xf32, #tpu.memory_space<vmem>>) target(%dma_start3A_52 : memref<128x128xf32, #tpu.memory_space<vmem_shared>>) target_semaphore(%run_scoped3A : memref<!tpu.dma_semaphore, #tpu.memory_space<semaphore_mem>>)
      %dma_wait3A = arith.constant 0 : i32
      %dma_wait3A_53 = tpu.memref_slice %arg10[%add3A_8, %dma_wait3A] : memref<10240x128xf32, #tpu.memory_space<vmem_shared>> -> memref<128x128xf32, #tpu.memory_space<vmem_shared>>
      %dma_wait3A_54 = arith.constant 0 : i32
      %dma_wait3A_55 = tpu.memref_slice %arg10[%add3A_8, %dma_wait3A_54] : memref<10240x128xf32, #tpu.memory_space<vmem_shared>> -> memref<128x128xf32, #tpu.memory_space<vmem_shared>>
      tpu.wait_dma2 semaphore(%run_scoped3A : memref<!tpu.dma_semaphore, #tpu.memory_space<semaphore_mem>>) src(%arg8 : memref<128x128xf32, #tpu.memory_space<vmem>>) dst(%dma_wait3A_55 : memref<128x128xf32, #tpu.memory_space<vmem_shared>>)
      tpu.yield
    }) : () -> ()
    %add3A_9 = arith.constant 128 : i32
    %add3A_10 = arith.addi %mul3A_0, %add3A_9 : i32
    "tpu.region"() ({
      %run_scoped3A = tpu.sem_alloc : memref<!tpu.dma_semaphore, #tpu.memory_space<semaphore_mem>>
      %dma_start3A = arith.constant 0 : i32
      %dma_start3A_50 = tpu.memref_slice %arg10[%add3A_10, %dma_start3A] : memref<10240x128xf32, #tpu.memory_space<vmem_shared>> -> memref<128x128xf32, #tpu.memory_space<vmem_shared>>
      %dma_start3A_51 = arith.constant 0 : i32
      %dma_start3A_52 = tpu.memref_slice %arg10[%add3A_10, %dma_start3A_51] : memref<10240x128xf32, #tpu.memory_space<vmem_shared>> -> memref<128x128xf32, #tpu.memory_space<vmem_shared>>
      tpu.enqueue_dma source(%arg8 : memref<128x128xf32, #tpu.memory_space<vmem>>) target(%dma_start3A_52 : memref<128x128xf32, #tpu.memory_space<vmem_shared>>) target_semaphore(%run_scoped3A : memref<!tpu.dma_semaphore, #tpu.memory_space<semaphore_mem>>)
      %dma_wait3A = arith.constant 0 : i32
      %dma_wait3A_53 = tpu.memref_slice %arg10[%add3A_10, %dma_wait3A] : memref<10240x128xf32, #tpu.memory_space<vmem_shared>> -> memref<128x128xf32, #tpu.memory_space<vmem_shared>>
      %dma_wait3A_54 = arith.constant 0 : i32
      %dma_wait3A_55 = tpu.memref_slice %arg10[%add3A_10, %dma_wait3A_54] : memref<10240x128xf32, #tpu.memory_space<vmem_shared>> -> memref<128x128xf32, #tpu.memory_space<vmem_shared>>
      tpu.wait_dma2 semaphore(%run_scoped3A : memref<!tpu.dma_semaphore, #tpu.memory_space<semaphore_mem>>) src(%arg8 : memref<128x128xf32, #tpu.memory_space<vmem>>) dst(%dma_wait3A_55 : memref<128x128xf32, #tpu.memory_space<vmem_shared>>)
      tpu.yield
    }) : () -> ()
    %add3A_11 = arith.constant 256 : i32
    %add3A_12 = arith.addi %mul3A_0, %add3A_11 : i32
    "tpu.region"() ({
      %run_scoped3A = tpu.sem_alloc : memref<!tpu.dma_semaphore, #tpu.memory_space<semaphore_mem>>
      %dma_start3A = arith.constant 0 : i32
      %dma_start3A_50 = tpu.memref_slice %arg10[%add3A_12, %dma_start3A] : memref<10240x128xf32, #tpu.memory_space<vmem_shared>> -> memref<128x128xf32, #tpu.memory_space<vmem_shared>>
      %dma_start3A_51 = arith.constant 0 : i32
      %dma_start3A_52 = tpu.memref_slice %arg10[%add3A_12, %dma_start3A_51] : memref<10240x128xf32, #tpu.memory_space<vmem_shared>> -> memref<128x128xf32, #tpu.memory_space<vmem_shared>>
      tpu.enqueue_dma source(%arg8 : memref<128x128xf32, #tpu.memory_space<vmem>>) target(%dma_start3A_52 : memref<128x128xf32, #tpu.memory_space<vmem_shared>>) target_semaphore(%run_scoped3A : memref<!tpu.dma_semaphore, #tpu.memory_space<semaphore_mem>>)
      %dma_wait3A = arith.constant 0 : i32
      %dma_wait3A_53 = tpu.memref_slice %arg10[%add3A_12, %dma_wait3A] : memref<10240x128xf32, #tpu.memory_space<vmem_shared>> -> memref<128x128xf32, #tpu.memory_space<vmem_shared>>
      %dma_wait3A_54 = arith.constant 0 : i32
      %dma_wait3A_55 = tpu.memref_slice %arg10[%add3A_12, %dma_wait3A_54] : memref<10240x128xf32, #tpu.memory_space<vmem_shared>> -> memref<128x128xf32, #tpu.memory_space<vmem_shared>>
      tpu.wait_dma2 semaphore(%run_scoped3A : memref<!tpu.dma_semaphore, #tpu.memory_space<semaphore_mem>>) src(%arg8 : memref<128x128xf32, #tpu.memory_space<vmem>>) dst(%dma_wait3A_55 : memref<128x128xf32, #tpu.memory_space<vmem_shared>>)
      tpu.yield
    }) : () -> ()
    %add3A_13 = arith.constant 384 : i32
    %add3A_14 = arith.addi %mul3A_0, %add3A_13 : i32
    "tpu.region"() ({
      %run_scoped3A = tpu.sem_alloc : memref<!tpu.dma_semaphore, #tpu.memory_space<semaphore_mem>>
      %dma_start3A = arith.constant 0 : i32
      %dma_start3A_50 = tpu.memref_slice %arg10[%add3A_14, %dma_start3A] : memref<10240x128xf32, #tpu.memory_space<vmem_shared>> -> memref<128x128xf32, #tpu.memory_space<vmem_shared>>
      %dma_start3A_51 = arith.constant 0 : i32
      %dma_start3A_52 = tpu.memref_slice %arg10[%add3A_14, %dma_start3A_51] : memref<10240x128xf32, #tpu.memory_space<vmem_shared>> -> memref<128x128xf32, #tpu.memory_space<vmem_shared>>
      tpu.enqueue_dma source(%arg8 : memref<128x128xf32, #tpu.memory_space<vmem>>) target(%dma_start3A_52 : memref<128x128xf32, #tpu.memory_space<vmem_shared>>) target_semaphore(%run_scoped3A : memref<!tpu.dma_semaphore, #tpu.memory_space<semaphore_mem>>)
      %dma_wait3A = arith.constant 0 : i32
      %dma_wait3A_53 = tpu.memref_slice %arg10[%add3A_14, %dma_wait3A] : memref<10240x128xf32, #tpu.memory_space<vmem_shared>> -> memref<128x128xf32, #tpu.memory_space<vmem_shared>>
      %dma_wait3A_54 = arith.constant 0 : i32
      %dma_wait3A_55 = tpu.memref_slice %arg10[%add3A_14, %dma_wait3A_54] : memref<10240x128xf32, #tpu.memory_space<vmem_shared>> -> memref<128x128xf32, #tpu.memory_space<vmem_shared>>
      tpu.wait_dma2 semaphore(%run_scoped3A : memref<!tpu.dma_semaphore, #tpu.memory_space<semaphore_mem>>) src(%arg8 : memref<128x128xf32, #tpu.memory_space<vmem>>) dst(%dma_wait3A_55 : memref<128x128xf32, #tpu.memory_space<vmem_shared>>)
      tpu.yield
    }) : () -> ()
    %add3A_15 = arith.constant 512 : i32
    %add3A_16 = arith.addi %mul3A_0, %add3A_15 : i32
    "tpu.region"() ({
      %run_scoped3A = tpu.sem_alloc : memref<!tpu.dma_semaphore, #tpu.memory_space<semaphore_mem>>
      %dma_start3A = arith.constant 0 : i32
      %dma_start3A_50 = tpu.memref_slice %arg10[%add3A_16, %dma_start3A] : memref<10240x128xf32, #tpu.memory_space<vmem_shared>> -> memref<128x128xf32, #tpu.memory_space<vmem_shared>>
      %dma_start3A_51 = arith.constant 0 : i32
      %dma_start3A_52 = tpu.memref_slice %arg10[%add3A_16, %dma_start3A_51] : memref<10240x128xf32, #tpu.memory_space<vmem_shared>> -> memref<128x128xf32, #tpu.memory_space<vmem_shared>>
      tpu.enqueue_dma source(%arg8 : memref<128x128xf32, #tpu.memory_space<vmem>>) target(%dma_start3A_52 : memref<128x128xf32, #tpu.memory_space<vmem_shared>>) target_semaphore(%run_scoped3A : memref<!tpu.dma_semaphore, #tpu.memory_space<semaphore_mem>>)
      %dma_wait3A = arith.constant 0 : i32
      %dma_wait3A_53 = tpu.memref_slice %arg10[%add3A_16, %dma_wait3A] : memref<10240x128xf32, #tpu.memory_space<vmem_shared>> -> memref<128x128xf32, #tpu.memory_space<vmem_shared>>
      %dma_wait3A_54 = arith.constant 0 : i32
      %dma_wait3A_55 = tpu.memref_slice %arg10[%add3A_16, %dma_wait3A_54] : memref<10240x128xf32, #tpu.memory_space<vmem_shared>> -> memref<128x128xf32, #tpu.memory_space<vmem_shared>>
      tpu.wait_dma2 semaphore(%run_scoped3A : memref<!tpu.dma_semaphore, #tpu.memory_space<semaphore_mem>>) src(%arg8 : memref<128x128xf32, #tpu.memory_space<vmem>>) dst(%dma_wait3A_55 : memref<128x128xf32, #tpu.memory_space<vmem_shared>>)
      tpu.yield
    }) : () -> ()
    %barrier3A = arith.constant 0 : index
    tpu.barrier barrier_id(%barrier3A)
    %eq3A = arith.constant 0 : i32
    %eq3A_17 = arith.cmpi eq, %arg0, %eq3A : i32
    %jit3A = arith.constant 160 : i32
    %jit3A_18 = arith.constant 0 : i32
    %select_n3A = arith.select %eq3A_17, %jit3A, %jit3A_18 : i32
    %eq3A_19 = arith.constant 0 : i32
    %eq3A_20 = arith.cmpi eq, %arg0, %eq3A_19 : i32
    %mul3A_21 = arith.constant 160 : i32
    %mul3A_22 = arith.muli %arg1, %mul3A_21 : i32
    %mul3A_23 = arith.constant 0 : i32
    %mul3A_24 = arith.muli %arg1, %mul3A_23 : i32
    %add3A_25 = arith.constant 2560 : i32
    %add3A_26 = arith.addi %add3A_25, %mul3A_24 : i32
    %select_n3A_27 = arith.select %eq3A_20, %mul3A_22, %add3A_26 : i32
    %while3A = arith.constant 0 : i32
    %while3A_28 = arith.constant 0 : i32
    %while3A_29 = arith.subi %select_n3A, %while3A : i32
    %while3A_30 = arith.addi %while3A, %while3A_29 : i32
    %while3A_31 = arith.constant 1 : i32
    %while3A_32 = arith.divsi %while3A_29, %while3A_31 : i32
    %while3A_33 = arith.muli %while3A_32, %while3A_31 : i32
    %while3A_34 = arith.addi %while3A, %while3A_33 : i32
    %while3A_35 = arith.constant 1 : i32
    %while3A_36 = scf.for %while3A_50 = %while3A to %while3A_34 step %while3A_35 iter_args(%while3A_51 = %while3A_28) -> (i32)  : i32 {
      %add3A_52 = arith.addi %select_n3A_27, %while3A_50 : i32
      %mul3A_53 = arith.constant 128 : i32
      %mul3A_54 = arith.muli %add3A_52, %mul3A_53 : i32
      "tpu.region"() ({
        %run_scoped3A = tpu.sem_alloc : memref<!tpu.dma_semaphore, #tpu.memory_space<semaphore_mem>>
        %dma_start3A_60 = tpu.memref_slice %arg3[%mul3A_54] : memref<327680xi32, #tpu.memory_space<hbm>> -> memref<128xi32, #tpu.memory_space<hbm>>
        %dma_start3A_61 = tpu.memref_slice %arg3[%mul3A_54] : memref<327680xi32, #tpu.memory_space<hbm>> -> memref<128xi32, #tpu.memory_space<hbm>>
        tpu.enqueue_dma source(%dma_start3A_61 : memref<128xi32, #tpu.memory_space<hbm>>) target(%arg6 : memref<128xi32, #tpu.memory_space<vmem>>) target_semaphore(%run_scoped3A : memref<!tpu.dma_semaphore, #tpu.memory_space<semaphore_mem>>)
        %dma_wait3A_62 = tpu.memref_slice %arg3[%mul3A_54] : memref<327680xi32, #tpu.memory_space<hbm>> -> memref<128xi32, #tpu.memory_space<hbm>>
        %dma_wait3A_63 = tpu.memref_slice %arg3[%mul3A_54] : memref<327680xi32, #tpu.memory_space<hbm>> -> memref<128xi32, #tpu.memory_space<hbm>>
        tpu.wait_dma2 semaphore(%run_scoped3A : memref<!tpu.dma_semaphore, #tpu.memory_space<semaphore_mem>>) src(%dma_wait3A_63 : memref<128xi32, #tpu.memory_space<hbm>>) dst(%arg6 : memref<128xi32, #tpu.memory_space<vmem>>)
        tpu.yield
      }) : () -> ()
      "tpu.region"() ({
        %run_scoped3A = tpu.sem_alloc : memref<!tpu.dma_semaphore, #tpu.memory_space<semaphore_mem>>
        %dma_start3A_60 = tpu.memref_slice %arg4[%mul3A_54] : memref<327680xi32, #tpu.memory_space<hbm>> -> memref<128xi32, #tpu.memory_space<hbm>>
        %dma_start3A_61 = tpu.memref_slice %arg4[%mul3A_54] : memref<327680xi32, #tpu.memory_space<hbm>> -> memref<128xi32, #tpu.memory_space<hbm>>
        tpu.enqueue_dma source(%dma_start3A_61 : memref<128xi32, #tpu.memory_space<hbm>>) target(%arg7 : memref<128xi32, #tpu.memory_space<vmem>>) target_semaphore(%run_scoped3A : memref<!tpu.dma_semaphore, #tpu.memory_space<semaphore_mem>>)
        %dma_wait3A_62 = tpu.memref_slice %arg4[%mul3A_54] : memref<327680xi32, #tpu.memory_space<hbm>> -> memref<128xi32, #tpu.memory_space<hbm>>
        %dma_wait3A_63 = tpu.memref_slice %arg4[%mul3A_54] : memref<327680xi32, #tpu.memory_space<hbm>> -> memref<128xi32, #tpu.memory_space<hbm>>
        tpu.wait_dma2 semaphore(%run_scoped3A : memref<!tpu.dma_semaphore, #tpu.memory_space<semaphore_mem>>) src(%dma_wait3A_63 : memref<128xi32, #tpu.memory_space<hbm>>) dst(%arg7 : memref<128xi32, #tpu.memory_space<vmem>>)
        tpu.yield
      }) : () -> ()
      %dma_start3A = arith.constant 0 : i32
      %dma_start3A_55 = arith.constant 0 : i32
      %dma_start3A_56 = tpu.memref_slice %arg2[%dma_start3A, %dma_start3A_55] : memref<10240x128xf32, #tpu.memory_space<hbm>> -> memref<10240x128xf32, #tpu.memory_space<hbm>>
      tpu.enqueue_indirect_dma source(%dma_start3A_56 : memref<10240x128xf32, #tpu.memory_space<hbm>>) target(%arg8 : memref<128x128xf32, #tpu.memory_space<vmem>>) offsets(%arg6 : memref<128xi32, #tpu.memory_space<vmem>>) semaphore(%arg9 : memref<!tpu.dma_semaphore, #tpu.memory_space<semaphore_mem>>)
      %dma_wait3A = arith.constant 0 : i32
      %dma_wait3A_57 = arith.constant 0 : i32
      %dma_wait3A_58 = tpu.memref_slice %arg2[%dma_wait3A, %dma_wait3A_57] : memref<10240x128xf32, #tpu.memory_space<hbm>> -> memref<10240x128xf32, #tpu.memory_space<hbm>>
      tpu.wait_indirect_dma semaphore(%arg9 : memref<!tpu.dma_semaphore, #tpu.memory_space<semaphore_mem>>) src(%dma_wait3A_58 : memref<10240x128xf32, #tpu.memory_space<hbm>>) dst(%arg8 : memref<128x128xf32, #tpu.memory_space<vmem>>)
      "tpu.region"() ({
        %run_scoped3A = tpu.sem_alloc : memref<!tpu.dma_semaphore, #tpu.memory_space<semaphore_mem>>
        %dma_start3A_60 = arith.constant 0 : i32
        %dma_start3A_61 = arith.constant 0 : i32
        %dma_start3A_62 = tpu.memref_slice %arg10[%dma_start3A_60, %dma_start3A_61] : memref<10240x128xf32, #tpu.memory_space<vmem_shared>> -> memref<10240x128xf32, #tpu.memory_space<vmem_shared>>
        tpu.enqueue_indirect_dma source(%arg8 : memref<128x128xf32, #tpu.memory_space<vmem>>) target(%dma_start3A_62 : memref<10240x128xf32, #tpu.memory_space<vmem_shared>>) offsets(%arg7 : memref<128xi32, #tpu.memory_space<vmem>>) semaphore(%run_scoped3A : memref<!tpu.dma_semaphore, #tpu.memory_space<semaphore_mem>>) {add = true}
        %dma_wait3A_63 = arith.constant 0 : i32
        %dma_wait3A_64 = arith.constant 0 : i32
        %dma_wait3A_65 = tpu.memref_slice %arg10[%dma_wait3A_63, %dma_wait3A_64] : memref<10240x128xf32, #tpu.memory_space<vmem_shared>> -> memref<10240x128xf32, #tpu.memory_space<vmem_shared>>
        tpu.wait_indirect_dma semaphore(%run_scoped3A : memref<!tpu.dma_semaphore, #tpu.memory_space<semaphore_mem>>) src(%arg8 : memref<128x128xf32, #tpu.memory_space<vmem>>) dst(%dma_wait3A_65 : memref<10240x128xf32, #tpu.memory_space<vmem_shared>>)
        tpu.yield
      }) : () -> ()
      %while3A_59 = arith.constant 0 : i32
      scf.yield %while3A_59 : i32
    }
    %while3A_37 = arith.constant 1 : i32
    %while3A_38 = scf.for %while3A_50 = %while3A_34 to %while3A_30 step %while3A_37 iter_args(%while3A_51 = %while3A_36) -> (i32)  : i32 {
      %add3A_52 = arith.addi %select_n3A_27, %while3A_50 : i32
      %mul3A_53 = arith.constant 128 : i32
      %mul3A_54 = arith.muli %add3A_52, %mul3A_53 : i32
      "tpu.region"() ({
        %run_scoped3A = tpu.sem_alloc : memref<!tpu.dma_semaphore, #tpu.memory_space<semaphore_mem>>
        %dma_start3A_60 = tpu.memref_slice %arg3[%mul3A_54] : memref<327680xi32, #tpu.memory_space<hbm>> -> memref<128xi32, #tpu.memory_space<hbm>>
        %dma_start3A_61 = tpu.memref_slice %arg3[%mul3A_54] : memref<327680xi32, #tpu.memory_space<hbm>> -> memref<128xi32, #tpu.memory_space<hbm>>
        tpu.enqueue_dma source(%dma_start3A_61 : memref<128xi32, #tpu.memory_space<hbm>>) target(%arg6 : memref<128xi32, #tpu.memory_space<vmem>>) target_semaphore(%run_scoped3A : memref<!tpu.dma_semaphore, #tpu.memory_space<semaphore_mem>>)
        %dma_wait3A_62 = tpu.memref_slice %arg3[%mul3A_54] : memref<327680xi32, #tpu.memory_space<hbm>> -> memref<128xi32, #tpu.memory_space<hbm>>
        %dma_wait3A_63 = tpu.memref_slice %arg3[%mul3A_54] : memref<327680xi32, #tpu.memory_space<hbm>> -> memref<128xi32, #tpu.memory_space<hbm>>
        tpu.wait_dma2 semaphore(%run_scoped3A : memref<!tpu.dma_semaphore, #tpu.memory_space<semaphore_mem>>) src(%dma_wait3A_63 : memref<128xi32, #tpu.memory_space<hbm>>) dst(%arg6 : memref<128xi32, #tpu.memory_space<vmem>>)
        tpu.yield
      }) : () -> ()
      "tpu.region"() ({
        %run_scoped3A = tpu.sem_alloc : memref<!tpu.dma_semaphore, #tpu.memory_space<semaphore_mem>>
        %dma_start3A_60 = tpu.memref_slice %arg4[%mul3A_54] : memref<327680xi32, #tpu.memory_space<hbm>> -> memref<128xi32, #tpu.memory_space<hbm>>
        %dma_start3A_61 = tpu.memref_slice %arg4[%mul3A_54] : memref<327680xi32, #tpu.memory_space<hbm>> -> memref<128xi32, #tpu.memory_space<hbm>>
        tpu.enqueue_dma source(%dma_start3A_61 : memref<128xi32, #tpu.memory_space<hbm>>) target(%arg7 : memref<128xi32, #tpu.memory_space<vmem>>) target_semaphore(%run_scoped3A : memref<!tpu.dma_semaphore, #tpu.memory_space<semaphore_mem>>)
        %dma_wait3A_62 = tpu.memref_slice %arg4[%mul3A_54] : memref<327680xi32, #tpu.memory_space<hbm>> -> memref<128xi32, #tpu.memory_space<hbm>>
        %dma_wait3A_63 = tpu.memref_slice %arg4[%mul3A_54] : memref<327680xi32, #tpu.memory_space<hbm>> -> memref<128xi32, #tpu.memory_space<hbm>>
        tpu.wait_dma2 semaphore(%run_scoped3A : memref<!tpu.dma_semaphore, #tpu.memory_space<semaphore_mem>>) src(%dma_wait3A_63 : memref<128xi32, #tpu.memory_space<hbm>>) dst(%arg7 : memref<128xi32, #tpu.memory_space<vmem>>)
        tpu.yield
      }) : () -> ()
      %dma_start3A = arith.constant 0 : i32
      %dma_start3A_55 = arith.constant 0 : i32
      %dma_start3A_56 = tpu.memref_slice %arg2[%dma_start3A, %dma_start3A_55] : memref<10240x128xf32, #tpu.memory_space<hbm>> -> memref<10240x128xf32, #tpu.memory_space<hbm>>
      tpu.enqueue_indirect_dma source(%dma_start3A_56 : memref<10240x128xf32, #tpu.memory_space<hbm>>) target(%arg8 : memref<128x128xf32, #tpu.memory_space<vmem>>) offsets(%arg6 : memref<128xi32, #tpu.memory_space<vmem>>) semaphore(%arg9 : memref<!tpu.dma_semaphore, #tpu.memory_space<semaphore_mem>>)
      %dma_wait3A = arith.constant 0 : i32
      %dma_wait3A_57 = arith.constant 0 : i32
      %dma_wait3A_58 = tpu.memref_slice %arg2[%dma_wait3A, %dma_wait3A_57] : memref<10240x128xf32, #tpu.memory_space<hbm>> -> memref<10240x128xf32, #tpu.memory_space<hbm>>
      tpu.wait_indirect_dma semaphore(%arg9 : memref<!tpu.dma_semaphore, #tpu.memory_space<semaphore_mem>>) src(%dma_wait3A_58 : memref<10240x128xf32, #tpu.memory_space<hbm>>) dst(%arg8 : memref<128x128xf32, #tpu.memory_space<vmem>>)
      "tpu.region"() ({
        %run_scoped3A = tpu.sem_alloc : memref<!tpu.dma_semaphore, #tpu.memory_space<semaphore_mem>>
        %dma_start3A_60 = arith.constant 0 : i32
        %dma_start3A_61 = arith.constant 0 : i32
        %dma_start3A_62 = tpu.memref_slice %arg10[%dma_start3A_60, %dma_start3A_61] : memref<10240x128xf32, #tpu.memory_space<vmem_shared>> -> memref<10240x128xf32, #tpu.memory_space<vmem_shared>>
        tpu.enqueue_indirect_dma source(%arg8 : memref<128x128xf32, #tpu.memory_space<vmem>>) target(%dma_start3A_62 : memref<10240x128xf32, #tpu.memory_space<vmem_shared>>) offsets(%arg7 : memref<128xi32, #tpu.memory_space<vmem>>) semaphore(%run_scoped3A : memref<!tpu.dma_semaphore, #tpu.memory_space<semaphore_mem>>) {add = true}
        %dma_wait3A_63 = arith.constant 0 : i32
        %dma_wait3A_64 = arith.constant 0 : i32
        %dma_wait3A_65 = tpu.memref_slice %arg10[%dma_wait3A_63, %dma_wait3A_64] : memref<10240x128xf32, #tpu.memory_space<vmem_shared>> -> memref<10240x128xf32, #tpu.memory_space<vmem_shared>>
        tpu.wait_indirect_dma semaphore(%run_scoped3A : memref<!tpu.dma_semaphore, #tpu.memory_space<semaphore_mem>>) src(%arg8 : memref<128x128xf32, #tpu.memory_space<vmem>>) dst(%dma_wait3A_65 : memref<10240x128xf32, #tpu.memory_space<vmem_shared>>)
        tpu.yield
      }) : () -> ()
      %while3A_59 = arith.constant 0 : i32
      scf.yield %while3A_59 : i32
    }
    %barrier3A_39 = arith.constant 0 : index
    tpu.barrier barrier_id(%barrier3A_39)
    %add3A_40 = arith.constant 0 : i32
    %add3A_41 = arith.addi %mul3A_0, %add3A_40 : i32
    "tpu.region"() ({
      %run_scoped3A = tpu.sem_alloc : memref<!tpu.dma_semaphore, #tpu.memory_space<semaphore_mem>>
      %dma_start3A = arith.constant 0 : i32
      %dma_start3A_50 = tpu.memref_slice %arg10[%add3A_41, %dma_start3A] : memref<10240x128xf32, #tpu.memory_space<vmem_shared>> -> memref<128x128xf32, #tpu.memory_space<vmem_shared>>
      %dma_start3A_51 = arith.constant 0 : i32
      %dma_start3A_52 = tpu.memref_slice %arg10[%add3A_41, %dma_start3A_51] : memref<10240x128xf32, #tpu.memory_space<vmem_shared>> -> memref<128x128xf32, #tpu.memory_space<vmem_shared>>
      tpu.enqueue_dma source(%dma_start3A_52 : memref<128x128xf32, #tpu.memory_space<vmem_shared>>) target(%arg8 : memref<128x128xf32, #tpu.memory_space<vmem>>) target_semaphore(%run_scoped3A : memref<!tpu.dma_semaphore, #tpu.memory_space<semaphore_mem>>)
      %dma_wait3A = arith.constant 0 : i32
      %dma_wait3A_53 = tpu.memref_slice %arg10[%add3A_41, %dma_wait3A] : memref<10240x128xf32, #tpu.memory_space<vmem_shared>> -> memref<128x128xf32, #tpu.memory_space<vmem_shared>>
      %dma_wait3A_54 = arith.constant 0 : i32
      %dma_wait3A_55 = tpu.memref_slice %arg10[%add3A_41, %dma_wait3A_54] : memref<10240x128xf32, #tpu.memory_space<vmem_shared>> -> memref<128x128xf32, #tpu.memory_space<vmem_shared>>
      tpu.wait_dma2 semaphore(%run_scoped3A : memref<!tpu.dma_semaphore, #tpu.memory_space<semaphore_mem>>) src(%dma_wait3A_55 : memref<128x128xf32, #tpu.memory_space<vmem_shared>>) dst(%arg8 : memref<128x128xf32, #tpu.memory_space<vmem>>)
      tpu.yield
    }) : () -> ()
    "tpu.region"() ({
      %run_scoped3A = tpu.sem_alloc : memref<!tpu.dma_semaphore, #tpu.memory_space<semaphore_mem>>
      %dma_start3A = arith.constant 0 : i32
      %dma_start3A_50 = tpu.memref_slice %arg5[%arg0, %add3A_41, %dma_start3A] : memref<2x10240x128xf32, #tpu.memory_space<hbm>> -> memref<1x128x128xf32, #tpu.memory_space<hbm>>
      %dma_start3A_51 = tpu.memref_squeeze %dma_start3A_50 : memref<1x128x128xf32, #tpu.memory_space<hbm>> -> memref<128x128xf32, #tpu.memory_space<hbm>>
      %dma_start3A_52 = arith.constant 0 : i32
      %dma_start3A_53 = tpu.memref_slice %arg5[%arg0, %add3A_41, %dma_start3A_52] : memref<2x10240x128xf32, #tpu.memory_space<hbm>> -> memref<1x128x128xf32, #tpu.memory_space<hbm>>
      %dma_start3A_54 = tpu.memref_squeeze %dma_start3A_53 : memref<1x128x128xf32, #tpu.memory_space<hbm>> -> memref<128x128xf32, #tpu.memory_space<hbm>>
      tpu.enqueue_dma source(%arg8 : memref<128x128xf32, #tpu.memory_space<vmem>>) target(%dma_start3A_54 : memref<128x128xf32, #tpu.memory_space<hbm>>) target_semaphore(%run_scoped3A : memref<!tpu.dma_semaphore, #tpu.memory_space<semaphore_mem>>)
      %dma_wait3A = arith.constant 0 : i32
      %dma_wait3A_55 = tpu.memref_slice %arg5[%arg0, %add3A_41, %dma_wait3A] : memref<2x10240x128xf32, #tpu.memory_space<hbm>> -> memref<1x128x128xf32, #tpu.memory_space<hbm>>
      %dma_wait3A_56 = tpu.memref_squeeze %dma_wait3A_55 : memref<1x128x128xf32, #tpu.memory_space<hbm>> -> memref<128x128xf32, #tpu.memory_space<hbm>>
      %dma_wait3A_57 = arith.constant 0 : i32
      %dma_wait3A_58 = tpu.memref_slice %arg5[%arg0, %add3A_41, %dma_wait3A_57] : memref<2x10240x128xf32, #tpu.memory_space<hbm>> -> memref<1x128x128xf32, #tpu.memory_space<hbm>>
      %dma_wait3A_59 = tpu.memref_squeeze %dma_wait3A_58 : memref<1x128x128xf32, #tpu.memory_space<hbm>> -> memref<128x128xf32, #tpu.memory_space<hbm>>
      tpu.wait_dma2 semaphore(%run_scoped3A : memref<!tpu.dma_semaphore, #tpu.memory_space<semaphore_mem>>) src(%arg8 : memref<128x128xf32, #tpu.memory_space<vmem>>) dst(%dma_wait3A_59 : memref<128x128xf32, #tpu.memory_space<hbm>>)
      tpu.yield
    }) : () -> ()
    %add3A_42 = arith.constant 128 : i32
    %add3A_43 = arith.addi %mul3A_0, %add3A_42 : i32
    "tpu.region"() ({
      %run_scoped3A = tpu.sem_alloc : memref<!tpu.dma_semaphore, #tpu.memory_space<semaphore_mem>>
      %dma_start3A = arith.constant 0 : i32
      %dma_start3A_50 = tpu.memref_slice %arg10[%add3A_43, %dma_start3A] : memref<10240x128xf32, #tpu.memory_space<vmem_shared>> -> memref<128x128xf32, #tpu.memory_space<vmem_shared>>
      %dma_start3A_51 = arith.constant 0 : i32
      %dma_start3A_52 = tpu.memref_slice %arg10[%add3A_43, %dma_start3A_51] : memref<10240x128xf32, #tpu.memory_space<vmem_shared>> -> memref<128x128xf32, #tpu.memory_space<vmem_shared>>
      tpu.enqueue_dma source(%dma_start3A_52 : memref<128x128xf32, #tpu.memory_space<vmem_shared>>) target(%arg8 : memref<128x128xf32, #tpu.memory_space<vmem>>) target_semaphore(%run_scoped3A : memref<!tpu.dma_semaphore, #tpu.memory_space<semaphore_mem>>)
      %dma_wait3A = arith.constant 0 : i32
      %dma_wait3A_53 = tpu.memref_slice %arg10[%add3A_43, %dma_wait3A] : memref<10240x128xf32, #tpu.memory_space<vmem_shared>> -> memref<128x128xf32, #tpu.memory_space<vmem_shared>>
      %dma_wait3A_54 = arith.constant 0 : i32
      %dma_wait3A_55 = tpu.memref_slice %arg10[%add3A_43, %dma_wait3A_54] : memref<10240x128xf32, #tpu.memory_space<vmem_shared>> -> memref<128x128xf32, #tpu.memory_space<vmem_shared>>
      tpu.wait_dma2 semaphore(%run_scoped3A : memref<!tpu.dma_semaphore, #tpu.memory_space<semaphore_mem>>) src(%dma_wait3A_55 : memref<128x128xf32, #tpu.memory_space<vmem_shared>>) dst(%arg8 : memref<128x128xf32, #tpu.memory_space<vmem>>)
      tpu.yield
    }) : () -> ()
    "tpu.region"() ({
      %run_scoped3A = tpu.sem_alloc : memref<!tpu.dma_semaphore, #tpu.memory_space<semaphore_mem>>
      %dma_start3A = arith.constant 0 : i32
      %dma_start3A_50 = tpu.memref_slice %arg5[%arg0, %add3A_43, %dma_start3A] : memref<2x10240x128xf32, #tpu.memory_space<hbm>> -> memref<1x128x128xf32, #tpu.memory_space<hbm>>
      %dma_start3A_51 = tpu.memref_squeeze %dma_start3A_50 : memref<1x128x128xf32, #tpu.memory_space<hbm>> -> memref<128x128xf32, #tpu.memory_space<hbm>>
      %dma_start3A_52 = arith.constant 0 : i32
      %dma_start3A_53 = tpu.memref_slice %arg5[%arg0, %add3A_43, %dma_start3A_52] : memref<2x10240x128xf32, #tpu.memory_space<hbm>> -> memref<1x128x128xf32, #tpu.memory_space<hbm>>
      %dma_start3A_54 = tpu.memref_squeeze %dma_start3A_53 : memref<1x128x128xf32, #tpu.memory_space<hbm>> -> memref<128x128xf32, #tpu.memory_space<hbm>>
      tpu.enqueue_dma source(%arg8 : memref<128x128xf32, #tpu.memory_space<vmem>>) target(%dma_start3A_54 : memref<128x128xf32, #tpu.memory_space<hbm>>) target_semaphore(%run_scoped3A : memref<!tpu.dma_semaphore, #tpu.memory_space<semaphore_mem>>)
      %dma_wait3A = arith.constant 0 : i32
      %dma_wait3A_55 = tpu.memref_slice %arg5[%arg0, %add3A_43, %dma_wait3A] : memref<2x10240x128xf32, #tpu.memory_space<hbm>> -> memref<1x128x128xf32, #tpu.memory_space<hbm>>
      %dma_wait3A_56 = tpu.memref_squeeze %dma_wait3A_55 : memref<1x128x128xf32, #tpu.memory_space<hbm>> -> memref<128x128xf32, #tpu.memory_space<hbm>>
      %dma_wait3A_57 = arith.constant 0 : i32
      %dma_wait3A_58 = tpu.memref_slice %arg5[%arg0, %add3A_43, %dma_wait3A_57] : memref<2x10240x128xf32, #tpu.memory_space<hbm>> -> memref<1x128x128xf32, #tpu.memory_space<hbm>>
      %dma_wait3A_59 = tpu.memref_squeeze %dma_wait3A_58 : memref<1x128x128xf32, #tpu.memory_space<hbm>> -> memref<128x128xf32, #tpu.memory_space<hbm>>
      tpu.wait_dma2 semaphore(%run_scoped3A : memref<!tpu.dma_semaphore, #tpu.memory_space<semaphore_mem>>) src(%arg8 : memref<128x128xf32, #tpu.memory_space<vmem>>) dst(%dma_wait3A_59 : memref<128x128xf32, #tpu.memory_space<hbm>>)
      tpu.yield
    }) : () -> ()
    %add3A_44 = arith.constant 256 : i32
    %add3A_45 = arith.addi %mul3A_0, %add3A_44 : i32
    "tpu.region"() ({
      %run_scoped3A = tpu.sem_alloc : memref<!tpu.dma_semaphore, #tpu.memory_space<semaphore_mem>>
      %dma_start3A = arith.constant 0 : i32
      %dma_start3A_50 = tpu.memref_slice %arg10[%add3A_45, %dma_start3A] : memref<10240x128xf32, #tpu.memory_space<vmem_shared>> -> memref<128x128xf32, #tpu.memory_space<vmem_shared>>
      %dma_start3A_51 = arith.constant 0 : i32
      %dma_start3A_52 = tpu.memref_slice %arg10[%add3A_45, %dma_start3A_51] : memref<10240x128xf32, #tpu.memory_space<vmem_shared>> -> memref<128x128xf32, #tpu.memory_space<vmem_shared>>
      tpu.enqueue_dma source(%dma_start3A_52 : memref<128x128xf32, #tpu.memory_space<vmem_shared>>) target(%arg8 : memref<128x128xf32, #tpu.memory_space<vmem>>) target_semaphore(%run_scoped3A : memref<!tpu.dma_semaphore, #tpu.memory_space<semaphore_mem>>)
      %dma_wait3A = arith.constant 0 : i32
      %dma_wait3A_53 = tpu.memref_slice %arg10[%add3A_45, %dma_wait3A] : memref<10240x128xf32, #tpu.memory_space<vmem_shared>> -> memref<128x128xf32, #tpu.memory_space<vmem_shared>>
      %dma_wait3A_54 = arith.constant 0 : i32
      %dma_wait3A_55 = tpu.memref_slice %arg10[%add3A_45, %dma_wait3A_54] : memref<10240x128xf32, #tpu.memory_space<vmem_shared>> -> memref<128x128xf32, #tpu.memory_space<vmem_shared>>
      tpu.wait_dma2 semaphore(%run_scoped3A : memref<!tpu.dma_semaphore, #tpu.memory_space<semaphore_mem>>) src(%dma_wait3A_55 : memref<128x128xf32, #tpu.memory_space<vmem_shared>>) dst(%arg8 : memref<128x128xf32, #tpu.memory_space<vmem>>)
      tpu.yield
    }) : () -> ()
    "tpu.region"() ({
      %run_scoped3A = tpu.sem_alloc : memref<!tpu.dma_semaphore, #tpu.memory_space<semaphore_mem>>
      %dma_start3A = arith.constant 0 : i32
      %dma_start3A_50 = tpu.memref_slice %arg5[%arg0, %add3A_45, %dma_start3A] : memref<2x10240x128xf32, #tpu.memory_space<hbm>> -> memref<1x128x128xf32, #tpu.memory_space<hbm>>
      %dma_start3A_51 = tpu.memref_squeeze %dma_start3A_50 : memref<1x128x128xf32, #tpu.memory_space<hbm>> -> memref<128x128xf32, #tpu.memory_space<hbm>>
      %dma_start3A_52 = arith.constant 0 : i32
      %dma_start3A_53 = tpu.memref_slice %arg5[%arg0, %add3A_45, %dma_start3A_52] : memref<2x10240x128xf32, #tpu.memory_space<hbm>> -> memref<1x128x128xf32, #tpu.memory_space<hbm>>
      %dma_start3A_54 = tpu.memref_squeeze %dma_start3A_53 : memref<1x128x128xf32, #tpu.memory_space<hbm>> -> memref<128x128xf32, #tpu.memory_space<hbm>>
      tpu.enqueue_dma source(%arg8 : memref<128x128xf32, #tpu.memory_space<vmem>>) target(%dma_start3A_54 : memref<128x128xf32, #tpu.memory_space<hbm>>) target_semaphore(%run_scoped3A : memref<!tpu.dma_semaphore, #tpu.memory_space<semaphore_mem>>)
      %dma_wait3A = arith.constant 0 : i32
      %dma_wait3A_55 = tpu.memref_slice %arg5[%arg0, %add3A_45, %dma_wait3A] : memref<2x10240x128xf32, #tpu.memory_space<hbm>> -> memref<1x128x128xf32, #tpu.memory_space<hbm>>
      %dma_wait3A_56 = tpu.memref_squeeze %dma_wait3A_55 : memref<1x128x128xf32, #tpu.memory_space<hbm>> -> memref<128x128xf32, #tpu.memory_space<hbm>>
      %dma_wait3A_57 = arith.constant 0 : i32
      %dma_wait3A_58 = tpu.memref_slice %arg5[%arg0, %add3A_45, %dma_wait3A_57] : memref<2x10240x128xf32, #tpu.memory_space<hbm>> -> memref<1x128x128xf32, #tpu.memory_space<hbm>>
      %dma_wait3A_59 = tpu.memref_squeeze %dma_wait3A_58 : memref<1x128x128xf32, #tpu.memory_space<hbm>> -> memref<128x128xf32, #tpu.memory_space<hbm>>
      tpu.wait_dma2 semaphore(%run_scoped3A : memref<!tpu.dma_semaphore, #tpu.memory_space<semaphore_mem>>) src(%arg8 : memref<128x128xf32, #tpu.memory_space<vmem>>) dst(%dma_wait3A_59 : memref<128x128xf32, #tpu.memory_space<hbm>>)
      tpu.yield
    }) : () -> ()
    %add3A_46 = arith.constant 384 : i32
    %add3A_47 = arith.addi %mul3A_0, %add3A_46 : i32
    "tpu.region"() ({
      %run_scoped3A = tpu.sem_alloc : memref<!tpu.dma_semaphore, #tpu.memory_space<semaphore_mem>>
      %dma_start3A = arith.constant 0 : i32
      %dma_start3A_50 = tpu.memref_slice %arg10[%add3A_47, %dma_start3A] : memref<10240x128xf32, #tpu.memory_space<vmem_shared>> -> memref<128x128xf32, #tpu.memory_space<vmem_shared>>
      %dma_start3A_51 = arith.constant 0 : i32
      %dma_start3A_52 = tpu.memref_slice %arg10[%add3A_47, %dma_start3A_51] : memref<10240x128xf32, #tpu.memory_space<vmem_shared>> -> memref<128x128xf32, #tpu.memory_space<vmem_shared>>
      tpu.enqueue_dma source(%dma_start3A_52 : memref<128x128xf32, #tpu.memory_space<vmem_shared>>) target(%arg8 : memref<128x128xf32, #tpu.memory_space<vmem>>) target_semaphore(%run_scoped3A : memref<!tpu.dma_semaphore, #tpu.memory_space<semaphore_mem>>)
      %dma_wait3A = arith.constant 0 : i32
      %dma_wait3A_53 = tpu.memref_slice %arg10[%add3A_47, %dma_wait3A] : memref<10240x128xf32, #tpu.memory_space<vmem_shared>> -> memref<128x128xf32, #tpu.memory_space<vmem_shared>>
      %dma_wait3A_54 = arith.constant 0 : i32
      %dma_wait3A_55 = tpu.memref_slice %arg10[%add3A_47, %dma_wait3A_54] : memref<10240x128xf32, #tpu.memory_space<vmem_shared>> -> memref<128x128xf32, #tpu.memory_space<vmem_shared>>
      tpu.wait_dma2 semaphore(%run_scoped3A : memref<!tpu.dma_semaphore, #tpu.memory_space<semaphore_mem>>) src(%dma_wait3A_55 : memref<128x128xf32, #tpu.memory_space<vmem_shared>>) dst(%arg8 : memref<128x128xf32, #tpu.memory_space<vmem>>)
      tpu.yield
    }) : () -> ()
    "tpu.region"() ({
      %run_scoped3A = tpu.sem_alloc : memref<!tpu.dma_semaphore, #tpu.memory_space<semaphore_mem>>
      %dma_start3A = arith.constant 0 : i32
      %dma_start3A_50 = tpu.memref_slice %arg5[%arg0, %add3A_47, %dma_start3A] : memref<2x10240x128xf32, #tpu.memory_space<hbm>> -> memref<1x128x128xf32, #tpu.memory_space<hbm>>
      %dma_start3A_51 = tpu.memref_squeeze %dma_start3A_50 : memref<1x128x128xf32, #tpu.memory_space<hbm>> -> memref<128x128xf32, #tpu.memory_space<hbm>>
      %dma_start3A_52 = arith.constant 0 : i32
      %dma_start3A_53 = tpu.memref_slice %arg5[%arg0, %add3A_47, %dma_start3A_52] : memref<2x10240x128xf32, #tpu.memory_space<hbm>> -> memref<1x128x128xf32, #tpu.memory_space<hbm>>
      %dma_start3A_54 = tpu.memref_squeeze %dma_start3A_53 : memref<1x128x128xf32, #tpu.memory_space<hbm>> -> memref<128x128xf32, #tpu.memory_space<hbm>>
      tpu.enqueue_dma source(%arg8 : memref<128x128xf32, #tpu.memory_space<vmem>>) target(%dma_start3A_54 : memref<128x128xf32, #tpu.memory_space<hbm>>) target_semaphore(%run_scoped3A : memref<!tpu.dma_semaphore, #tpu.memory_space<semaphore_mem>>)
      %dma_wait3A = arith.constant 0 : i32
      %dma_wait3A_55 = tpu.memref_slice %arg5[%arg0, %add3A_47, %dma_wait3A] : memref<2x10240x128xf32, #tpu.memory_space<hbm>> -> memref<1x128x128xf32, #tpu.memory_space<hbm>>
      %dma_wait3A_56 = tpu.memref_squeeze %dma_wait3A_55 : memref<1x128x128xf32, #tpu.memory_space<hbm>> -> memref<128x128xf32, #tpu.memory_space<hbm>>
      %dma_wait3A_57 = arith.constant 0 : i32
      %dma_wait3A_58 = tpu.memref_slice %arg5[%arg0, %add3A_47, %dma_wait3A_57] : memref<2x10240x128xf32, #tpu.memory_space<hbm>> -> memref<1x128x128xf32, #tpu.memory_space<hbm>>
      %dma_wait3A_59 = tpu.memref_squeeze %dma_wait3A_58 : memref<1x128x128xf32, #tpu.memory_space<hbm>> -> memref<128x128xf32, #tpu.memory_space<hbm>>
      tpu.wait_dma2 semaphore(%run_scoped3A : memref<!tpu.dma_semaphore, #tpu.memory_space<semaphore_mem>>) src(%arg8 : memref<128x128xf32, #tpu.memory_space<vmem>>) dst(%dma_wait3A_59 : memref<128x128xf32, #tpu.memory_space<hbm>>)
      tpu.yield
    }) : () -> ()
    %add3A_48 = arith.constant 512 : i32
    %add3A_49 = arith.addi %mul3A_0, %add3A_48 : i32
    "tpu.region"() ({
      %run_scoped3A = tpu.sem_alloc : memref<!tpu.dma_semaphore, #tpu.memory_space<semaphore_mem>>
      %dma_start3A = arith.constant 0 : i32
      %dma_start3A_50 = tpu.memref_slice %arg10[%add3A_49, %dma_start3A] : memref<10240x128xf32, #tpu.memory_space<vmem_shared>> -> memref<128x128xf32, #tpu.memory_space<vmem_shared>>
      %dma_start3A_51 = arith.constant 0 : i32
      %dma_start3A_52 = tpu.memref_slice %arg10[%add3A_49, %dma_start3A_51] : memref<10240x128xf32, #tpu.memory_space<vmem_shared>> -> memref<128x128xf32, #tpu.memory_space<vmem_shared>>
      tpu.enqueue_dma source(%dma_start3A_52 : memref<128x128xf32, #tpu.memory_space<vmem_shared>>) target(%arg8 : memref<128x128xf32, #tpu.memory_space<vmem>>) target_semaphore(%run_scoped3A : memref<!tpu.dma_semaphore, #tpu.memory_space<semaphore_mem>>)
      %dma_wait3A = arith.constant 0 : i32
      %dma_wait3A_53 = tpu.memref_slice %arg10[%add3A_49, %dma_wait3A] : memref<10240x128xf32, #tpu.memory_space<vmem_shared>> -> memref<128x128xf32, #tpu.memory_space<vmem_shared>>
      %dma_wait3A_54 = arith.constant 0 : i32
      %dma_wait3A_55 = tpu.memref_slice %arg10[%add3A_49, %dma_wait3A_54] : memref<10240x128xf32, #tpu.memory_space<vmem_shared>> -> memref<128x128xf32, #tpu.memory_space<vmem_shared>>
      tpu.wait_dma2 semaphore(%run_scoped3A : memref<!tpu.dma_semaphore, #tpu.memory_space<semaphore_mem>>) src(%dma_wait3A_55 : memref<128x128xf32, #tpu.memory_space<vmem_shared>>) dst(%arg8 : memref<128x128xf32, #tpu.memory_space<vmem>>)
      tpu.yield
    }) : () -> ()
    "tpu.region"() ({
      %run_scoped3A = tpu.sem_alloc : memref<!tpu.dma_semaphore, #tpu.memory_space<semaphore_mem>>
      %dma_start3A = arith.constant 0 : i32
      %dma_start3A_50 = tpu.memref_slice %arg5[%arg0, %add3A_49, %dma_start3A] : memref<2x10240x128xf32, #tpu.memory_space<hbm>> -> memref<1x128x128xf32, #tpu.memory_space<hbm>>
      %dma_start3A_51 = tpu.memref_squeeze %dma_start3A_50 : memref<1x128x128xf32, #tpu.memory_space<hbm>> -> memref<128x128xf32, #tpu.memory_space<hbm>>
      %dma_start3A_52 = arith.constant 0 : i32
      %dma_start3A_53 = tpu.memref_slice %arg5[%arg0, %add3A_49, %dma_start3A_52] : memref<2x10240x128xf32, #tpu.memory_space<hbm>> -> memref<1x128x128xf32, #tpu.memory_space<hbm>>
      %dma_start3A_54 = tpu.memref_squeeze %dma_start3A_53 : memref<1x128x128xf32, #tpu.memory_space<hbm>> -> memref<128x128xf32, #tpu.memory_space<hbm>>
      tpu.enqueue_dma source(%arg8 : memref<128x128xf32, #tpu.memory_space<vmem>>) target(%dma_start3A_54 : memref<128x128xf32, #tpu.memory_space<hbm>>) target_semaphore(%run_scoped3A : memref<!tpu.dma_semaphore, #tpu.memory_space<semaphore_mem>>)
      %dma_wait3A = arith.constant 0 : i32
      %dma_wait3A_55 = tpu.memref_slice %arg5[%arg0, %add3A_49, %dma_wait3A] : memref<2x10240x128xf32, #tpu.memory_space<hbm>> -> memref<1x128x128xf32, #tpu.memory_space<hbm>>
      %dma_wait3A_56 = tpu.memref_squeeze %dma_wait3A_55 : memref<1x128x128xf32, #tpu.memory_space<hbm>> -> memref<128x128xf32, #tpu.memory_space<hbm>>
      %dma_wait3A_57 = arith.constant 0 : i32
      %dma_wait3A_58 = tpu.memref_slice %arg5[%arg0, %add3A_49, %dma_wait3A_57] : memref<2x10240x128xf32, #tpu.memory_space<hbm>> -> memref<1x128x128xf32, #tpu.memory_space<hbm>>
      %dma_wait3A_59 = tpu.memref_squeeze %dma_wait3A_58 : memref<1x128x128xf32, #tpu.memory_space<hbm>> -> memref<128x128xf32, #tpu.memory_space<hbm>>
      tpu.wait_dma2 semaphore(%run_scoped3A : memref<!tpu.dma_semaphore, #tpu.memory_space<semaphore_mem>>) src(%arg8 : memref<128x128xf32, #tpu.memory_space<vmem>>) dst(%dma_wait3A_59 : memref<128x128xf32, #tpu.memory_space<hbm>>)
      tpu.yield
    }) : () -> ()
    return
  }
}

module attributes {stable_mosaic.version = 14 : i64} {
  func.func @_tc1_body(%arg0: i32, %arg1: memref<2000x128xf32, #tpu.memory_space<vmem>>, %arg2: memref<128x128xf32, #tpu.memory_space<vmem>>, %arg3: memref<1x128xf32, #tpu.memory_space<vmem>>, %arg4: memref<2000x2xf32, #tpu.memory_space<vmem>>, %arg5: memref<2000x128xf32, #tpu.memory_space<vmem>>) attributes {dimension_semantics = [#tpu.dimension_semantics<arbitrary>], iteration_bounds = array<i64: 5>, scalar_prefetch = 0 : i64, scratch_operands = 0 : i64, tpu.core_type = #tpu.core_type<tc>, window_params = [{transform_indices = @transform_0, window_bounds = array<i64: 2000, 128>}, {pipeline_mode = #tpu.pipeline_mode<synchronous>, transform_indices = @transform_1, window_bounds = array<i64: 128, 128>}, {pipeline_mode = #tpu.pipeline_mode<synchronous>, transform_indices = @transform_2, window_bounds = array<i64: 1, 128>}, {transform_indices = @transform_3, window_bounds = array<i64: 2000, 2>}, {transform_indices = @transform_4, window_bounds = array<i64: 2000, 128>}]} {
    %get3A = arith.constant 0 : index
    %get3A_0 = arith.constant 0 : index
    %get3A_1 = vector.load %arg1[%get3A, %get3A_0] : memref<2000x128xf32, #tpu.memory_space<vmem>>, vector<2000x128xf32>
    %get3A_2 = arith.constant 0 : index
    %get3A_3 = arith.constant 0 : index
    %get3A_4 = vector.load %arg2[%get3A_2, %get3A_3] : memref<128x128xf32, #tpu.memory_space<vmem>>, vector<128x128xf32>
    %dot_general3A = arith.constant dense<0.000000e+00> : vector<2000x128xf32>
    %dot_general3A_5 = tpu.matmul %get3A_1, %get3A_4, %dot_general3A {dimension_numbers = #tpu.dot_dimension_numbers<[1], [0], [0], [1], [0, 0, 1, 1], [], []>, transpose_lhs_hint = false} : vector<2000x128xf32>, vector<128x128xf32>, vector<2000x128xf32> -> vector<2000x128xf32>
    %get3A_6 = arith.constant 0 : index
    %get3A_7 = arith.constant 0 : index
    %get3A_8 = vector.load %arg3[%get3A_6, %get3A_7] : memref<1x128xf32, #tpu.memory_space<vmem>>, vector<1x128xf32>
    %add3A = vector.broadcast %get3A_8 : vector<1x128xf32> to vector<2000x128xf32>
    %add3A_9 = arith.addf %dot_general3A_5, %add3A : vector<2000x128xf32>
    %get3A_10 = arith.constant 0 : index
    %get3A_11 = arith.constant 0 : index
    %get3A_12 = vector.load %arg4[%get3A_10, %get3A_11] : memref<2000x2xf32, #tpu.memory_space<vmem>>, vector<2000x1xf32>
    %get3A_13 = vector.shape_cast %get3A_12 : vector<2000x1xf32> to vector<2000xf32>
    %get3A_14 = arith.constant 0 : index
    %get3A_15 = arith.constant 1 : index
    %get3A_16 = vector.load %arg4[%get3A_14, %get3A_15] : memref<2000x2xf32, #tpu.memory_space<vmem>>, vector<2000x1xf32>
    %get3A_17 = vector.shape_cast %get3A_16 : vector<2000x1xf32> to vector<2000xf32>
    %add3A_18 = arith.addf %get3A_13, %get3A_17 : vector<2000xf32>
    %add3A_19 = arith.constant 1.000000e+00 : f32
    %add3A_20 = vector.broadcast %add3A_19 : f32 to vector<2000xf32>
    %add3A_21 = arith.addf %add3A_18, %add3A_20 : vector<2000xf32>
    %rsqrt3A = math.rsqrt %add3A_21 : vector<2000xf32>
    %broadcast_in_dim3A = vector.shape_cast %rsqrt3A : vector<2000xf32> to vector<2000x1xf32>
    %mul3A = vector.broadcast %broadcast_in_dim3A : vector<2000x1xf32> to vector<2000x128xf32>
    %mul3A_22 = arith.mulf %mul3A, %add3A_9 : vector<2000x128xf32>
    %swap3A = arith.constant 0 : index
    %swap3A_23 = arith.constant 0 : index
    %swap3A_24 = vector.load %arg5[%swap3A, %swap3A_23] : memref<2000x128xf32, #tpu.memory_space<vmem>>, vector<2000x128xf32>
    tpu.vector_store %arg5[%swap3A, %swap3A_23], %mul3A_22 {strides = array<i32>} : memref<2000x128xf32, #tpu.memory_space<vmem>>, vector<2000x128xf32>,
    return
  }
  func.func @transform_0(%arg0: i32) -> (i32, i32) {
    %c0_i32 = arith.constant 0 : i32
    %c0_i32_0 = arith.constant 0 : i32
    return %arg0, %c0_i32 : i32, i32
  }
  func.func @transform_1(%arg0: i32) -> (i32, i32) {
    %c0_i32 = arith.constant 0 : i32
    %c0_i32_0 = arith.constant 0 : i32
    %c0_i32_1 = arith.constant 0 : i32
    return %c0_i32, %c0_i32_0 : i32, i32
  }
  func.func @transform_2(%arg0: i32) -> (i32, i32) {
    %c0_i32 = arith.constant 0 : i32
    %c0_i32_0 = arith.constant 0 : i32
    %c0_i32_1 = arith.constant 0 : i32
    return %c0_i32, %c0_i32_0 : i32, i32
  }
  func.func @transform_3(%arg0: i32) -> (i32, i32) {
    %c0_i32 = arith.constant 0 : i32
    %c0_i32_0 = arith.constant 0 : i32
    return %arg0, %c0_i32 : i32, i32
  }
  func.func @transform_4(%arg0: i32) -> (i32, i32) {
    %c0_i32 = arith.constant 0 : i32
    %c0_i32_0 = arith.constant 0 : i32
    return %arg0, %c0_i32 : i32, i32
  }
}

module attributes {stable_mosaic.version = 14 : i64} {
  func.func @_tc2_body(%arg0: i32, %arg1: memref<2000x2xf32, #tpu.memory_space<vmem>>, %arg2: memref<2x2000x128xf32, #tpu.memory_space<vmem>>, %arg3: memref<2000x128xf32, #tpu.memory_space<vmem>>, %arg4: memref<128x128xf32, #tpu.memory_space<vmem>>, %arg5: memref<1x128xf32, #tpu.memory_space<vmem>>, %arg6: memref<2000x128xf32, #tpu.memory_space<vmem>>) attributes {dimension_semantics = [#tpu.dimension_semantics<arbitrary>], iteration_bounds = array<i64: 5>, scalar_prefetch = 0 : i64, scratch_operands = 0 : i64, tpu.core_type = #tpu.core_type<tc>, window_params = [{transform_indices = @transform_0, window_bounds = array<i64: 2000, 2>}, {transform_indices = @transform_1, window_bounds = array<i64: 2, 2000, 128>}, {transform_indices = @transform_2, window_bounds = array<i64: 2000, 128>}, {pipeline_mode = #tpu.pipeline_mode<synchronous>, transform_indices = @transform_3, window_bounds = array<i64: 128, 128>}, {pipeline_mode = #tpu.pipeline_mode<synchronous>, transform_indices = @transform_4, window_bounds = array<i64: 1, 128>}, {transform_indices = @transform_5, window_bounds = array<i64: 2000, 128>}]} {
    %get3A = arith.constant 0 : index
    %get3A_0 = arith.constant 0 : index
    %get3A_1 = vector.load %arg1[%get3A, %get3A_0] : memref<2000x2xf32, #tpu.memory_space<vmem>>, vector<2000x1xf32>
    %get3A_2 = vector.shape_cast %get3A_1 : vector<2000x1xf32> to vector<2000xf32>
    %get3A_3 = arith.constant 0 : index
    %get3A_4 = arith.constant 1 : index
    %get3A_5 = vector.load %arg1[%get3A_3, %get3A_4] : memref<2000x2xf32, #tpu.memory_space<vmem>>, vector<2000x1xf32>
    %get3A_6 = vector.shape_cast %get3A_5 : vector<2000x1xf32> to vector<2000xf32>
    %add3A = arith.addf %get3A_2, %get3A_6 : vector<2000xf32>
    %add3A_7 = arith.constant 1.000000e+00 : f32
    %add3A_8 = vector.broadcast %add3A_7 : f32 to vector<2000xf32>
    %add3A_9 = arith.addf %add3A, %add3A_8 : vector<2000xf32>
    %rsqrt3A = math.rsqrt %add3A_9 : vector<2000xf32>
    %broadcast_in_dim3A = vector.shape_cast %rsqrt3A : vector<2000xf32> to vector<2000x1xf32>
    %get3A_10 = arith.constant 0 : index
    %get3A_11 = arith.constant 0 : index
    %get3A_12 = arith.constant 0 : index
    %get3A_13 = vector.load %arg2[%get3A_10, %get3A_11, %get3A_12] : memref<2x2000x128xf32, #tpu.memory_space<vmem>>, vector<1x2000x128xf32>
    %get3A_14 = vector.shape_cast %get3A_13 : vector<1x2000x128xf32> to vector<2000x128xf32>
    %get3A_15 = arith.constant 1 : index
    %get3A_16 = arith.constant 0 : index
    %get3A_17 = arith.constant 0 : index
    %get3A_18 = vector.load %arg2[%get3A_15, %get3A_16, %get3A_17] : memref<2x2000x128xf32, #tpu.memory_space<vmem>>, vector<1x2000x128xf32>
    %get3A_19 = vector.shape_cast %get3A_18 : vector<1x2000x128xf32> to vector<2000x128xf32>
    %add3A_20 = arith.addf %get3A_14, %get3A_19 : vector<2000x128xf32>
    %get3A_21 = arith.constant 0 : index
    %get3A_22 = arith.constant 0 : index
    %get3A_23 = vector.load %arg3[%get3A_21, %get3A_22] : memref<2000x128xf32, #tpu.memory_space<vmem>>, vector<2000x128xf32>
    %add3A_24 = arith.addf %add3A_20, %get3A_23 : vector<2000x128xf32>
    %mul3A = vector.broadcast %broadcast_in_dim3A : vector<2000x1xf32> to vector<2000x128xf32>
    %mul3A_25 = arith.mulf %mul3A, %add3A_24 : vector<2000x128xf32>
    %max3A = arith.constant 0.000000e+00 : f32
    %max3A_26 = vector.broadcast %max3A : f32 to vector<2000x128xf32>
    %max3A_27 = arith.maximumf %mul3A_25, %max3A_26 : vector<2000x128xf32>
    %get3A_28 = arith.constant 0 : index
    %get3A_29 = arith.constant 0 : index
    %get3A_30 = vector.load %arg4[%get3A_28, %get3A_29] : memref<128x128xf32, #tpu.memory_space<vmem>>, vector<128x128xf32>
    %dot_general3A = arith.constant dense<0.000000e+00> : vector<2000x128xf32>
    %dot_general3A_31 = tpu.matmul %max3A_27, %get3A_30, %dot_general3A {dimension_numbers = #tpu.dot_dimension_numbers<[1], [0], [0], [1], [0, 0, 1, 1], [], []>, transpose_lhs_hint = false} : vector<2000x128xf32>, vector<128x128xf32>, vector<2000x128xf32> -> vector<2000x128xf32>
    %get3A_32 = arith.constant 0 : index
    %get3A_33 = arith.constant 0 : index
    %get3A_34 = vector.load %arg5[%get3A_32, %get3A_33] : memref<1x128xf32, #tpu.memory_space<vmem>>, vector<1x128xf32>
    %add3A_35 = vector.broadcast %get3A_34 : vector<1x128xf32> to vector<2000x128xf32>
    %add3A_36 = arith.addf %dot_general3A_31, %add3A_35 : vector<2000x128xf32>
    %mul3A_37 = vector.broadcast %broadcast_in_dim3A : vector<2000x1xf32> to vector<2000x128xf32>
    %mul3A_38 = arith.mulf %mul3A_37, %add3A_36 : vector<2000x128xf32>
    %swap3A = arith.constant 0 : index
    %swap3A_39 = arith.constant 0 : index
    %swap3A_40 = vector.load %arg6[%swap3A, %swap3A_39] : memref<2000x128xf32, #tpu.memory_space<vmem>>, vector<2000x128xf32>
    tpu.vector_store %arg6[%swap3A, %swap3A_39], %mul3A_38 {strides = array<i32>} : memref<2000x128xf32, #tpu.memory_space<vmem>>, vector<2000x128xf32>,
    return
  }
  func.func @transform_0(%arg0: i32) -> (i32, i32) {
    %c0_i32 = arith.constant 0 : i32
    %c0_i32_0 = arith.constant 0 : i32
    return %arg0, %c0_i32 : i32, i32
  }
  func.func @transform_1(%arg0: i32) -> (i32, i32, i32) {
    %c0_i32 = arith.constant 0 : i32
    %c0_i32_0 = arith.constant 0 : i32
    %c0_i32_1 = arith.constant 0 : i32
    return %c0_i32, %arg0, %c0_i32_0 : i32, i32, i32
  }
  func.func @transform_2(%arg0: i32) -> (i32, i32) {
    %c0_i32 = arith.constant 0 : i32
    %c0_i32_0 = arith.constant 0 : i32
    return %arg0, %c0_i32 : i32, i32
  }
  func.func @transform_3(%arg0: i32) -> (i32, i32) {
    %c0_i32 = arith.constant 0 : i32
    %c0_i32_0 = arith.constant 0 : i32
    %c0_i32_1 = arith.constant 0 : i32
    return %c0_i32, %c0_i32_0 : i32, i32
  }
  func.func @transform_4(%arg0: i32) -> (i32, i32) {
    %c0_i32 = arith.constant 0 : i32
    %c0_i32_0 = arith.constant 0 : i32
    %c0_i32_1 = arith.constant 0 : i32
    return %c0_i32, %c0_i32_0 : i32, i32
  }
  func.func @transform_5(%arg0: i32) -> (i32, i32) {
    %c0_i32 = arith.constant 0 : i32
    %c0_i32_0 = arith.constant 0 : i32
    return %arg0, %c0_i32 : i32, i32
  }
}

module attributes {stable_mosaic.version = 14 : i64} {
  func.func @_tc3_body(%arg0: i32, %arg1: memref<2000x2xf32, #tpu.memory_space<vmem>>, %arg2: memref<2x2000x128xf32, #tpu.memory_space<vmem>>, %arg3: memref<2000x128xf32, #tpu.memory_space<vmem>>, %arg4: memref<2000x64xf32, #tpu.memory_space<vmem>>) attributes {dimension_semantics = [#tpu.dimension_semantics<arbitrary>], iteration_bounds = array<i64: 5>, scalar_prefetch = 0 : i64, scratch_operands = 0 : i64, tpu.core_type = #tpu.core_type<tc>, window_params = [{transform_indices = @transform_0, window_bounds = array<i64: 2000, 2>}, {transform_indices = @transform_1, window_bounds = array<i64: 2, 2000, 128>}, {transform_indices = @transform_2, window_bounds = array<i64: 2000, 128>}, {transform_indices = @transform_3, window_bounds = array<i64: 2000, 64>}]} {
    %get3A = arith.constant 0 : index
    %get3A_0 = arith.constant 0 : index
    %get3A_1 = vector.load %arg1[%get3A, %get3A_0] : memref<2000x2xf32, #tpu.memory_space<vmem>>, vector<2000x1xf32>
    %get3A_2 = vector.shape_cast %get3A_1 : vector<2000x1xf32> to vector<2000xf32>
    %get3A_3 = arith.constant 0 : index
    %get3A_4 = arith.constant 1 : index
    %get3A_5 = vector.load %arg1[%get3A_3, %get3A_4] : memref<2000x2xf32, #tpu.memory_space<vmem>>, vector<2000x1xf32>
    %get3A_6 = vector.shape_cast %get3A_5 : vector<2000x1xf32> to vector<2000xf32>
    %add3A = arith.addf %get3A_2, %get3A_6 : vector<2000xf32>
    %add3A_7 = arith.constant 1.000000e+00 : f32
    %add3A_8 = vector.broadcast %add3A_7 : f32 to vector<2000xf32>
    %add3A_9 = arith.addf %add3A, %add3A_8 : vector<2000xf32>
    %rsqrt3A = math.rsqrt %add3A_9 : vector<2000xf32>
    %broadcast_in_dim3A = vector.shape_cast %rsqrt3A : vector<2000xf32> to vector<2000x1xf32>
    %get3A_10 = arith.constant 0 : index
    %get3A_11 = arith.constant 0 : index
    %get3A_12 = arith.constant 0 : index
    %get3A_13 = vector.load %arg2[%get3A_10, %get3A_11, %get3A_12] : memref<2x2000x128xf32, #tpu.memory_space<vmem>>, vector<1x2000x128xf32>
    %get3A_14 = vector.shape_cast %get3A_13 : vector<1x2000x128xf32> to vector<2000x128xf32>
    %get3A_15 = arith.constant 1 : index
    %get3A_16 = arith.constant 0 : index
    %get3A_17 = arith.constant 0 : index
    %get3A_18 = vector.load %arg2[%get3A_15, %get3A_16, %get3A_17] : memref<2x2000x128xf32, #tpu.memory_space<vmem>>, vector<1x2000x128xf32>
    %get3A_19 = vector.shape_cast %get3A_18 : vector<1x2000x128xf32> to vector<2000x128xf32>
    %add3A_20 = arith.addf %get3A_14, %get3A_19 : vector<2000x128xf32>
    %get3A_21 = arith.constant 0 : index
    %get3A_22 = arith.constant 0 : index
    %get3A_23 = vector.load %arg3[%get3A_21, %get3A_22] : memref<2000x128xf32, #tpu.memory_space<vmem>>, vector<2000x128xf32>
    %add3A_24 = arith.addf %add3A_20, %get3A_23 : vector<2000x128xf32>
    %mul3A = vector.broadcast %broadcast_in_dim3A : vector<2000x1xf32> to vector<2000x128xf32>
    %mul3A_25 = arith.mulf %mul3A, %add3A_24 : vector<2000x128xf32>
    %slice3A = vector.extract_strided_slice %mul3A_25 {offsets = [0, 0], sizes = [2000, 64], strides = [1, 1]} : vector<2000x128xf32> to vector<2000x64xf32>
    %reduce_max3A = arith.constant dense<0xFF800000> : vector<2000xf32>
    %reduce_max3A_26 = vector.multi_reduction <maximumf>, %slice3A, %reduce_max3A [1] : vector<2000x64xf32> to vector<2000xf32>
    %broadcast_in_dim3A_27 = vector.shape_cast %reduce_max3A_26 : vector<2000xf32> to vector<2000x1xf32>
    %sub3A = vector.broadcast %broadcast_in_dim3A_27 : vector<2000x1xf32> to vector<2000x64xf32>
    %sub3A_28 = arith.subf %slice3A, %sub3A : vector<2000x64xf32>
    %exp3A = math.exp %sub3A_28 : vector<2000x64xf32>
    %reduce_sum3A = arith.constant dense<0.000000e+00> : vector<2000xf32>
    %reduce_sum3A_29 = vector.multi_reduction <add>, %exp3A, %reduce_sum3A [1] : vector<2000x64xf32> to vector<2000xf32>
    %broadcast_in_dim3A_30 = vector.shape_cast %reduce_sum3A_29 : vector<2000xf32> to vector<2000x1xf32>
    %log3A = math.log %broadcast_in_dim3A_30 : vector<2000x1xf32>
    %add3A_31 = arith.addf %log3A, %broadcast_in_dim3A_27 : vector<2000x1xf32>
    %sub3A_32 = vector.broadcast %add3A_31 : vector<2000x1xf32> to vector<2000x64xf32>
    %sub3A_33 = arith.subf %slice3A, %sub3A_32 : vector<2000x64xf32>
    %swap3A = arith.constant 0 : index
    %swap3A_34 = arith.constant 0 : index
    %swap3A_35 = vector.load %arg4[%swap3A, %swap3A_34] : memref<2000x64xf32, #tpu.memory_space<vmem>>, vector<2000x64xf32>
    tpu.vector_store %arg4[%swap3A, %swap3A_34], %sub3A_33 {strides = array<i32>} : memref<2000x64xf32, #tpu.memory_space<vmem>>, vector<2000x64xf32>,
    return
  }
  func.func @transform_0(%arg0: i32) -> (i32, i32) {
    %c0_i32 = arith.constant 0 : i32
    %c0_i32_0 = arith.constant 0 : i32
    return %arg0, %c0_i32 : i32, i32
  }
  func.func @transform_1(%arg0: i32) -> (i32, i32, i32) {
    %c0_i32 = arith.constant 0 : i32
    %c0_i32_0 = arith.constant 0 : i32
    %c0_i32_1 = arith.constant 0 : i32
    return %c0_i32, %arg0, %c0_i32_0 : i32, i32, i32
  }
  func.func @transform_2(%arg0: i32) -> (i32, i32) {
    %c0_i32 = arith.constant 0 : i32
    %c0_i32_0 = arith.constant 0 : i32
    return %arg0, %c0_i32 : i32, i32
  }
  func.func @transform_3(%arg0: i32) -> (i32, i32) {
    %c0_i32 = arith.constant 0 : i32
    %c0_i32_0 = arith.constant 0 : i32
    return %arg0, %c0_i32 : i32, i32
  }
}

</mosaic_0001>

<sc_bundles>
// kernel: kernel.11.cloned.1.call-start
scs
__scs_entry_jumppad:
0x0: {  	(pc) =	sbr.rel $0x88, $3  }
0x1: {  	(tag) =	ssettag $0x0;
	lr =	simm.s32 $0x1  }
0x2: {  	[smem:$0x3F9B] =	sst lr;
	_ =	strace $0xD0000000  }
0x3: {  	_ = 	snop  }
0x4: {  	_ = 	snop  }
0x5: {  	_ = 	snop  }
0x6: {  	_ = 	snop  }
0x7: {  	_ = 	snop  }
__scs_overlays_trampoline_lowered:
0x8: {  	[smem:$0x3FAA] =	sst s0  }
0x9: {  	[smem:$0x3FAB] =	sst s1  }
0xa: {  	[smem:$0x3FAC] =	sst s2  }
0xb: {  	[smem:$0x3FAD] =	sst s3  }
0xc: {  	[smem:$0x3FAE] =	sst s4  }
0xd: {  	[smem:$0x3FAF] =	sst s5  }
0xe: {  	[smem:$0x3FB0] =	sst s6  }
0xf: {  	[smem:$0x3FB1] =	sst s7  }
0x10: {  	[smem:$0x3FB2] =	sst s8  }
0x11: {  	[smem:$0x3FB3] =	sst s9;
	s0 =	simm.s32 @!p0 $0x0  }
0x12: {  	s1 =	sld [smem:$0x3F99];
	s0 =	simm.s32 @p0 $0x1  }
0x13: {  	[smem:$0x3FB4] =	sst s0;
	s0 =	simm.s32 @!p1 $0x0  }
0x14: {  	s2 =	sld [smem:$0x3F98];
	s0 =	simm.s32 @p1 $0x1  }
0x15: {  	[smem:$0x3FB5] =	sst s0;
	s0 =	simm.s32 @!p2 $0x0  }
0x16: {  	s3 =	sld [smem:$0x3FDB];
	s0 =	simm.s32 @p2 $0x1  }
0x17: {  	s4 =	simm.s32 $0x1BF5;
	[smem:$0x3FB7] =	sst s0  }
0x18: {  	s0 =	sld [smem:$0x3F9A];
	_ =	swait.ge [sflag:s4], $0x0  }
0x19: {  	s7 =	sld [smem:$0x3F9B]  }
0x1a: {  	s8 =	sadd.s32 $0xFFFFE003, lr  }
0x1b: {  	s9 =	sadd.s32 $0xFFFFFEF7, lr;
	s5 =	simm.s32 $0xFFFFFFFF;
	p2 =	slt.u32 s8, $0xFFFFF086  }
0x1c: {  	p1 =	slt.u32 s9, $0xF7A;
	s5 =	simm.s32 @!p2 $0x0  }
0x1d: {  	s5 =	simm.s32 @p1 $0x1;
	p0 =	seq.s32 s7, s2  }
0x1e: {  	s7 =	smul.u32 @!p0 $0xF7A, s2;
	p2 =	seq.s32 @!p0 s5, $0x0  }
0x1f: {  	s9 =	smul.u32 $0xF7A, s1;
	s8 =	simm.s32 @!p0 $0x1BF5;
	p2 =	por !p2, p0  }
0x20: {  	[sflag:s8] =	ssyncset.s32 @!p0 $0xFFFFF086;
	s6 =	sadd.s32 @!p0 s3, s7;
	s7 =	simm.s32 @!p0 $0x108  }
0x21: {  	s3 =	sadd.s32 s3, s9;
	s6 =	sadd.s32 @!p0 $0x88, s6;
	s7 =	simm.s32 @p2 $0x1082  }
0x22: {  	[simem:s7], [sflag:s8] =	dma.local @!p0 [hbm:s6], $0xF7A  }
0x23: {  	s9 =	sor.u32 $0xD0000000, s2;
	s6 =	simm.s32 $0x108;
	_ =	swait.ge @!p0 [sflag:s8], $0x0  }
0x24: {  	s3 =	sadd.s32 $0x88, s3;
	s6 =	simm.s32 @!p1 $0x1082;
	[sflag:s4] =	ssyncset.s32 $0xFFFFF086  }
0x25: {  	[simem:s6], [sflag:s4] =	dma.local [hbm:s3], $0xF7A  }
0x26: {  	[smem:$0x3F9B] =	sst s1;
	(tag) =	ssettag s2;
	_ =	strace s9  }
0x27: {  	s1 =	sld [smem:$0x3FAB]  }
0x28: {  	s2 =	sld [smem:$0x3FAC]  }
0x29: {  	s4 =	sld [smem:$0x3FAE]  }
0x2a: {  	p0 =	seq.s32 s5, $0x0;
	s5 =	sld [smem:$0x3FAF]  }
0x2b: {  	s6 =	sld [smem:$0x3FB0]  }
0x2c: {  	s7 =	sld [smem:$0x3FB1]  }
0x2d: {  	s3 =	simm.s32 $0x108;
	s8 =	sld [smem:$0x3FB2]  }
0x2e: {  	s3 =	simm.s32 @!p0 $0x1082;
	s9 =	sld [smem:$0x3FB3]  }
0x2f: {  	lr =	sadd.s32 s0, s3;
	s0 =	sld [smem:$0x3FAA]  }
0x30: {  	s3 =	sld [smem:$0x3FAD]  }
0x31: {  	[smem:$0x3FB6] =	sst s10  }
0x32: {  	s10 =	sld [smem:$0x3FB4];
	_ =	sdelay $0x3  }
0x33: {  	p0 =	seq.s32 s10, $0x1;
	s10 =	sld [smem:$0x3FB6];
	_ =	sdelay $0x3  }
0x34: {  	[smem:$0x3FB6] =	sst s10  }
0x35: {  	s10 =	sld [smem:$0x3FB5];
	_ =	sdelay $0x3  }
0x36: {  	p1 =	seq.s32 s10, $0x1;
	s10 =	sld [smem:$0x3FB6];
	_ =	sdelay $0x3  }
0x37: {  	[smem:$0x3FB6] =	sst s10  }
0x38: {  	s10 =	sld [smem:$0x3FB7]  }
0x39: {  	_ = 	snop;
	(pc) =	sbr.ind lr, $3  }
0x3a: {  	_ = 	snop  }
0x3b: {  	_ = 	snop  }
0x3c: {  	p2 =	seq.s32 s10, $0x1;
	s10 =	sld [smem:$0x3FB6]  }
0x3d: {  	_ =	shalt  }
0x3e: {  	_ =	shalt  }
0x3f: {  	_ =	shalt  }
0x40: {  	_ =	shalt  }
0x41: {  	_ =	shalt  }
0x42: {  	_ =	shalt  }
0x43: {  	_ =	shalt  }
0x44: {  	_ =	shalt  }
0x45: {  	_ =	shalt  }
0x46: {  	_ =	shalt  }
0x47: {  	_ =	shalt  }
0x48: {  	_ =	shalt  }
0x49: {  	_ =	shalt  }
0x4a: {  	_ =	shalt  }
0x4b: {  	_ =	shalt  }
0x4c: {  	_ =	shalt  }
0x4d: {  	_ =	shalt  }
0x4e: {  	_ =	shalt  }
0x4f: {  	_ =	shalt  }
0x50: {  	_ =	shalt  }
0x51: {  	_ =	shalt  }
0x52: {  	_ =	shalt  }
0x53: {  	_ =	shalt  }
0x54: {  	_ =	shalt  }
0x55: {  	_ =	shalt  }
0x56: {  	_ =	shalt  }
0x57: {  	_ =	shalt  }
0x58: {  	_ =	shalt  }
0x59: {  	_ =	shalt  }
0x5a: {  	_ =	shalt  }
0x5b: {  	_ =	shalt  }
0x5c: {  	_ =	shalt  }
0x5d: {  	_ =	shalt  }
0x5e: {  	_ =	shalt  }
0x5f: {  	_ =	shalt  }
0x60: {  	_ =	shalt  }
0x61: {  	_ =	shalt  }
0x62: {  	_ =	shalt  }
0x63: {  	_ =	shalt  }
0x64: {  	_ =	shalt  }
0x65: {  	_ =	shalt  }
0x66: {  	_ =	shalt  }
0x67: {  	_ =	shalt  }
0x68: {  	_ =	shalt  }
0x69: {  	_ =	shalt  }
0x6a: {  	_ =	shalt  }
0x6b: {  	_ =	shalt  }
0x6c: {  	_ =	shalt  }
0x6d: {  	_ =	shalt  }
0x6e: {  	_ =	shalt  }
0x6f: {  	_ =	shalt  }
0x70: {  	_ =	shalt  }
0x71: {  	_ =	shalt  }
0x72: {  	_ =	shalt  }
0x73: {  	_ =	shalt  }
0x74: {  	_ =	shalt  }
0x75: {  	_ =	shalt  }
0x76: {  	_ =	shalt  }
0x77: {  	_ =	shalt  }
0x78: {  	_ =	shalt  }
0x79: {  	_ =	shalt  }
0x7a: {  	_ =	shalt  }
0x7b: {  	_ =	shalt  }
0x7c: {  	_ =	shalt  }
0x7d: {  	_ =	shalt  }
0x7e: {  	_ =	shalt  }
0x7f: {  	_ =	shalt  }
0x80: {  	_ =	shalt  }
0x81: {  	_ =	shalt  }
0x82: {  	_ =	shalt  }
0x83: {  	_ =	shalt  }
0x84: {  	_ =	shalt  }
0x85: {  	_ =	shalt  }
0x86: {  	_ =	shalt  }
0x87: {  	_ =	shalt  }
.Lfunc_end0:
.L_simem_size_0:
called_computation.1_lowered:
.L_overlay_start_0:
0x88: {  	s2 =	sld [smem:$0x3FD9]  }
0x89: {  	s3 =	sld [smem:$0x3FFE];
	_ =	sdelay $0x1  }
0x8a: {  	s1 =	srdreg.scid  }
0x8b: {  	s0 =	sand.u32 $0x1, s1  }
0x8c: {  	s17 =	sshll.u32 s0, $0xA;
	s2 =	sadd.s32 s3, s2  }
0x8d: {  	s2 =	sadd.s32 s2, s17  }
0x8e: {  	[smem:$0x3FC2] =	sst s2  }
0x8f: {  	_ = 	snop  }
0x90: {  	s2 =	sld [smem:$0x3FD0];
	(tm) =	ssettm $0x1  }
0x91: {  	s18 =	sld [smem:$0x3FFB];
	_ =	sdelay $0x3  }
0x92: {  	_ =	strace s18  }
0x93: {  	s3 =	sld [smem:$0x3FFC];
	_ =	sdelay $0x3  }
0x94: {  	_ =	strace s3  }
0x95: {  	s3 =	sld [smem:$0x3FFD];
	_ =	sdelay $0x3  }
0x96: {  	_ =	strace s3  }
0x97: {  	_ =	strace $0x8FFFFFFF  }
0x98: {  	s19 =	sld [smem:$0x3FDB];
	_ =	sdelay $0x1  }
0x99: {  	s4 =	simm.s32 $_scs_section_size  }
0x9a: {  	s5 =	simm.s32 $_size__tile_overlayer_lowered;
	s6 =	simm.s32 $_tile_overlayer_lowered  }
0x9b: {  	s22 =	simm.s32 $0x1BFF;
	s21 =	sshll.u32 s6, $0x1;
	s3 =	sadd.s32 s4, s19  }
0x9c: {  	s7 =	simm.s32 $0x0;
	s20 =	sshll.u32 s5, $0x1;
	s5 =	sadd.s32 s21, s3  }
0x9d: {  	[timem:s7], [sflag:s22] =	dma.local [hbm:s5], s20  }
0x9e: {  	_ =	swait.ge [sflag:s22], s20  }
0x9f: {  	s4 =	ssub.s32 $0x0, s20;
	[sflag:s22] =	ssyncset.done $0x0  }
0xa0: {  	[sflag:s22] =	ssyncadd.s32 s4;
	_ =	sdelay $0x1  }
0xa1: {  	s23 =	simm.s32 $0x1B8B  }
0xa2: {  	_ =	swait.ge [sflag:s23], $0x1  }
0xa3: {  	[sflag:s23] =	ssyncset.done $0x0  }
0xa4: {  	s25 =	simm.s32 $0x1B8E;
	s24 =	sld [smem:$0x3FFE];
	[sflag:s23] =	ssyncadd.s32 $0xFFFFFFFF  }
0xa5: {  	s26 =	simm.s32 $execute0_lowered;
	[smem:$0x3FD2] =	sst s25  }
0xa6: {  	s5 =	sshll.u32 s26, $0x1;
	_ =	strace $0x80000049;
	[dreg:$0x1] =	wrdreg $0xFFFFFFFF  }
0xa7: {  	s28 =	simm.s32 $_size_execute0_lowered;
	s3 =	sadd.s32 s3, s5;
	[dreg:$0x0] =	wrdreg $0x0  }
0xa8: {  	s5 =	sshll.u32 s28, $0x1;
	[dreg:$0x2] =	wrdreg s3  }
0xa9: {  	[dreg:$0x3] =	wrdreg s5  }
0xaa: {  	[dreg:$0x4] =	wrdreg $0xC0  }
0xab: {  	_ =	task [dreg:s7], $0x5FFFF  }
0xac: {  	[dreg:$0x1] =	wrdreg $0xFFFFFFFF  }
0xad: {  	[dreg:$0x0] =	wrdreg $0x60  }
0xae: {  	[dreg:$0x2] =	wrdreg s24  }
0xaf: {  	[dreg:$0x3] =	wrdreg s2  }
0xb0: {  	[dreg:$0x4] =	wrdreg $0x41000  }
0xb1: {  	[dreg:$0x5] =	wrdreg $0x9  }
0xb2: {  	_ =	task.clear_ibuf [dreg:s7], $0x6FFFF;
	_ =	strace $0x90000049  }
0xb3: {  	s29 =	simm.s32 $0x9;
	_ =	strace $0x8000004B  }
0xb4: {  	_ =	swait.ge [sflag:s29], $0x1  }
0xb5: {  	[sflag:s29] =	ssyncadd.s32 $0xFFFFFFFF  }
0xb6: {  	_ =	strace $0x9000004B  }
0xb7: {  	_ =	sfence  }
0xb8: {  	s30 =	sld [smem:$0x0];
	_ =	sdelay $0x2  }
0xb9: {  	s31 =	sshll.u32 s1, $0xD;
	s1 =	sshrl.u32 s1, $0x2  }
0xba: {  	s3 =	sand.u32 $0x4000, s31;
	s1 =	sadd.s32 s1, s30  }
0xbb: {  	s0 =	sor.u32 s3, s0;
	s1 =	sshll.u32 s1, $0x11  }
0xbc: {  	s0 =	sor.u32 s1, s0  }
0xbd: {  	s0 =	sadd.s32 $0x8F2B, s0  }
0xbe: {  	[sflag:s0] =	ssyncadd.remote.s32 $0x1  }
0xbf: {  	_ =	sfence.sel $0xFFFF  }
0xc0: {  	[dreg:$0x0] =	wrdreg $0xFFFFFFFF;
	(pc) =	sbr.abs _section_cstart, $3  }
0xc1: {  	[dreg:$0x1] =	wrdreg $0xFFFFFFFF  }
0xc2: {  	_ =	task.clear_ibuf [dreg:s7], $0x2FFFF;
	_ =	strace $0x9FFFFFFF  }
0xc3: {  	(tm) =	ssettm $0x7FFFFFFF  }
tec
execute0_lowered:
.L_overlay_start_1:
0x0: {  	(tag) =	ssettag $0x1  }
0x1: {  	s5 =	rddreg [dreg:$0x0]  }
0x2: {  	s16 =	rddreg [dreg:$0x1]  }
0x3: {  	s2 =	rddreg [dreg:$0x2]  }
0x4: {  	s0 =	rddreg [dreg:$0x3];
	s1 =	stileid.u32  }
0x5: {  	s3 =	simm.s32 $0x0;
	s4 =	srdreg.scid;
	s17 =	smul.u32 $0xA00, s1  }
0x6: {  	[smem:$0x7FF] =	sst s3;
	s6 =	smul.u32 $0x50000, s1  }
0x7: {  	s18 =	sand.u32 $0x1, s4;
	s4 =	sadd.s32 $0xC000, s5;
	s9 =	smul.u32 $0x14000, s1  }
0x8: {  	s14 =	sadd.s32 $0x34000, s5;
	_ =	strace $0x8000004A;
	s7 =	ssub.s32 $0x2, s18  }
0x9: {  	s13 =	smul.u32 $0x140000, s18;
	p0 =	sne.s32 s18, $0x0;
	s18 =	simm.s32 $0x100  }
0xa: {  	s19 =	sadd.s32 s17, s5;
	s8 =	sshrl.u32 s7, $0x1;
	s6 =	sshrl.u32 s6, $0x2  }
0xb: {  	s10 =	sadd.s32 $0x4000, s9;
	s12 =	sadd.s32 $0x8000, s9;
	s20 =	sadd.s32 $0xC000, s9  }
0xc: {  	s21 =	sadd.s32 $0x10000, s9;
	s16 =	sadd.s32 s17, s16;
	s15 =	ssub.s32 s7, s8  }
0xd: {  	s5 =	sadd.s32 s6, s2;
	s6 =	sadd.s32 s10, s2;
	s7 =	sadd.s32 s12, s2  }
0xe: {  	s8 =	sadd.s32 s20, s2;
	s11 =	sadd.s32 s9, s13;
	s10 =	sadd.s32 s13, s10  }
0xf: {  	s9 =	sadd.s32 s21, s2;
	s12 =	sadd.s32 s13, s12;
	s20 =	sadd.s32 s13, s20  }
0x10: {  	s13 =	sadd.s32 s13, s21;
	s17 =	sadd.s32 $0x2000, s19;
	s19 =	simm.s32 $0x2  }
.Ltmp0:
0x11: {  	s11 =	sshrl.u32 s11, $0x3;
	s22 =	sshrl.u32 s10, $0x3;
	(pc) =	sbr.rel .LBB2_1-.Ltmp0, $4  }
0x12: {  	s12 =	sshrl.u32 s12, $0x3;
	s20 =	sshrl.u32 s20, $0x3;
	s21 =	sshrl.u32 s13, $0x3  }
0x13: {  	s15 =	smax.u32 s15, $0x1;
	s10 =	sadd.s32 s14, s11;
	s11 =	sadd.s32 s14, s22  }
0x14: {  	s12 =	sadd.s32 s14, s12;
	s13 =	sadd.s32 s14, s20;
	s14 =	sadd.s32 s14, s21  }
0x15: {  	v0 =	vimm.f32 $0.0e+00;
	s20 =	simm.s32 $0x80;
	s21 =	simm.s32 $0x1;
	s22 =	simm.s32 $0x0  }
.LBB2_6:
0x16: {  	s24 =	sadd.s32 s23, s17;
	[sflag:s19] =	ssyncadd.s32 $0xFFFFC000  }
0x17: {  	[tilespmem:s3], [sflag:$0x2] =	stream.linear.gather [hbm4b:s24+s3], $0x80, $0x38;
	[tilespmem:$0x18100] =	vst v63  }
0x18: {  	_ =	swait.ge [sflag:s19], $0x80  }
0x19: {  	[sflag:s19] =	ssyncset.done $0x0  }
0x1a: {  	s31 =	sadd.s32 s23, s16;
	[sflag:s19] =	ssyncadd.s32 $0xFFFFFF80  }
0x1b: {  	[tilespmem:s20], [sflag:$0x2] =	stream.linear.gather [hbm4b:s31+s3], $0x80, $0x38;
	[tilespmem:$0x18100] =	vst v63  }
0x1c: {  	_ =	swait.ge [sflag:s19], $0x80  }
0x1d: {  	[sflag:s19] =	ssyncset.done $0x0  }
0x1e: {  	[sflag:s19] =	ssyncadd.s32 $0xFFFFFF80  }
0x1f: {  	[tilespmem:s18], [sflag:$0x1] =	stream.indirect.gather [hbm4b:s4+s20], $0x80, s3, s20, $0xb8;
	[tilespmem:$0x18100] =	vst v63  }
0x20: {  	_ =	swait.ge [sflag:s21], $0x4000  }
0x21: {  	[sflag:s21] =	ssyncset.done $0x0  }
0x22: {  	[sflag:s21] =	ssyncadd.s32 $0xFFFFC000  }
0x23: {  	[spmem:s2] =	stream.indirect.scatter.add.f32 [tilespmem:s18], [sflag:$0x2], $0x80, s20, s20, $0xb8;
	[tilespmem:$0x18100] =	vst v63  }
0x24: {  	_ =	swait.ge [sflag:s19], $0x4000  }
0x25: {  	[sflag:s19] =	ssyncset.done $0x0  }
0x26: {  	[sflag:s19] =	ssyncadd.s32 $0xFFFFC000  }
.LBB2_7:
0x27: {  	[bflag:$0x0] =	sbarrier.arrive $0xFFFF  }
0x28: {  	[tilespmem:s18], [sflag:$0x2] =	stream.linear.gather [spmem:s5], $0x4000, $0x38;
	[tilespmem:$0x18100] =	vst v63  }
0x29: {  	_ =	swait.ge [sflag:s19], $0x4000  }
0x2a: {  	[sflag:s19] =	ssyncset.done $0x0  }
0x2b: {  	[sflag:s19] =	ssyncadd.s32 $0xFFFFC000  }
0x2c: {  	[hbm4b:s10+s3] =	stream.linear.scatter [tilespmem:s18], [sflag:$0x2], $0x4000, $0x38;
	[tilespmem:$0x18100] =	vst v63  }
0x2d: {  	_ =	swait.ge [sflag:s19], $0x4000  }
0x2e: {  	[sflag:s19] =	ssyncset.done $0x0  }
0x2f: {  	[sflag:s19] =	ssyncadd.s32 $0xFFFFC000  }
0x30: {  	[tilespmem:s18], [sflag:$0x2] =	stream.linear.gather [spmem:s6], $0x4000, $0x38;
	[tilespmem:$0x18100] =	vst v63  }
0x31: {  	_ =	swait.ge [sflag:s19], $0x4000  }
0x32: {  	[sflag:s19] =	ssyncset.done $0x0  }
0x33: {  	[sflag:s19] =	ssyncadd.s32 $0xFFFFC000  }
0x34: {  	[hbm4b:s11+s3] =	stream.linear.scatter [tilespmem:s18], [sflag:$0x2], $0x4000, $0x38;
	[tilespmem:$0x18100] =	vst v63  }
0x35: {  	_ =	swait.ge [sflag:s19], $0x4000  }
0x36: {  	[sflag:s19] =	ssyncset.done $0x0  }
0x37: {  	[sflag:s19] =	ssyncadd.s32 $0xFFFFC000  }
0x38: {  	[tilespmem:s18], [sflag:$0x2] =	stream.linear.gather [spmem:s7], $0x4000, $0x38;
	[tilespmem:$0x18100] =	vst v63  }
0x39: {  	_ =	swait.ge [sflag:s19], $0x4000  }
0x3a: {  	[sflag:s19] =	ssyncset.done $0x0  }
0x3b: {  	[sflag:s19] =	ssyncadd.s32 $0xFFFFC000  }
0x3c: {  	[hbm4b:s12+s3] =	stream.linear.scatter [tilespmem:s18], [sflag:$0x2], $0x4000, $0x38;
	[tilespmem:$0x18100] =	vst v63  }
0x3d: {  	_ =	swait.ge [sflag:s19], $0x4000  }
0x3e: {  	[sflag:s19] =	ssyncset.done $0x0  }
0x3f: {  	[sflag:s19] =	ssyncadd.s32 $0xFFFFC000  }
0x40: {  	[tilespmem:s18], [sflag:$0x2] =	stream.linear.gather [spmem:s8], $0x4000, $0x38;
	[tilespmem:$0x18100] =	vst v63  }
0x41: {  	_ =	swait.ge [sflag:s19], $0x4000  }
0x42: {  	[sflag:s19] =	ssyncset.done $0x0  }
0x43: {  	[sflag:s19] =	ssyncadd.s32 $0xFFFFC000  }
0x44: {  	[hbm4b:s13+s3] =	stream.linear.scatter [tilespmem:s18], [sflag:$0x2], $0x4000, $0x38;
	[tilespmem:$0x18100] =	vst v63  }
0x45: {  	_ =	swait.ge [sflag:s19], $0x4000  }
0x46: {  	[sflag:s19] =	ssyncset.done $0x0  }
0x47: {  	[sflag:s19] =	ssyncadd.s32 $0xFFFFC000  }
0x48: {  	[tilespmem:s18], [sflag:$0x2] =	stream.linear.gather [spmem:s9], $0x4000, $0x38;
	[tilespmem:$0x18100] =	vst v63  }
0x49: {  	s22 =	sadd.s32 $0x1, s22;
	_ =	swait.ge [sflag:s19], $0x4000  }
0x4a: {  	p1 =	sne.s32 s22, s15;
	[sflag:s19] =	ssyncset.done $0x0  }
.Ltmp1:
0x4b: {  	[sflag:s19] =	ssyncadd.s32 $0xFFFFC000;
	(pc) =	sbr.rel @!p1 .LBB2_8-.Ltmp1, $4  }
0x4c: {  	[hbm4b:s14+s3] =	stream.linear.scatter [tilespmem:s18], [sflag:$0x2], $0x4000, $0x38;
	[tilespmem:$0x18100] =	vst v63  }
0x4d: {  	_ =	swait.ge [sflag:s19], $0x4000  }
0x4e: {  	[sflag:s19] =	ssyncset.done $0x0  }
0x4f: {  	[sflag:s19] =	ssyncadd.s32 $0xFFFFC000  }
.LBB2_1:
0x50: {  	s23 =	simm.s32 $0x0;
	s24 =	simm.s32 $0x200  }
.LBB2_2:
0x51: {  	p1 =	sne.s32 s24, $0xFE00;
	[tilespmem:s23+$0x170] =	vst v0  }
0x52: {  	[tilespmem:s23+$0x100] =	vst v0  }
0x53: {  	[tilespmem:s23+$0x110] =	vst v0  }
.Ltmp2:
0x54: {  	[tilespmem:s23+$0x120] =	vst v0;
	(pc) =	sbr.rel @p1 .LBB2_2-.Ltmp2, $4  }
0x55: {  	[tilespmem:s23+$0x130] =	vst v0  }
0x56: {  	[tilespmem:s23+$0x140] =	vst v0  }
0x57: {  	[tilespmem:s23+$0x150] =	vst v0  }
0x58: {  	[tilespmem:s23+$0x160] =	vst v0;
	s23 =	sshra.s32 s24, $0x2;
	s24 =	sadd.s32 $0x200, s24  }
0x59: {  	[tilespmem:s23+$0x170] =	vst v0  }
0x5a: {  	[tilespmem:s23+$0x100] =	vst v0  }
0x5b: {  	[tilespmem:s23+$0x110] =	vst v0  }
0x5c: {  	[tilespmem:s23+$0x120] =	vst v0  }
0x5d: {  	[tilespmem:s23+$0x130] =	vst v0  }
0x5e: {  	[tilespmem:s23+$0x140] =	vst v0  }
0x5f: {  	[tilespmem:s23+$0x150] =	vst v0  }
0x60: {  	[tilespmem:s23+$0x160] =	vst v0  }
0x61: {  	[spmem:s5] =	stream.linear.scatter [tilespmem:s18], [sflag:$0x2], $0x4000, $0x38;
	[tilespmem:$0x18100] =	vst v63  }
0x62: {  	_ =	swait.ge [sflag:s19], $0x4000  }
0x63: {  	[sflag:s19] =	ssyncset.done $0x0  }
0x64: {  	[sflag:s19] =	ssyncadd.s32 $0xFFFFC000  }
0x65: {  	[spmem:s6] =	stream.linear.scatter [tilespmem:s18], [sflag:$0x2], $0x4000, $0x38;
	[tilespmem:$0x18100] =	vst v63  }
0x66: {  	_ =	swait.ge [sflag:s19], $0x4000  }
0x67: {  	[sflag:s19] =	ssyncset.done $0x0  }
0x68: {  	[sflag:s19] =	ssyncadd.s32 $0xFFFFC000  }
0x69: {  	[spmem:s7] =	stream.linear.scatter [tilespmem:s18], [sflag:$0x2], $0x4000, $0x38;
	[tilespmem:$0x18100] =	vst v63  }
0x6a: {  	_ =	swait.ge [sflag:s19], $0x4000  }
0x6b: {  	[sflag:s19] =	ssyncset.done $0x0  }
0x6c: {  	[sflag:s19] =	ssyncadd.s32 $0xFFFFC000  }
0x6d: {  	[spmem:s8] =	stream.linear.scatter [tilespmem:s18], [sflag:$0x2], $0x4000, $0x38;
	[tilespmem:$0x18100] =	vst v63  }
0x6e: {  	_ =	swait.ge [sflag:s19], $0x4000  }
0x6f: {  	[sflag:s19] =	ssyncset.done $0x0  }
0x70: {  	[sflag:s19] =	ssyncadd.s32 $0xFFFFC000  }
0x71: {  	[spmem:s9] =	stream.linear.scatter [tilespmem:s18], [sflag:$0x2], $0x4000, $0x38;
	[tilespmem:$0x18100] =	vst v63  }
.Ltmp3:
0x72: {  	_ =	swait.ge [sflag:s19], $0x4000;
	(pc) =	sbr.rel @p0 .LBB2_7-.Ltmp3, $3  }
0x73: {  	[sflag:s19] =	ssyncset.done $0x0  }
0x74: {  	[sflag:s19] =	ssyncadd.s32 $0xFFFFC000  }
0x75: {  	[bflag:$0x0] =	sbarrier.arrive $0xFFFF;
	_ =	sdelay $0x1  }
0x76: {  	s23 =	sadd.s32 $0x0, s17  }
0x77: {  	[tilespmem:s3], [sflag:$0x2] =	stream.linear.gather [hbm4b:s23+s3], $0x80, $0x38;
	[tilespmem:$0x18100] =	vst v63  }
0x78: {  	_ =	swait.ge [sflag:s19], $0x80  }
0x79: {  	[sflag:s19] =	ssyncset.done $0x0  }
0x7a: {  	s31 =	sadd.s32 $0x0, s16;
	[sflag:s19] =	ssyncadd.s32 $0xFFFFFF80  }
0x7b: {  	[tilespmem:s20], [sflag:$0x2] =	stream.linear.gather [hbm4b:s31+s3], $0x80, $0x38;
	[tilespmem:$0x18100] =	vst v63  }
0x7c: {  	_ =	swait.ge [sflag:s19], $0x80  }
0x7d: {  	[sflag:s19] =	ssyncset.done $0x0  }
0x7e: {  	[sflag:s19] =	ssyncadd.s32 $0xFFFFFF80  }
0x7f: {  	[tilespmem:s18], [sflag:$0x1] =	stream.indirect.gather [hbm4b:s4+s20], $0x80, s3, s20, $0xb8;
	[tilespmem:$0x18100] =	vst v63  }
0x80: {  	_ =	swait.ge [sflag:s21], $0x4000  }
0x81: {  	[sflag:s21] =	ssyncset.done $0x0  }
0x82: {  	[sflag:s21] =	ssyncadd.s32 $0xFFFFC000  }
0x83: {  	[spmem:s2] =	stream.indirect.scatter.add.f32 [tilespmem:s18], [sflag:$0x2], $0x80, s20, s20, $0xb8;
	[tilespmem:$0x18100] =	vst v63  }
0x84: {  	_ =	swait.ge [sflag:s19], $0x4000  }
0x85: {  	s24 =	simm.s32 $0x20;
	s23 =	simm.s32 $0x10;
	[sflag:s19] =	ssyncset.done $0x0  }
.LBB2_5:
0x86: {  	s25 =	sadd.s32 s23, s17  }
0x87: {  	[sflag:s19] =	ssyncadd.s32 $0xFFFFC000;
	s26 =	smov.u32 s24;
	s28 =	sadd.s32 $0x10, s24  }
0x88: {  	[tilespmem:s3], [sflag:$0x2] =	stream.linear.gather [hbm4b:s25+s3], $0x80, $0x38;
	[tilespmem:$0x18100] =	vst v63  }
0x89: {  	p1 =	sne.s32 s24, $0x9F0;
	_ =	swait.ge [sflag:s19], $0x80  }
0x8a: {  	[sflag:s19] =	ssyncset.done $0x0  }
0x8b: {  	s24 =	sadd.s32 s23, s16;
	s23 =	smov.u32 s26;
	[sflag:s19] =	ssyncadd.s32 $0xFFFFFF80  }
0x8c: {  	[tilespmem:s20], [sflag:$0x2] =	stream.linear.gather [hbm4b:s24+s3], $0x80, $0x38;
	[tilespmem:$0x18100] =	vst v63  }
0x8d: {  	_ =	swait.ge [sflag:s19], $0x80  }
0x8e: {  	[sflag:s19] =	ssyncset.done $0x0  }
0x8f: {  	[sflag:s19] =	ssyncadd.s32 $0xFFFFFF80  }
0x90: {  	[tilespmem:s18], [sflag:$0x1] =	stream.indirect.gather [hbm4b:s4+s20], $0x80, s3, s20, $0xb8;
	[tilespmem:$0x18100] =	vst v63  }
0x91: {  	_ =	swait.ge [sflag:s21], $0x4000  }
.Ltmp4:
0x92: {  	[sflag:s21] =	ssyncset.done $0x0;
	(pc) =	sbr.rel @p1 .LBB2_5-.Ltmp4, $4  }
0x93: {  	[sflag:s21] =	ssyncadd.s32 $0xFFFFC000  }
0x94: {  	[spmem:s2] =	stream.indirect.scatter.add.f32 [tilespmem:s18], [sflag:$0x2], $0x80, s20, s20, $0xb8;
	[tilespmem:$0x18100] =	vst v63  }
0x95: {  	_ =	swait.ge [sflag:s19], $0x4000  }
0x96: {  	s24 =	smov.u32 s28;
	[sflag:s19] =	ssyncset.done $0x0  }
.Ltmp5:
0x97: {  	_ = 	snop;
	(pc) =	sbr.rel .LBB2_6-.Ltmp5, $1  }
0x98: {  	_ =	sdelay $0x3  }
.LBB2_8:
0x99: {  	_ =	sfence.sel $0x180000  }
0x9a: {  	[bflag:$0x0] =	sbarrier.arrive $0xFFFF  }
0x9b: {  	p0 =	sne.s32 s1, $0x0;
	_ =	strace $0x9000004A  }
0x9c: {  	s0 =	sadd.s32 @!p0 $0x100000, s0;
	[bflag:$0x2] =	sbarrier.arrive $0xFFFF  }
0x9d: {  	[sflag:s0] =	ssyncadd.tile.s32 @!p0 $0x1;
	_ =	shalt  }
.Lfunc_end2:
_tile_overlayer_lowered:
.L_overlay_start_2:
0x9e: {  	(tag) =	ssettag $0x2  }
0x9f: {  	s0 =	rddreg [dreg:$0x0];
	s2 =	stileid.u32  }
0xa0: {  	s1 =	rddreg [dreg:$0x1];
	p0 =	sne.s32 s2, $0x0  }
0xa1: {  	s3 =	rddreg [dreg:$0x2];
	[bflag:$0x3] =	sbarrier.arrive $0xFFFF;
	s2 =	simm.s32 @!p0 $0x1C02  }
0xa2: {  	[timem:s3], [sflag:s2] =	dma.local @!p0 [hbm:s0], s1  }
0xa3: {  	s0 =	simm.s32 @!p0 $0x2  }
0xa4: {  	_ =	swait.ge @!p0 [sflag:s0], s1  }
0xa5: {  	s1 =	ssub.s32 @!p0 $0x0, s1;
	[sflag:s0] =	ssyncset.done @!p0 $0x0  }
0xa6: {  	[sflag:s0] =	ssyncadd.s32 @!p0 s1  }
0xa7: {  	[bflag:$0x3] =	sbarrier.arrive $0xFFFF  }
0xa8: {  	_ =	shalt  }

// kernel: kernel.14.cloned.1.call-start
scs
__scs_entry_jumppad:
0x0: {  	(pc) =	sbr.rel $0x88, $3  }
0x1: {  	(tag) =	ssettag $0x0;
	lr =	simm.s32 $0x1  }
0x2: {  	[smem:$0x3F9B] =	sst lr;
	_ =	strace $0xD0000000  }
0x3: {  	_ = 	snop  }
0x4: {  	_ = 	snop  }
0x5: {  	_ = 	snop  }
0x6: {  	_ = 	snop  }
0x7: {  	_ = 	snop  }
__scs_overlays_trampoline_lowered:
0x8: {  	[smem:$0x3FAA] =	sst s0  }
0x9: {  	[smem:$0x3FAB] =	sst s1  }
0xa: {  	[smem:$0x3FAC] =	sst s2  }
0xb: {  	[smem:$0x3FAD] =	sst s3  }
0xc: {  	[smem:$0x3FAE] =	sst s4  }
0xd: {  	[smem:$0x3FAF] =	sst s5  }
0xe: {  	[smem:$0x3FB0] =	sst s6  }
0xf: {  	[smem:$0x3FB1] =	sst s7  }
0x10: {  	[smem:$0x3FB2] =	sst s8  }
0x11: {  	[smem:$0x3FB3] =	sst s9;
	s0 =	simm.s32 @!p0 $0x0  }
0x12: {  	s1 =	sld [smem:$0x3F99];
	s0 =	simm.s32 @p0 $0x1  }
0x13: {  	[smem:$0x3FB4] =	sst s0;
	s0 =	simm.s32 @!p1 $0x0  }
0x14: {  	s2 =	sld [smem:$0x3F98];
	s0 =	simm.s32 @p1 $0x1  }
0x15: {  	[smem:$0x3FB5] =	sst s0;
	s0 =	simm.s32 @!p2 $0x0  }
0x16: {  	s3 =	sld [smem:$0x3FDB];
	s0 =	simm.s32 @p2 $0x1  }
0x17: {  	s4 =	simm.s32 $0x1BF5;
	[smem:$0x3FB7] =	sst s0  }
0x18: {  	s0 =	sld [smem:$0x3F9A];
	_ =	swait.ge [sflag:s4], $0x0  }
0x19: {  	s7 =	sld [smem:$0x3F9B]  }
0x1a: {  	s8 =	sadd.s32 $0xFFFFE003, lr  }
0x1b: {  	s9 =	sadd.s32 $0xFFFFFEF7, lr;
	s5 =	simm.s32 $0xFFFFFFFF;
	p2 =	slt.u32 s8, $0xFFFFF086  }
0x1c: {  	p1 =	slt.u32 s9, $0xF7A;
	s5 =	simm.s32 @!p2 $0x0  }
0x1d: {  	s5 =	simm.s32 @p1 $0x1;
	p0 =	seq.s32 s7, s2  }
0x1e: {  	s7 =	smul.u32 @!p0 $0xF7A, s2;
	p2 =	seq.s32 @!p0 s5, $0x0  }
0x1f: {  	s9 =	smul.u32 $0xF7A, s1;
	s8 =	simm.s32 @!p0 $0x1BF5;
	p2 =	por !p2, p0  }
0x20: {  	[sflag:s8] =	ssyncset.s32 @!p0 $0xFFFFF086;
	s6 =	sadd.s32 @!p0 s3, s7;
	s7 =	simm.s32 @!p0 $0x108  }
0x21: {  	s3 =	sadd.s32 s3, s9;
	s6 =	sadd.s32 @!p0 $0x88, s6;
	s7 =	simm.s32 @p2 $0x1082  }
0x22: {  	[simem:s7], [sflag:s8] =	dma.local @!p0 [hbm:s6], $0xF7A  }
0x23: {  	s9 =	sor.u32 $0xD0000000, s2;
	s6 =	simm.s32 $0x108;
	_ =	swait.ge @!p0 [sflag:s8], $0x0  }
0x24: {  	s3 =	sadd.s32 $0x88, s3;
	s6 =	simm.s32 @!p1 $0x1082;
	[sflag:s4] =	ssyncset.s32 $0xFFFFF086  }
0x25: {  	[simem:s6], [sflag:s4] =	dma.local [hbm:s3], $0xF7A  }
0x26: {  	[smem:$0x3F9B] =	sst s1;
	(tag) =	ssettag s2;
	_ =	strace s9  }
0x27: {  	s1 =	sld [smem:$0x3FAB]  }
0x28: {  	s2 =	sld [smem:$0x3FAC]  }
0x29: {  	s4 =	sld [smem:$0x3FAE]  }
0x2a: {  	p0 =	seq.s32 s5, $0x0;
	s5 =	sld [smem:$0x3FAF]  }
0x2b: {  	s6 =	sld [smem:$0x3FB0]  }
0x2c: {  	s7 =	sld [smem:$0x3FB1]  }
0x2d: {  	s3 =	simm.s32 $0x108;
	s8 =	sld [smem:$0x3FB2]  }
0x2e: {  	s3 =	simm.s32 @!p0 $0x1082;
	s9 =	sld [smem:$0x3FB3]  }
0x2f: {  	lr =	sadd.s32 s0, s3;
	s0 =	sld [smem:$0x3FAA]  }
0x30: {  	s3 =	sld [smem:$0x3FAD]  }
0x31: {  	[smem:$0x3FB6] =	sst s10  }
0x32: {  	s10 =	sld [smem:$0x3FB4];
	_ =	sdelay $0x3  }
0x33: {  	p0 =	seq.s32 s10, $0x1;
	s10 =	sld [smem:$0x3FB6];
	_ =	sdelay $0x3  }
0x34: {  	[smem:$0x3FB6] =	sst s10  }
0x35: {  	s10 =	sld [smem:$0x3FB5];
	_ =	sdelay $0x3  }
0x36: {  	p1 =	seq.s32 s10, $0x1;
	s10 =	sld [smem:$0x3FB6];
	_ =	sdelay $0x3  }
0x37: {  	[smem:$0x3FB6] =	sst s10  }
0x38: {  	s10 =	sld [smem:$0x3FB7]  }
0x39: {  	_ = 	snop;
	(pc) =	sbr.ind lr, $3  }
0x3a: {  	_ = 	snop  }
0x3b: {  	_ = 	snop  }
0x3c: {  	p2 =	seq.s32 s10, $0x1;
	s10 =	sld [smem:$0x3FB6]  }
0x3d: {  	_ =	shalt  }
0x3e: {  	_ =	shalt  }
0x3f: {  	_ =	shalt  }
0x40: {  	_ =	shalt  }
0x41: {  	_ =	shalt  }
0x42: {  	_ =	shalt  }
0x43: {  	_ =	shalt  }
0x44: {  	_ =	shalt  }
0x45: {  	_ =	shalt  }
0x46: {  	_ =	shalt  }
0x47: {  	_ =	shalt  }
0x48: {  	_ =	shalt  }
0x49: {  	_ =	shalt  }
0x4a: {  	_ =	shalt  }
0x4b: {  	_ =	shalt  }
0x4c: {  	_ =	shalt  }
0x4d: {  	_ =	shalt  }
0x4e: {  	_ =	shalt  }
0x4f: {  	_ =	shalt  }
0x50: {  	_ =	shalt  }
0x51: {  	_ =	shalt  }
0x52: {  	_ =	shalt  }
0x53: {  	_ =	shalt  }
0x54: {  	_ =	shalt  }
0x55: {  	_ =	shalt  }
0x56: {  	_ =	shalt  }
0x57: {  	_ =	shalt  }
0x58: {  	_ =	shalt  }
0x59: {  	_ =	shalt  }
0x5a: {  	_ =	shalt  }
0x5b: {  	_ =	shalt  }
0x5c: {  	_ =	shalt  }
0x5d: {  	_ =	shalt  }
0x5e: {  	_ =	shalt  }
0x5f: {  	_ =	shalt  }
0x60: {  	_ =	shalt  }
0x61: {  	_ =	shalt  }
0x62: {  	_ =	shalt  }
0x63: {  	_ =	shalt  }
0x64: {  	_ =	shalt  }
0x65: {  	_ =	shalt  }
0x66: {  	_ =	shalt  }
0x67: {  	_ =	shalt  }
0x68: {  	_ =	shalt  }
0x69: {  	_ =	shalt  }
0x6a: {  	_ =	shalt  }
0x6b: {  	_ =	shalt  }
0x6c: {  	_ =	shalt  }
0x6d: {  	_ =	shalt  }
0x6e: {  	_ =	shalt  }
0x6f: {  	_ =	shalt  }
0x70: {  	_ =	shalt  }
0x71: {  	_ =	shalt  }
0x72: {  	_ =	shalt  }
0x73: {  	_ =	shalt  }
0x74: {  	_ =	shalt  }
0x75: {  	_ =	shalt  }
0x76: {  	_ =	shalt  }
0x77: {  	_ =	shalt  }
0x78: {  	_ =	shalt  }
0x79: {  	_ =	shalt  }
0x7a: {  	_ =	shalt  }
0x7b: {  	_ =	shalt  }
0x7c: {  	_ =	shalt  }
0x7d: {  	_ =	shalt  }
0x7e: {  	_ =	shalt  }
0x7f: {  	_ =	shalt  }
0x80: {  	_ =	shalt  }
0x81: {  	_ =	shalt  }
0x82: {  	_ =	shalt  }
0x83: {  	_ =	shalt  }
0x84: {  	_ =	shalt  }
0x85: {  	_ =	shalt  }
0x86: {  	_ =	shalt  }
0x87: {  	_ =	shalt  }
.Lfunc_end0:
.L_simem_size_0:
called_computation.2_lowered:
.L_overlay_start_0:
0x88: {  	s2 =	sld [smem:$0x3FD9]  }
0x89: {  	s3 =	sld [smem:$0x3FFE];
	_ =	sdelay $0x1  }
0x8a: {  	s1 =	srdreg.scid  }
0x8b: {  	s0 =	sand.u32 $0x1, s1  }
0x8c: {  	s17 =	sshll.u32 s0, $0xA;
	s2 =	sadd.s32 s3, s2  }
0x8d: {  	s2 =	sadd.s32 s2, s17  }
0x8e: {  	[smem:$0x3FC2] =	sst s2  }
0x8f: {  	_ = 	snop  }
0x90: {  	s2 =	sld [smem:$0x3FD0];
	(tm) =	ssettm $0x1  }
0x91: {  	s18 =	sld [smem:$0x3FFB];
	_ =	sdelay $0x3  }
0x92: {  	_ =	strace s18  }
0x93: {  	s3 =	sld [smem:$0x3FFC];
	_ =	sdelay $0x3  }
0x94: {  	_ =	strace s3  }
0x95: {  	s3 =	sld [smem:$0x3FFD];
	_ =	sdelay $0x3  }
0x96: {  	_ =	strace s3  }
0x97: {  	_ =	strace $0x8FFFFFFF  }
0x98: {  	s19 =	sld [smem:$0x3FDB];
	_ =	sdelay $0x1  }
0x99: {  	s4 =	simm.s32 $_scs_section_size  }
0x9a: {  	s5 =	simm.s32 $_size__tile_overlayer_lowered;
	s6 =	simm.s32 $_tile_overlayer_lowered  }
0x9b: {  	s22 =	simm.s32 $0x1BFF;
	s21 =	sshll.u32 s6, $0x1;
	s3 =	sadd.s32 s4, s19  }
0x9c: {  	s7 =	simm.s32 $0x0;
	s20 =	sshll.u32 s5, $0x1;
	s5 =	sadd.s32 s21, s3  }
0x9d: {  	[timem:s7], [sflag:s22] =	dma.local [hbm:s5], s20  }
0x9e: {  	_ =	swait.ge [sflag:s22], s20  }
0x9f: {  	s4 =	ssub.s32 $0x0, s20;
	[sflag:s22] =	ssyncset.done $0x0  }
0xa0: {  	[sflag:s22] =	ssyncadd.s32 s4;
	_ =	sdelay $0x1  }
0xa1: {  	s23 =	simm.s32 $0x1B8B  }
0xa2: {  	_ =	swait.ge [sflag:s23], $0x1  }
0xa3: {  	[sflag:s23] =	ssyncset.done $0x0  }
0xa4: {  	s25 =	simm.s32 $0x1B8E;
	s24 =	sld [smem:$0x3FFE];
	[sflag:s23] =	ssyncadd.s32 $0xFFFFFFFF  }
0xa5: {  	s26 =	simm.s32 $execute0_lowered;
	[smem:$0x3FD2] =	sst s25  }
0xa6: {  	s5 =	sshll.u32 s26, $0x1;
	_ =	strace $0x8000004C;
	[dreg:$0x1] =	wrdreg $0xFFFFFFFF  }
0xa7: {  	s28 =	simm.s32 $_size_execute0_lowered;
	s3 =	sadd.s32 s3, s5;
	[dreg:$0x0] =	wrdreg $0x0  }
0xa8: {  	s5 =	sshll.u32 s28, $0x1;
	[dreg:$0x2] =	wrdreg s3  }
0xa9: {  	[dreg:$0x3] =	wrdreg s5  }
0xaa: {  	[dreg:$0x4] =	wrdreg $0xC0  }
0xab: {  	_ =	task [dreg:s7], $0x5FFFF  }
0xac: {  	[dreg:$0x1] =	wrdreg $0xFFFFFFFF  }
0xad: {  	[dreg:$0x0] =	wrdreg $0x60  }
0xae: {  	[dreg:$0x2] =	wrdreg s24  }
0xaf: {  	[dreg:$0x3] =	wrdreg s2  }
0xb0: {  	[dreg:$0x4] =	wrdreg $0x41000  }
0xb1: {  	[dreg:$0x5] =	wrdreg $0x9  }
0xb2: {  	_ =	task.clear_ibuf [dreg:s7], $0x6FFFF;
	_ =	strace $0x9000004C  }
0xb3: {  	s29 =	simm.s32 $0x9;
	_ =	strace $0x8000004E  }
0xb4: {  	_ =	swait.ge [sflag:s29], $0x1  }
0xb5: {  	[sflag:s29] =	ssyncadd.s32 $0xFFFFFFFF  }
0xb6: {  	_ =	strace $0x9000004E  }
0xb7: {  	_ =	sfence  }
0xb8: {  	s30 =	sld [smem:$0x0];
	_ =	sdelay $0x2  }
0xb9: {  	s31 =	sshll.u32 s1, $0xD;
	s1 =	sshrl.u32 s1, $0x2  }
0xba: {  	s3 =	sand.u32 $0x4000, s31;
	s1 =	sadd.s32 s1, s30  }
0xbb: {  	s0 =	sor.u32 s3, s0;
	s1 =	sshll.u32 s1, $0x11  }
0xbc: {  	s0 =	sor.u32 s1, s0  }
0xbd: {  	s0 =	sadd.s32 $0x8F2B, s0  }
0xbe: {  	[sflag:s0] =	ssyncadd.remote.s32 $0x1  }
0xbf: {  	_ =	sfence.sel $0xFFFF  }
0xc0: {  	[dreg:$0x0] =	wrdreg $0xFFFFFFFF;
	(pc) =	sbr.abs _section_cstart, $3  }
0xc1: {  	[dreg:$0x1] =	wrdreg $0xFFFFFFFF  }
0xc2: {  	_ =	task.clear_ibuf [dreg:s7], $0x2FFFF;
	_ =	strace $0x9FFFFFFF  }
0xc3: {  	(tm) =	ssettm $0x7FFFFFFF  }
tec
execute0_lowered:
.L_overlay_start_1:
0x0: {  	(tag) =	ssettag $0x1  }
0x1: {  	s5 =	rddreg [dreg:$0x0]  }
0x2: {  	s16 =	rddreg [dreg:$0x1]  }
0x3: {  	s2 =	rddreg [dreg:$0x2]  }
0x4: {  	s0 =	rddreg [dreg:$0x3];
	s1 =	stileid.u32  }
0x5: {  	s3 =	simm.s32 $0x0;
	s4 =	srdreg.scid;
	s17 =	smul.u32 $0xA00, s1  }
0x6: {  	[smem:$0x7FF] =	sst s3;
	s6 =	smul.u32 $0x50000, s1  }
0x7: {  	s18 =	sand.u32 $0x1, s4;
	s4 =	sadd.s32 $0xC000, s5;
	s9 =	smul.u32 $0x14000, s1  }
0x8: {  	s14 =	sadd.s32 $0x34000, s5;
	_ =	strace $0x8000004D;
	s7 =	ssub.s32 $0x2, s18  }
0x9: {  	s13 =	smul.u32 $0x140000, s18;
	p0 =	sne.s32 s18, $0x0;
	s18 =	simm.s32 $0x100  }
0xa: {  	s19 =	sadd.s32 s17, s5;
	s8 =	sshrl.u32 s7, $0x1;
	s6 =	sshrl.u32 s6, $0x2  }
0xb: {  	s10 =	sadd.s32 $0x4000, s9;
	s12 =	sadd.s32 $0x8000, s9;
	s20 =	sadd.s32 $0xC000, s9  }
0xc: {  	s21 =	sadd.s32 $0x10000, s9;
	s16 =	sadd.s32 s17, s16;
	s15 =	ssub.s32 s7, s8  }
0xd: {  	s5 =	sadd.s32 s6, s2;
	s6 =	sadd.s32 s10, s2;
	s7 =	sadd.s32 s12, s2  }
0xe: {  	s8 =	sadd.s32 s20, s2;
	s11 =	sadd.s32 s9, s13;
	s10 =	sadd.s32 s13, s10  }
0xf: {  	s9 =	sadd.s32 s21, s2;
	s12 =	sadd.s32 s13, s12;
	s20 =	sadd.s32 s13, s20  }
0x10: {  	s13 =	sadd.s32 s13, s21;
	s17 =	sadd.s32 $0x2000, s19;
	s19 =	simm.s32 $0x2  }
.Ltmp0:
0x11: {  	s11 =	sshrl.u32 s11, $0x3;
	s22 =	sshrl.u32 s10, $0x3;
	(pc) =	sbr.rel .LBB2_1-.Ltmp0, $4  }
0x12: {  	s12 =	sshrl.u32 s12, $0x3;
	s20 =	sshrl.u32 s20, $0x3;
	s21 =	sshrl.u32 s13, $0x3  }
0x13: {  	s15 =	smax.u32 s15, $0x1;
	s10 =	sadd.s32 s14, s11;
	s11 =	sadd.s32 s14, s22  }
0x14: {  	s12 =	sadd.s32 s14, s12;
	s13 =	sadd.s32 s14, s20;
	s14 =	sadd.s32 s14, s21  }
0x15: {  	v0 =	vimm.f32 $0.0e+00;
	s20 =	simm.s32 $0x80;
	s21 =	simm.s32 $0x1;
	s22 =	simm.s32 $0x0  }
.LBB2_6:
0x16: {  	s24 =	sadd.s32 s23, s17;
	[sflag:s19] =	ssyncadd.s32 $0xFFFFC000  }
0x17: {  	[tilespmem:s3], [sflag:$0x2] =	stream.linear.gather [hbm4b:s24+s3], $0x80, $0x38;
	[tilespmem:$0x18100] =	vst v63  }
0x18: {  	_ =	swait.ge [sflag:s19], $0x80  }
0x19: {  	[sflag:s19] =	ssyncset.done $0x0  }
0x1a: {  	s31 =	sadd.s32 s23, s16;
	[sflag:s19] =	ssyncadd.s32 $0xFFFFFF80  }
0x1b: {  	[tilespmem:s20], [sflag:$0x2] =	stream.linear.gather [hbm4b:s31+s3], $0x80, $0x38;
	[tilespmem:$0x18100] =	vst v63  }
0x1c: {  	_ =	swait.ge [sflag:s19], $0x80  }
0x1d: {  	[sflag:s19] =	ssyncset.done $0x0  }
0x1e: {  	[sflag:s19] =	ssyncadd.s32 $0xFFFFFF80  }
0x1f: {  	[tilespmem:s18], [sflag:$0x1] =	stream.indirect.gather [hbm4b:s4+s20], $0x80, s3, s20, $0xb8;
	[tilespmem:$0x18100] =	vst v63  }
0x20: {  	_ =	swait.ge [sflag:s21], $0x4000  }
0x21: {  	[sflag:s21] =	ssyncset.done $0x0  }
0x22: {  	[sflag:s21] =	ssyncadd.s32 $0xFFFFC000  }
0x23: {  	[spmem:s2] =	stream.indirect.scatter.add.f32 [tilespmem:s18], [sflag:$0x2], $0x80, s20, s20, $0xb8;
	[tilespmem:$0x18100] =	vst v63  }
0x24: {  	_ =	swait.ge [sflag:s19], $0x4000  }
0x25: {  	[sflag:s19] =	ssyncset.done $0x0  }
0x26: {  	[sflag:s19] =	ssyncadd.s32 $0xFFFFC000  }
.LBB2_7:
0x27: {  	[bflag:$0x0] =	sbarrier.arrive $0xFFFF  }
0x28: {  	[tilespmem:s18], [sflag:$0x2] =	stream.linear.gather [spmem:s5], $0x4000, $0x38;
	[tilespmem:$0x18100] =	vst v63  }
0x29: {  	_ =	swait.ge [sflag:s19], $0x4000  }
0x2a: {  	[sflag:s19] =	ssyncset.done $0x0  }
0x2b: {  	[sflag:s19] =	ssyncadd.s32 $0xFFFFC000  }
0x2c: {  	[hbm4b:s10+s3] =	stream.linear.scatter [tilespmem:s18], [sflag:$0x2], $0x4000, $0x38;
	[tilespmem:$0x18100] =	vst v63  }
0x2d: {  	_ =	swait.ge [sflag:s19], $0x4000  }
0x2e: {  	[sflag:s19] =	ssyncset.done $0x0  }
0x2f: {  	[sflag:s19] =	ssyncadd.s32 $0xFFFFC000  }
0x30: {  	[tilespmem:s18], [sflag:$0x2] =	stream.linear.gather [spmem:s6], $0x4000, $0x38;
	[tilespmem:$0x18100] =	vst v63  }
0x31: {  	_ =	swait.ge [sflag:s19], $0x4000  }
0x32: {  	[sflag:s19] =	ssyncset.done $0x0  }
0x33: {  	[sflag:s19] =	ssyncadd.s32 $0xFFFFC000  }
0x34: {  	[hbm4b:s11+s3] =	stream.linear.scatter [tilespmem:s18], [sflag:$0x2], $0x4000, $0x38;
	[tilespmem:$0x18100] =	vst v63  }
0x35: {  	_ =	swait.ge [sflag:s19], $0x4000  }
0x36: {  	[sflag:s19] =	ssyncset.done $0x0  }
0x37: {  	[sflag:s19] =	ssyncadd.s32 $0xFFFFC000  }
0x38: {  	[tilespmem:s18], [sflag:$0x2] =	stream.linear.gather [spmem:s7], $0x4000, $0x38;
	[tilespmem:$0x18100] =	vst v63  }
0x39: {  	_ =	swait.ge [sflag:s19], $0x4000  }
0x3a: {  	[sflag:s19] =	ssyncset.done $0x0  }
0x3b: {  	[sflag:s19] =	ssyncadd.s32 $0xFFFFC000  }
0x3c: {  	[hbm4b:s12+s3] =	stream.linear.scatter [tilespmem:s18], [sflag:$0x2], $0x4000, $0x38;
	[tilespmem:$0x18100] =	vst v63  }
0x3d: {  	_ =	swait.ge [sflag:s19], $0x4000  }
0x3e: {  	[sflag:s19] =	ssyncset.done $0x0  }
0x3f: {  	[sflag:s19] =	ssyncadd.s32 $0xFFFFC000  }
0x40: {  	[tilespmem:s18], [sflag:$0x2] =	stream.linear.gather [spmem:s8], $0x4000, $0x38;
	[tilespmem:$0x18100] =	vst v63  }
0x41: {  	_ =	swait.ge [sflag:s19], $0x4000  }
0x42: {  	[sflag:s19] =	ssyncset.done $0x0  }
0x43: {  	[sflag:s19] =	ssyncadd.s32 $0xFFFFC000  }
0x44: {  	[hbm4b:s13+s3] =	stream.linear.scatter [tilespmem:s18], [sflag:$0x2], $0x4000, $0x38;
	[tilespmem:$0x18100] =	vst v63  }
0x45: {  	_ =	swait.ge [sflag:s19], $0x4000  }
0x46: {  	[sflag:s19] =	ssyncset.done $0x0  }
0x47: {  	[sflag:s19] =	ssyncadd.s32 $0xFFFFC000  }
0x48: {  	[tilespmem:s18], [sflag:$0x2] =	stream.linear.gather [spmem:s9], $0x4000, $0x38;
	[tilespmem:$0x18100] =	vst v63  }
0x49: {  	s22 =	sadd.s32 $0x1, s22;
	_ =	swait.ge [sflag:s19], $0x4000  }
0x4a: {  	p1 =	sne.s32 s22, s15;
	[sflag:s19] =	ssyncset.done $0x0  }
.Ltmp1:
0x4b: {  	[sflag:s19] =	ssyncadd.s32 $0xFFFFC000;
	(pc) =	sbr.rel @!p1 .LBB2_8-.Ltmp1, $4  }
0x4c: {  	[hbm4b:s14+s3] =	stream.linear.scatter [tilespmem:s18], [sflag:$0x2], $0x4000, $0x38;
	[tilespmem:$0x18100] =	vst v63  }
0x4d: {  	_ =	swait.ge [sflag:s19], $0x4000  }
0x4e: {  	[sflag:s19] =	ssyncset.done $0x0  }
0x4f: {  	[sflag:s19] =	ssyncadd.s32 $0xFFFFC000  }
.LBB2_1:
0x50: {  	s23 =	simm.s32 $0x0;
	s24 =	simm.s32 $0x200  }
.LBB2_2:
0x51: {  	p1 =	sne.s32 s24, $0xFE00;
	[tilespmem:s23+$0x170] =	vst v0  }
0x52: {  	[tilespmem:s23+$0x100] =	vst v0  }
0x53: {  	[tilespmem:s23+$0x110] =	vst v0  }
.Ltmp2:
0x54: {  	[tilespmem:s23+$0x120] =	vst v0;
	(pc) =	sbr.rel @p1 .LBB2_2-.Ltmp2, $4  }
0x55: {  	[tilespmem:s23+$0x130] =	vst v0  }
0x56: {  	[tilespmem:s23+$0x140] =	vst v0  }
0x57: {  	[tilespmem:s23+$0x150] =	vst v0  }
0x58: {  	[tilespmem:s23+$0x160] =	vst v0;
	s23 =	sshra.s32 s24, $0x2;
	s24 =	sadd.s32 $0x200, s24  }
0x59: {  	[tilespmem:s23+$0x170] =	vst v0  }
0x5a: {  	[tilespmem:s23+$0x100] =	vst v0  }
0x5b: {  	[tilespmem:s23+$0x110] =	vst v0  }
0x5c: {  	[tilespmem:s23+$0x120] =	vst v0  }
0x5d: {  	[tilespmem:s23+$0x130] =	vst v0  }
0x5e: {  	[tilespmem:s23+$0x140] =	vst v0  }
0x5f: {  	[tilespmem:s23+$0x150] =	vst v0  }
0x60: {  	[tilespmem:s23+$0x160] =	vst v0  }
0x61: {  	[spmem:s5] =	stream.linear.scatter [tilespmem:s18], [sflag:$0x2], $0x4000, $0x38;
	[tilespmem:$0x18100] =	vst v63  }
0x62: {  	_ =	swait.ge [sflag:s19], $0x4000  }
0x63: {  	[sflag:s19] =	ssyncset.done $0x0  }
0x64: {  	[sflag:s19] =	ssyncadd.s32 $0xFFFFC000  }
0x65: {  	[spmem:s6] =	stream.linear.scatter [tilespmem:s18], [sflag:$0x2], $0x4000, $0x38;
	[tilespmem:$0x18100] =	vst v63  }
0x66: {  	_ =	swait.ge [sflag:s19], $0x4000  }
0x67: {  	[sflag:s19] =	ssyncset.done $0x0  }
0x68: {  	[sflag:s19] =	ssyncadd.s32 $0xFFFFC000  }
0x69: {  	[spmem:s7] =	stream.linear.scatter [tilespmem:s18], [sflag:$0x2], $0x4000, $0x38;
	[tilespmem:$0x18100] =	vst v63  }
0x6a: {  	_ =	swait.ge [sflag:s19], $0x4000  }
0x6b: {  	[sflag:s19] =	ssyncset.done $0x0  }
0x6c: {  	[sflag:s19] =	ssyncadd.s32 $0xFFFFC000  }
0x6d: {  	[spmem:s8] =	stream.linear.scatter [tilespmem:s18], [sflag:$0x2], $0x4000, $0x38;
	[tilespmem:$0x18100] =	vst v63  }
0x6e: {  	_ =	swait.ge [sflag:s19], $0x4000  }
0x6f: {  	[sflag:s19] =	ssyncset.done $0x0  }
0x70: {  	[sflag:s19] =	ssyncadd.s32 $0xFFFFC000  }
0x71: {  	[spmem:s9] =	stream.linear.scatter [tilespmem:s18], [sflag:$0x2], $0x4000, $0x38;
	[tilespmem:$0x18100] =	vst v63  }
.Ltmp3:
0x72: {  	_ =	swait.ge [sflag:s19], $0x4000;
	(pc) =	sbr.rel @p0 .LBB2_7-.Ltmp3, $3  }
0x73: {  	[sflag:s19] =	ssyncset.done $0x0  }
0x74: {  	[sflag:s19] =	ssyncadd.s32 $0xFFFFC000  }
0x75: {  	[bflag:$0x0] =	sbarrier.arrive $0xFFFF;
	_ =	sdelay $0x1  }
0x76: {  	s23 =	sadd.s32 $0x0, s17  }
0x77: {  	[tilespmem:s3], [sflag:$0x2] =	stream.linear.gather [hbm4b:s23+s3], $0x80, $0x38;
	[tilespmem:$0x18100] =	vst v63  }
0x78: {  	_ =	swait.ge [sflag:s19], $0x80  }
0x79: {  	[sflag:s19] =	ssyncset.done $0x0  }
0x7a: {  	s31 =	sadd.s32 $0x0, s16;
	[sflag:s19] =	ssyncadd.s32 $0xFFFFFF80  }
0x7b: {  	[tilespmem:s20], [sflag:$0x2] =	stream.linear.gather [hbm4b:s31+s3], $0x80, $0x38;
	[tilespmem:$0x18100] =	vst v63  }
0x7c: {  	_ =	swait.ge [sflag:s19], $0x80  }
0x7d: {  	[sflag:s19] =	ssyncset.done $0x0  }
0x7e: {  	[sflag:s19] =	ssyncadd.s32 $0xFFFFFF80  }
0x7f: {  	[tilespmem:s18], [sflag:$0x1] =	stream.indirect.gather [hbm4b:s4+s20], $0x80, s3, s20, $0xb8;
	[tilespmem:$0x18100] =	vst v63  }
0x80: {  	_ =	swait.ge [sflag:s21], $0x4000  }
0x81: {  	[sflag:s21] =	ssyncset.done $0x0  }
0x82: {  	[sflag:s21] =	ssyncadd.s32 $0xFFFFC000  }
0x83: {  	[spmem:s2] =	stream.indirect.scatter.add.f32 [tilespmem:s18], [sflag:$0x2], $0x80, s20, s20, $0xb8;
	[tilespmem:$0x18100] =	vst v63  }
0x84: {  	_ =	swait.ge [sflag:s19], $0x4000  }
0x85: {  	s24 =	simm.s32 $0x20;
	s23 =	simm.s32 $0x10;
	[sflag:s19] =	ssyncset.done $0x0  }
.LBB2_5:
0x86: {  	s25 =	sadd.s32 s23, s17  }
0x87: {  	[sflag:s19] =	ssyncadd.s32 $0xFFFFC000;
	s26 =	smov.u32 s24;
	s28 =	sadd.s32 $0x10, s24  }
0x88: {  	[tilespmem:s3], [sflag:$0x2] =	stream.linear.gather [hbm4b:s25+s3], $0x80, $0x38;
	[tilespmem:$0x18100] =	vst v63  }
0x89: {  	p1 =	sne.s32 s24, $0x9F0;
	_ =	swait.ge [sflag:s19], $0x80  }
0x8a: {  	[sflag:s19] =	ssyncset.done $0x0  }
0x8b: {  	s24 =	sadd.s32 s23, s16;
	s23 =	smov.u32 s26;
	[sflag:s19] =	ssyncadd.s32 $0xFFFFFF80  }
0x8c: {  	[tilespmem:s20], [sflag:$0x2] =	stream.linear.gather [hbm4b:s24+s3], $0x80, $0x38;
	[tilespmem:$0x18100] =	vst v63  }
0x8d: {  	_ =	swait.ge [sflag:s19], $0x80  }
0x8e: {  	[sflag:s19] =	ssyncset.done $0x0  }
0x8f: {  	[sflag:s19] =	ssyncadd.s32 $0xFFFFFF80  }
0x90: {  	[tilespmem:s18], [sflag:$0x1] =	stream.indirect.gather [hbm4b:s4+s20], $0x80, s3, s20, $0xb8;
	[tilespmem:$0x18100] =	vst v63  }
0x91: {  	_ =	swait.ge [sflag:s21], $0x4000  }
.Ltmp4:
0x92: {  	[sflag:s21] =	ssyncset.done $0x0;
	(pc) =	sbr.rel @p1 .LBB2_5-.Ltmp4, $4  }
0x93: {  	[sflag:s21] =	ssyncadd.s32 $0xFFFFC000  }
0x94: {  	[spmem:s2] =	stream.indirect.scatter.add.f32 [tilespmem:s18], [sflag:$0x2], $0x80, s20, s20, $0xb8;
	[tilespmem:$0x18100] =	vst v63  }
0x95: {  	_ =	swait.ge [sflag:s19], $0x4000  }
0x96: {  	s24 =	smov.u32 s28;
	[sflag:s19] =	ssyncset.done $0x0  }
.Ltmp5:
0x97: {  	_ = 	snop;
	(pc) =	sbr.rel .LBB2_6-.Ltmp5, $1  }
0x98: {  	_ =	sdelay $0x3  }
.LBB2_8:
0x99: {  	_ =	sfence.sel $0x180000  }
0x9a: {  	[bflag:$0x0] =	sbarrier.arrive $0xFFFF  }
0x9b: {  	p0 =	sne.s32 s1, $0x0;
	_ =	strace $0x9000004D  }
0x9c: {  	s0 =	sadd.s32 @!p0 $0x100000, s0;
	[bflag:$0x2] =	sbarrier.arrive $0xFFFF  }
0x9d: {  	[sflag:s0] =	ssyncadd.tile.s32 @!p0 $0x1;
	_ =	shalt  }
.Lfunc_end2:
_tile_overlayer_lowered:
.L_overlay_start_2:
0x9e: {  	(tag) =	ssettag $0x2  }
0x9f: {  	s0 =	rddreg [dreg:$0x0];
	s2 =	stileid.u32  }
0xa0: {  	s1 =	rddreg [dreg:$0x1];
	p0 =	sne.s32 s2, $0x0  }
0xa1: {  	s3 =	rddreg [dreg:$0x2];
	[bflag:$0x3] =	sbarrier.arrive $0xFFFF;
	s2 =	simm.s32 @!p0 $0x1C02  }
0xa2: {  	[timem:s3], [sflag:s2] =	dma.local @!p0 [hbm:s0], s1  }
0xa3: {  	s0 =	simm.s32 @!p0 $0x2  }
0xa4: {  	_ =	swait.ge @!p0 [sflag:s0], s1  }
0xa5: {  	s1 =	ssub.s32 @!p0 $0x0, s1;
	[sflag:s0] =	ssyncset.done @!p0 $0x0  }
0xa6: {  	[sflag:s0] =	ssyncadd.s32 @!p0 s1  }
0xa7: {  	[bflag:$0x3] =	sbarrier.arrive $0xFFFF  }
0xa8: {  	_ =	shalt  }

// kernel: kernel.8.cloned.1.call-start
scs
__scs_entry_jumppad:
0x0: {  	(pc) =	sbr.rel $0x88, $3  }
0x1: {  	(tag) =	ssettag $0x0;
	lr =	simm.s32 $0x1  }
0x2: {  	[smem:$0x3F9B] =	sst lr;
	_ =	strace $0xD0000000  }
0x3: {  	_ = 	snop  }
0x4: {  	_ = 	snop  }
0x5: {  	_ = 	snop  }
0x6: {  	_ = 	snop  }
0x7: {  	_ = 	snop  }
__scs_overlays_trampoline_lowered:
0x8: {  	[smem:$0x3FAA] =	sst s0  }
0x9: {  	[smem:$0x3FAB] =	sst s1  }
0xa: {  	[smem:$0x3FAC] =	sst s2  }
0xb: {  	[smem:$0x3FAD] =	sst s3  }
0xc: {  	[smem:$0x3FAE] =	sst s4  }
0xd: {  	[smem:$0x3FAF] =	sst s5  }
0xe: {  	[smem:$0x3FB0] =	sst s6  }
0xf: {  	[smem:$0x3FB1] =	sst s7  }
0x10: {  	[smem:$0x3FB2] =	sst s8  }
0x11: {  	[smem:$0x3FB3] =	sst s9;
	s0 =	simm.s32 @!p0 $0x0  }
0x12: {  	s1 =	sld [smem:$0x3F99];
	s0 =	simm.s32 @p0 $0x1  }
0x13: {  	[smem:$0x3FB4] =	sst s0;
	s0 =	simm.s32 @!p1 $0x0  }
0x14: {  	s2 =	sld [smem:$0x3F98];
	s0 =	simm.s32 @p1 $0x1  }
0x15: {  	[smem:$0x3FB5] =	sst s0;
	s0 =	simm.s32 @!p2 $0x0  }
0x16: {  	s3 =	sld [smem:$0x3FDB];
	s0 =	simm.s32 @p2 $0x1  }
0x17: {  	s4 =	simm.s32 $0x1BF5;
	[smem:$0x3FB7] =	sst s0  }
0x18: {  	s0 =	sld [smem:$0x3F9A];
	_ =	swait.ge [sflag:s4], $0x0  }
0x19: {  	s7 =	sld [smem:$0x3F9B]  }
0x1a: {  	s8 =	sadd.s32 $0xFFFFE003, lr  }
0x1b: {  	s9 =	sadd.s32 $0xFFFFFEF7, lr;
	s5 =	simm.s32 $0xFFFFFFFF;
	p2 =	slt.u32 s8, $0xFFFFF086  }
0x1c: {  	p1 =	slt.u32 s9, $0xF7A;
	s5 =	simm.s32 @!p2 $0x0  }
0x1d: {  	s5 =	simm.s32 @p1 $0x1;
	p0 =	seq.s32 s7, s2  }
0x1e: {  	s7 =	smul.u32 @!p0 $0xF7A, s2;
	p2 =	seq.s32 @!p0 s5, $0x0  }
0x1f: {  	s9 =	smul.u32 $0xF7A, s1;
	s8 =	simm.s32 @!p0 $0x1BF5;
	p2 =	por !p2, p0  }
0x20: {  	[sflag:s8] =	ssyncset.s32 @!p0 $0xFFFFF086;
	s6 =	sadd.s32 @!p0 s3, s7;
	s7 =	simm.s32 @!p0 $0x108  }
0x21: {  	s3 =	sadd.s32 s3, s9;
	s6 =	sadd.s32 @!p0 $0x88, s6;
	s7 =	simm.s32 @p2 $0x1082  }
0x22: {  	[simem:s7], [sflag:s8] =	dma.local @!p0 [hbm:s6], $0xF7A  }
0x23: {  	s9 =	sor.u32 $0xD0000000, s2;
	s6 =	simm.s32 $0x108;
	_ =	swait.ge @!p0 [sflag:s8], $0x0  }
0x24: {  	s3 =	sadd.s32 $0x88, s3;
	s6 =	simm.s32 @!p1 $0x1082;
	[sflag:s4] =	ssyncset.s32 $0xFFFFF086  }
0x25: {  	[simem:s6], [sflag:s4] =	dma.local [hbm:s3], $0xF7A  }
0x26: {  	[smem:$0x3F9B] =	sst s1;
	(tag) =	ssettag s2;
	_ =	strace s9  }
0x27: {  	s1 =	sld [smem:$0x3FAB]  }
0x28: {  	s2 =	sld [smem:$0x3FAC]  }
0x29: {  	s4 =	sld [smem:$0x3FAE]  }
0x2a: {  	p0 =	seq.s32 s5, $0x0;
	s5 =	sld [smem:$0x3FAF]  }
0x2b: {  	s6 =	sld [smem:$0x3FB0]  }
0x2c: {  	s7 =	sld [smem:$0x3FB1]  }
0x2d: {  	s3 =	simm.s32 $0x108;
	s8 =	sld [smem:$0x3FB2]  }
0x2e: {  	s3 =	simm.s32 @!p0 $0x1082;
	s9 =	sld [smem:$0x3FB3]  }
0x2f: {  	lr =	sadd.s32 s0, s3;
	s0 =	sld [smem:$0x3FAA]  }
0x30: {  	s3 =	sld [smem:$0x3FAD]  }
0x31: {  	[smem:$0x3FB6] =	sst s10  }
0x32: {  	s10 =	sld [smem:$0x3FB4];
	_ =	sdelay $0x3  }
0x33: {  	p0 =	seq.s32 s10, $0x1;
	s10 =	sld [smem:$0x3FB6];
	_ =	sdelay $0x3  }
0x34: {  	[smem:$0x3FB6] =	sst s10  }
0x35: {  	s10 =	sld [smem:$0x3FB5];
	_ =	sdelay $0x3  }
0x36: {  	p1 =	seq.s32 s10, $0x1;
	s10 =	sld [smem:$0x3FB6];
	_ =	sdelay $0x3  }
0x37: {  	[smem:$0x3FB6] =	sst s10  }
0x38: {  	s10 =	sld [smem:$0x3FB7]  }
0x39: {  	_ = 	snop;
	(pc) =	sbr.ind lr, $3  }
0x3a: {  	_ = 	snop  }
0x3b: {  	_ = 	snop  }
0x3c: {  	p2 =	seq.s32 s10, $0x1;
	s10 =	sld [smem:$0x3FB6]  }
0x3d: {  	_ =	shalt  }
0x3e: {  	_ =	shalt  }
0x3f: {  	_ =	shalt  }
0x40: {  	_ =	shalt  }
0x41: {  	_ =	shalt  }
0x42: {  	_ =	shalt  }
0x43: {  	_ =	shalt  }
0x44: {  	_ =	shalt  }
0x45: {  	_ =	shalt  }
0x46: {  	_ =	shalt  }
0x47: {  	_ =	shalt  }
0x48: {  	_ =	shalt  }
0x49: {  	_ =	shalt  }
0x4a: {  	_ =	shalt  }
0x4b: {  	_ =	shalt  }
0x4c: {  	_ =	shalt  }
0x4d: {  	_ =	shalt  }
0x4e: {  	_ =	shalt  }
0x4f: {  	_ =	shalt  }
0x50: {  	_ =	shalt  }
0x51: {  	_ =	shalt  }
0x52: {  	_ =	shalt  }
0x53: {  	_ =	shalt  }
0x54: {  	_ =	shalt  }
0x55: {  	_ =	shalt  }
0x56: {  	_ =	shalt  }
0x57: {  	_ =	shalt  }
0x58: {  	_ =	shalt  }
0x59: {  	_ =	shalt  }
0x5a: {  	_ =	shalt  }
0x5b: {  	_ =	shalt  }
0x5c: {  	_ =	shalt  }
0x5d: {  	_ =	shalt  }
0x5e: {  	_ =	shalt  }
0x5f: {  	_ =	shalt  }
0x60: {  	_ =	shalt  }
0x61: {  	_ =	shalt  }
0x62: {  	_ =	shalt  }
0x63: {  	_ =	shalt  }
0x64: {  	_ =	shalt  }
0x65: {  	_ =	shalt  }
0x66: {  	_ =	shalt  }
0x67: {  	_ =	shalt  }
0x68: {  	_ =	shalt  }
0x69: {  	_ =	shalt  }
0x6a: {  	_ =	shalt  }
0x6b: {  	_ =	shalt  }
0x6c: {  	_ =	shalt  }
0x6d: {  	_ =	shalt  }
0x6e: {  	_ =	shalt  }
0x6f: {  	_ =	shalt  }
0x70: {  	_ =	shalt  }
0x71: {  	_ =	shalt  }
0x72: {  	_ =	shalt  }
0x73: {  	_ =	shalt  }
0x74: {  	_ =	shalt  }
0x75: {  	_ =	shalt  }
0x76: {  	_ =	shalt  }
0x77: {  	_ =	shalt  }
0x78: {  	_ =	shalt  }
0x79: {  	_ =	shalt  }
0x7a: {  	_ =	shalt  }
0x7b: {  	_ =	shalt  }
0x7c: {  	_ =	shalt  }
0x7d: {  	_ =	shalt  }
0x7e: {  	_ =	shalt  }
0x7f: {  	_ =	shalt  }
0x80: {  	_ =	shalt  }
0x81: {  	_ =	shalt  }
0x82: {  	_ =	shalt  }
0x83: {  	_ =	shalt  }
0x84: {  	_ =	shalt  }
0x85: {  	_ =	shalt  }
0x86: {  	_ =	shalt  }
0x87: {  	_ =	shalt  }
.Lfunc_end0:
.L_simem_size_0:
called_computation_lowered:
.L_overlay_start_0:
0x88: {  	s2 =	sld [smem:$0x3FD9]  }
0x89: {  	s3 =	sld [smem:$0x3FFE];
	_ =	sdelay $0x1  }
0x8a: {  	s1 =	srdreg.scid  }
0x8b: {  	s0 =	sand.u32 $0x1, s1  }
0x8c: {  	s17 =	sshll.u32 s0, $0xA;
	s2 =	sadd.s32 s3, s2  }
0x8d: {  	s2 =	sadd.s32 s2, s17  }
0x8e: {  	[smem:$0x3FC2] =	sst s2  }
0x8f: {  	_ = 	snop  }
0x90: {  	s2 =	sld [smem:$0x3FD0];
	(tm) =	ssettm $0x1  }
0x91: {  	s18 =	sld [smem:$0x3FFB];
	_ =	sdelay $0x3  }
0x92: {  	_ =	strace s18  }
0x93: {  	s3 =	sld [smem:$0x3FFC];
	_ =	sdelay $0x3  }
0x94: {  	_ =	strace s3  }
0x95: {  	s3 =	sld [smem:$0x3FFD];
	_ =	sdelay $0x3  }
0x96: {  	_ =	strace s3  }
0x97: {  	_ =	strace $0x8FFFFFFF  }
0x98: {  	s19 =	sld [smem:$0x3FDB];
	_ =	sdelay $0x1  }
0x99: {  	s4 =	simm.s32 $_scs_section_size  }
0x9a: {  	s5 =	simm.s32 $_size__tile_overlayer_lowered;
	s6 =	simm.s32 $_tile_overlayer_lowered  }
0x9b: {  	s22 =	simm.s32 $0x1BFF;
	s21 =	sshll.u32 s6, $0x1;
	s3 =	sadd.s32 s4, s19  }
0x9c: {  	s7 =	simm.s32 $0x0;
	s20 =	sshll.u32 s5, $0x1;
	s5 =	sadd.s32 s21, s3  }
0x9d: {  	[timem:s7], [sflag:s22] =	dma.local [hbm:s5], s20  }
0x9e: {  	_ =	swait.ge [sflag:s22], s20  }
0x9f: {  	s4 =	ssub.s32 $0x0, s20;
	[sflag:s22] =	ssyncset.done $0x0  }
0xa0: {  	[sflag:s22] =	ssyncadd.s32 s4;
	_ =	sdelay $0x1  }
0xa1: {  	s23 =	simm.s32 $0x1B8B  }
0xa2: {  	_ =	swait.ge [sflag:s23], $0x1  }
0xa3: {  	[sflag:s23] =	ssyncset.done $0x0  }
0xa4: {  	s25 =	simm.s32 $0x1B8E;
	s24 =	sld [smem:$0x3FFE];
	[sflag:s23] =	ssyncadd.s32 $0xFFFFFFFF  }
0xa5: {  	s26 =	simm.s32 $execute0_lowered;
	[smem:$0x3FD2] =	sst s25  }
0xa6: {  	s5 =	sshll.u32 s26, $0x1;
	_ =	strace $0x80000046;
	[dreg:$0x1] =	wrdreg $0xFFFFFFFF  }
0xa7: {  	s28 =	simm.s32 $_size_execute0_lowered;
	s3 =	sadd.s32 s3, s5;
	[dreg:$0x0] =	wrdreg $0x0  }
0xa8: {  	s5 =	sshll.u32 s28, $0x1;
	[dreg:$0x2] =	wrdreg s3  }
0xa9: {  	[dreg:$0x3] =	wrdreg s5  }
0xaa: {  	[dreg:$0x4] =	wrdreg $0xC0  }
0xab: {  	_ =	task [dreg:s7], $0x5FFFF  }
0xac: {  	[dreg:$0x1] =	wrdreg $0xFFFFFFFF  }
0xad: {  	[dreg:$0x0] =	wrdreg $0x60  }
0xae: {  	[dreg:$0x2] =	wrdreg s2  }
0xaf: {  	[dreg:$0x3] =	wrdreg s24  }
0xb0: {  	[dreg:$0x4] =	wrdreg $0x1000  }
0xb1: {  	[dreg:$0x5] =	wrdreg $0x9  }
0xb2: {  	_ =	task.clear_ibuf [dreg:s7], $0x6FFFF;
	_ =	strace $0x90000046  }
0xb3: {  	s29 =	simm.s32 $0x9;
	_ =	strace $0x80000048  }
0xb4: {  	_ =	swait.ge [sflag:s29], $0x1  }
0xb5: {  	[sflag:s29] =	ssyncadd.s32 $0xFFFFFFFF  }
0xb6: {  	_ =	strace $0x90000048  }
0xb7: {  	_ =	sfence  }
0xb8: {  	s30 =	sld [smem:$0x0];
	_ =	sdelay $0x2  }
0xb9: {  	s31 =	sshll.u32 s1, $0xD;
	s1 =	sshrl.u32 s1, $0x2  }
0xba: {  	s3 =	sand.u32 $0x4000, s31;
	s1 =	sadd.s32 s1, s30  }
0xbb: {  	s0 =	sor.u32 s3, s0;
	s1 =	sshll.u32 s1, $0x11  }
0xbc: {  	s0 =	sor.u32 s1, s0  }
0xbd: {  	s0 =	sadd.s32 $0x8F2B, s0  }
0xbe: {  	[sflag:s0] =	ssyncadd.remote.s32 $0x1  }
0xbf: {  	_ =	sfence.sel $0xFFFF  }
0xc0: {  	[dreg:$0x0] =	wrdreg $0xFFFFFFFF;
	(pc) =	sbr.abs _section_cstart, $3  }
0xc1: {  	[dreg:$0x1] =	wrdreg $0xFFFFFFFF  }
0xc2: {  	_ =	task.clear_ibuf [dreg:s7], $0x2FFFF;
	_ =	strace $0x9FFFFFFF  }
0xc3: {  	(tm) =	ssettm $0x7FFFFFFF  }
tec
execute0_lowered:
.L_overlay_start_1:
0x0: {  	(tag) =	ssettag $0x1  }
0x1: {  	s13 =	rddreg [dreg:$0x0]  }
0x2: {  	s9 =	rddreg [dreg:$0x1]  }
0x3: {  	s2 =	rddreg [dreg:$0x2];
	s3 =	srdreg.scid  }
0x4: {  	s0 =	rddreg [dreg:$0x3];
	s1 =	stileid.u32  }
0x5: {  	s18 =	simm.s32 $0x1400;
	s10 =	sand.u32 $0x1, s3;
	s11 =	smul.u32 $0x280, s1  }
0x6: {  	s3 =	simm.s32 $0x0;
	s20 =	smul.u32 $0x500, s1;
	s4 =	ssub.s32 $0x2, s10  }
0x7: {  	[smem:$0x7FF] =	sst s3;
	p0 =	seq.s32 s10, $0x0;
	s19 =	smul.u32 $0x5000, s10  }
0x8: {  	s5 =	sshrl.u32 s4, $0x1;
	_ =	strace $0x80000047;
	s14 =	sadd.s32 $0x80, s11  }
0x9: {  	s15 =	sadd.s32 $0x100, s11;
	s16 =	sadd.s32 $0x180, s11;
	s17 =	sadd.s32 $0x200, s11  }
0xa: {  	s18 =	simm.s32 @!p0 $0x1A00;
	s12 =	ssub.s32 s4, s5;
	s4 =	sadd.s32 s11, s2  }
0xb: {  	s5 =	sadd.s32 s14, s2;
	s6 =	sadd.s32 s15, s2;
	s7 =	sadd.s32 s16, s2  }
0xc: {  	s8 =	sadd.s32 s17, s2;
	s11 =	sshrl.u32 s11, $0x3;
	s14 =	sshrl.u32 s14, $0x3  }
0xd: {  	s15 =	sshrl.u32 s15, $0x3;
	s16 =	sshrl.u32 s16, $0x3;
	s17 =	sshrl.u32 s17, $0x3  }
0xe: {  	s18 =	sadd.s32 s18, s9;
	s31 =	sadd.s32 s19, s13;
	s9 =	smax.u32 s12, $0x1  }
0xf: {  	s10 =	sadd.s32 s18, s11;
	s11 =	sadd.s32 s18, s14;
	s12 =	sadd.s32 s18, s15  }
0x10: {  	s13 =	sadd.s32 s18, s16;
	s14 =	sadd.s32 s18, s17;
	s15 =	sadd.s32 s20, s31  }
0x11: {  	v0 =	vimm.f32 $0.0e+00;
	v1 =	vimm.f32 $1.000000000e+00;
	s16 =	simm.s32 $0x80;
	s17 =	simm.s32 $0x1;
	s18 =	simm.s32 $0x0  }
.LBB2_1:
0x12: {  	[tilespmem:$0x80] =	vst v0  }
0x13: {  	[tilespmem:$0x90] =	vst v0  }
0x14: {  	[tilespmem:$0xA0] =	vst v0  }
0x15: {  	[tilespmem:$0xB0] =	vst v0  }
0x16: {  	[tilespmem:$0xC0] =	vst v0  }
0x17: {  	[tilespmem:$0xD0] =	vst v0  }
0x18: {  	[tilespmem:$0xE0] =	vst v0  }
0x19: {  	[tilespmem:$0xF0] =	vst v0  }
0x1a: {  	[spmem:s4] =	stream.linear.scatter [tilespmem:s16], [sflag:$0x1], $0x80, $0x38;
	[tilespmem:$0x380] =	vst v63  }
0x1b: {  	_ =	swait.ge [sflag:s17], $0x80  }
0x1c: {  	[sflag:s17] =	ssyncset.done $0x0  }
0x1d: {  	[sflag:s17] =	ssyncadd.s32 $0xFFFFFF80  }
0x1e: {  	[spmem:s5] =	stream.linear.scatter [tilespmem:s16], [sflag:$0x1], $0x80, $0x38;
	[tilespmem:$0x380] =	vst v63  }
0x1f: {  	_ =	swait.ge [sflag:s17], $0x80  }
0x20: {  	[sflag:s17] =	ssyncset.done $0x0  }
0x21: {  	[sflag:s17] =	ssyncadd.s32 $0xFFFFFF80  }
0x22: {  	[spmem:s6] =	stream.linear.scatter [tilespmem:s16], [sflag:$0x1], $0x80, $0x38;
	[tilespmem:$0x380] =	vst v63  }
0x23: {  	_ =	swait.ge [sflag:s17], $0x80  }
0x24: {  	[sflag:s17] =	ssyncset.done $0x0  }
0x25: {  	[sflag:s17] =	ssyncadd.s32 $0xFFFFFF80  }
0x26: {  	[spmem:s7] =	stream.linear.scatter [tilespmem:s16], [sflag:$0x1], $0x80, $0x38;
	[tilespmem:$0x380] =	vst v63  }
0x27: {  	_ =	swait.ge [sflag:s17], $0x80  }
0x28: {  	[sflag:s17] =	ssyncset.done $0x0  }
0x29: {  	[sflag:s17] =	ssyncadd.s32 $0xFFFFFF80  }
0x2a: {  	[spmem:s8] =	stream.linear.scatter [tilespmem:s16], [sflag:$0x1], $0x80, $0x38;
	[tilespmem:$0x380] =	vst v63  }
0x2b: {  	_ =	swait.ge [sflag:s17], $0x80  }
0x2c: {  	[sflag:s17] =	ssyncset.done $0x0  }
0x2d: {  	[sflag:s17] =	ssyncadd.s32 $0xFFFFFF80  }
0x2e: {  	[tilespmem:$0x80] =	vst v1  }
0x2f: {  	[tilespmem:$0x90] =	vst v1  }
0x30: {  	[tilespmem:$0xA0] =	vst v1  }
0x31: {  	[tilespmem:$0xB0] =	vst v1  }
0x32: {  	[tilespmem:$0xC0] =	vst v1  }
0x33: {  	[tilespmem:$0xD0] =	vst v1  }
0x34: {  	[tilespmem:$0xE0] =	vst v1  }
0x35: {  	[tilespmem:$0xF0] =	vst v1  }
0x36: {  	s19 =	sadd.s32 $0x0, s15;
	[bflag:$0x0] =	sbarrier.arrive $0xFFFF  }
0x37: {  	[tilespmem:s3], [sflag:$0x1] =	stream.linear.gather [hbm4b:s19+s3], $0x80, $0x38;
	[tilespmem:$0x380] =	vst v63  }
0x38: {  	_ =	swait.ge [sflag:s17], $0x80  }
0x39: {  	[sflag:s17] =	ssyncset.done $0x0  }
0x3a: {  	[sflag:s17] =	ssyncadd.s32 $0xFFFFFF80  }
0x3b: {  	[spmem:s2] =	stream.indirect.scatter.add.f32 [tilespmem:s16], [sflag:$0x1], $0x1, s3, s16, $0xb8;
	[tilespmem:$0x380] =	vst v63  }
0x3c: {  	_ =	swait.ge [sflag:s17], $0x80  }
0x3d: {  	s20 =	simm.s32 $0x20;
	s19 =	simm.s32 $0x10;
	[sflag:s17] =	ssyncset.done $0x0  }
.LBB2_2:
0x3e: {  	s21 =	sadd.s32 s19, s15  }
0x3f: {  	[sflag:s17] =	ssyncadd.s32 $0xFFFFFF80;
	s19 =	smov.u32 s20;
	s22 =	sadd.s32 $0x10, s20  }
0x40: {  	[tilespmem:s3], [sflag:$0x1] =	stream.linear.gather [hbm4b:s21+s3], $0x80, $0x38;
	[tilespmem:$0x380] =	vst v63  }
0x41: {  	p0 =	sne.s32 s20, $0x4F0;
	_ =	swait.ge [sflag:s17], $0x80  }
.Ltmp0:
0x42: {  	[sflag:s17] =	ssyncset.done $0x0;
	(pc) =	sbr.rel @p0 .LBB2_2-.Ltmp0, $4  }
0x43: {  	[sflag:s17] =	ssyncadd.s32 $0xFFFFFF80  }
0x44: {  	[spmem:s2] =	stream.indirect.scatter.add.f32 [tilespmem:s16], [sflag:$0x1], $0x1, s3, s16, $0xb8;
	[tilespmem:$0x380] =	vst v63  }
0x45: {  	_ =	swait.ge [sflag:s17], $0x80  }
0x46: {  	s20 =	smov.u32 s22;
	[sflag:s17] =	ssyncset.done $0x0  }
0x47: {  	s19 =	sadd.s32 s19, s15;
	[sflag:s17] =	ssyncadd.s32 $0xFFFFFF80  }
0x48: {  	[tilespmem:s3], [sflag:$0x1] =	stream.linear.gather [hbm4b:s19+s3], $0x80, $0x38;
	[tilespmem:$0x380] =	vst v63  }
0x49: {  	_ =	swait.ge [sflag:s17], $0x80  }
0x4a: {  	[sflag:s17] =	ssyncset.done $0x0  }
0x4b: {  	[sflag:s17] =	ssyncadd.s32 $0xFFFFFF80  }
0x4c: {  	[spmem:s2] =	stream.indirect.scatter.add.f32 [tilespmem:s16], [sflag:$0x1], $0x1, s3, s16, $0xb8;
	[tilespmem:$0x380] =	vst v63  }
0x4d: {  	_ =	swait.ge [sflag:s17], $0x80  }
0x4e: {  	[sflag:s17] =	ssyncset.done $0x0  }
0x4f: {  	[sflag:s17] =	ssyncadd.s32 $0xFFFFFF80  }
0x50: {  	[bflag:$0x0] =	sbarrier.arrive $0xFFFF  }
0x51: {  	[tilespmem:s16], [sflag:$0x1] =	stream.linear.gather [spmem:s4], $0x80, $0x38;
	[tilespmem:$0x380] =	vst v63  }
0x52: {  	_ =	swait.ge [sflag:s17], $0x80  }
0x53: {  	[sflag:s17] =	ssyncset.done $0x0  }
0x54: {  	[sflag:s17] =	ssyncadd.s32 $0xFFFFFF80  }
0x55: {  	[hbm4b:s10+s3] =	stream.linear.scatter [tilespmem:s16], [sflag:$0x1], $0x80, $0x38;
	[tilespmem:$0x380] =	vst v63  }
0x56: {  	_ =	swait.ge [sflag:s17], $0x80  }
0x57: {  	[sflag:s17] =	ssyncset.done $0x0  }
0x58: {  	[sflag:s17] =	ssyncadd.s32 $0xFFFFFF80  }
0x59: {  	[tilespmem:s16], [sflag:$0x1] =	stream.linear.gather [spmem:s5], $0x80, $0x38;
	[tilespmem:$0x380] =	vst v63  }
0x5a: {  	_ =	swait.ge [sflag:s17], $0x80  }
0x5b: {  	[sflag:s17] =	ssyncset.done $0x0  }
0x5c: {  	[sflag:s17] =	ssyncadd.s32 $0xFFFFFF80  }
0x5d: {  	[hbm4b:s11+s3] =	stream.linear.scatter [tilespmem:s16], [sflag:$0x1], $0x80, $0x38;
	[tilespmem:$0x380] =	vst v63  }
0x5e: {  	_ =	swait.ge [sflag:s17], $0x80  }
0x5f: {  	[sflag:s17] =	ssyncset.done $0x0  }
0x60: {  	[sflag:s17] =	ssyncadd.s32 $0xFFFFFF80  }
0x61: {  	[tilespmem:s16], [sflag:$0x1] =	stream.linear.gather [spmem:s6], $0x80, $0x38;
	[tilespmem:$0x380] =	vst v63  }
0x62: {  	_ =	swait.ge [sflag:s17], $0x80  }
0x63: {  	[sflag:s17] =	ssyncset.done $0x0  }
0x64: {  	[sflag:s17] =	ssyncadd.s32 $0xFFFFFF80  }
0x65: {  	[hbm4b:s12+s3] =	stream.linear.scatter [tilespmem:s16], [sflag:$0x1], $0x80, $0x38;
	[tilespmem:$0x380] =	vst v63  }
0x66: {  	_ =	swait.ge [sflag:s17], $0x80  }
0x67: {  	[sflag:s17] =	ssyncset.done $0x0  }
0x68: {  	[sflag:s17] =	ssyncadd.s32 $0xFFFFFF80  }
0x69: {  	[tilespmem:s16], [sflag:$0x1] =	stream.linear.gather [spmem:s7], $0x80, $0x38;
	[tilespmem:$0x380] =	vst v63  }
0x6a: {  	_ =	swait.ge [sflag:s17], $0x80  }
0x6b: {  	[sflag:s17] =	ssyncset.done $0x0  }
0x6c: {  	[sflag:s17] =	ssyncadd.s32 $0xFFFFFF80  }
0x6d: {  	[hbm4b:s13+s3] =	stream.linear.scatter [tilespmem:s16], [sflag:$0x1], $0x80, $0x38;
	[tilespmem:$0x380] =	vst v63  }
0x6e: {  	_ =	swait.ge [sflag:s17], $0x80  }
0x6f: {  	[sflag:s17] =	ssyncset.done $0x0  }
0x70: {  	[sflag:s17] =	ssyncadd.s32 $0xFFFFFF80  }
0x71: {  	[tilespmem:s16], [sflag:$0x1] =	stream.linear.gather [spmem:s8], $0x80, $0x38;
	[tilespmem:$0x380] =	vst v63  }
0x72: {  	s18 =	sadd.s32 $0x1, s18;
	_ =	swait.ge [sflag:s17], $0x80  }
0x73: {  	p0 =	sne.s32 s18, s9;
	[sflag:s17] =	ssyncset.done $0x0  }
.Ltmp1:
0x74: {  	[sflag:s17] =	ssyncadd.s32 $0xFFFFFF80;
	(pc) =	sbr.rel @p0 .LBB2_1-.Ltmp1, $4  }
0x75: {  	[hbm4b:s14+s3] =	stream.linear.scatter [tilespmem:s16], [sflag:$0x1], $0x80, $0x38;
	[tilespmem:$0x380] =	vst v63  }
0x76: {  	_ =	swait.ge [sflag:s17], $0x80  }
0x77: {  	[sflag:s17] =	ssyncset.done $0x0  }
0x78: {  	[sflag:s17] =	ssyncadd.s32 $0xFFFFFF80  }
0x79: {  	_ =	sfence.sel $0x180000  }
0x7a: {  	[bflag:$0x0] =	sbarrier.arrive $0xFFFF  }
0x7b: {  	p0 =	sne.s32 s1, $0x0;
	_ =	strace $0x90000047  }
0x7c: {  	s0 =	sadd.s32 @!p0 $0x100000, s0;
	[bflag:$0x2] =	sbarrier.arrive $0xFFFF  }
0x7d: {  	[sflag:s0] =	ssyncadd.tile.s32 @!p0 $0x1;
	_ =	shalt  }
.Lfunc_end2:
_tile_overlayer_lowered:
.L_overlay_start_2:
0x7e: {  	(tag) =	ssettag $0x2  }
0x7f: {  	s0 =	rddreg [dreg:$0x0];
	s2 =	stileid.u32  }
0x80: {  	s1 =	rddreg [dreg:$0x1];
	p0 =	sne.s32 s2, $0x0  }
0x81: {  	s3 =	rddreg [dreg:$0x2];
	[bflag:$0x3] =	sbarrier.arrive $0xFFFF;
	s2 =	simm.s32 @!p0 $0x1C01  }
0x82: {  	[timem:s3], [sflag:s2] =	dma.local @!p0 [hbm:s0], s1  }
0x83: {  	s0 =	simm.s32 @!p0 $0x1  }
0x84: {  	_ =	swait.ge @!p0 [sflag:s0], s1  }
0x85: {  	s1 =	ssub.s32 @!p0 $0x0, s1;
	[sflag:s0] =	ssyncset.done @!p0 $0x0  }
0x86: {  	[sflag:s0] =	ssyncadd.s32 @!p0 s1  }
0x87: {  	[bflag:$0x3] =	sbarrier.arrive $0xFFFF  }
0x88: {  	_ =	shalt  }

</sc_bundles>
